<compile_context>
chip_gen: v7x
topology: tpu7x:2x2x1
jax: 0.10.2.dev20260603
libtpu: 0.0.44.dev20260713+nightly
codegen_flags: <defaults>
</compile_context>

<pallas_src>
import functools
from functools import partial

import jax
import jax.numpy as jnp
from jax import lax
from jax.experimental import pallas as pl
from jax.experimental.pallas import tpu as pltpu
from jax.experimental.pallas import tpu_sc as plsc

N_DOCS = 50000
DOC_DIM = 512
DIM = 256
B = 512
TOPK = 5
KEEP = 4
NCAND = 8
BN = 2000
NB = N_DOCS // BN
NC, NS = 2, 16
NW = NC * NS

_BIG_I = 2**30


@functools.lru_cache(maxsize=None)
def _make_sc_gather(n_rows, d):
    bw = n_rows // NW
    mesh = plsc.VectorSubcoreMesh(
        core_axis_name="c", subcore_axis_name="s",
        num_cores=NC, num_subcores=NS)

    @partial(
        pl.kernel,
        out_type=jax.ShapeDtypeStruct((n_rows, d), jnp.float32),
        mesh=mesh,
        scratch_types=[
            pltpu.VMEM((bw,), jnp.int32),
            pltpu.VMEM((bw, d), jnp.float32),
            pltpu.SemaphoreType.DMA,
        ],
    )
    def gather(table_hbm, idx_hbm, out_hbm, idx_v, rows_v, sem):
        wid = lax.axis_index("s") * NC + lax.axis_index("c")
        base = wid * bw
        pltpu.sync_copy(idx_hbm.at[pl.ds(base, bw)], idx_v)
        pltpu.async_copy(table_hbm.at[idx_v], rows_v, sem).wait()
        pltpu.sync_copy(rows_v, out_hbm.at[pl.ds(base, bw)])

    return gather


_NG = BN // 8
_NH = 1
_UNROLL = 50
_HW = B // _NH


def _main_body(docs_ref, w_ref, targets_ref, tids_ref, ev_ref, q_ref,
               qs, s_scr, rv, ri):
    i = pl.program_id(0)
    w = w_ref[...]

    @pl.when(i == 0)
    def _init():
        q = jnp.dot(targets_ref[...], w, preferred_element_type=jnp.float32)
        qs[...] = -2.0 * q
        q_ref[...] = q
        rv[...] = jnp.full((8 * TOPK, B), jnp.inf, dtype=jnp.float32)
        ri[...] = jnp.zeros((8 * TOPK, B), dtype=jnp.int32)

    de = jnp.dot(docs_ref[...], w, preferred_element_type=jnp.float32)
    dn = jnp.sum(de * de, axis=1, keepdims=True)
    s2 = lax.dot_general(de, qs[...], (((1,), (1,)), ((), ())),
                         preferred_element_type=jnp.float32)
    s_scr[...] = dn + s2

    for h in range(_NH):
        lo = h * _HW
        sl = slice(lo, lo + _HW)
        base = lax.broadcasted_iota(jnp.int32, (8, _HW), 0)
        carry = tuple(rv[8*t:8*t+8, sl] for t in range(TOPK)) + \
                tuple(ri[8*t:8*t+8, sl] for t in range(TOPK))

        def body(g, c, base=base, sl=sl):
            vs, js = list(c[:TOPK]), list(c[TOPK:])
            off = pl.multiple_of(g * 8, 8)
            tv = s_scr[pl.ds(off, 8), sl]
            ti = base + (g * 8 + i * BN)
            nvs, njs = [], []
            for t in range(TOPK):
                swap = tv < vs[t]
                nvs.append(jnp.where(swap, tv, vs[t]))
                njs.append(jnp.where(swap, ti, js[t]))
                tv2 = jnp.where(swap, vs[t], tv)
                ti = jnp.where(swap, js[t], ti)
                tv = tv2
            return tuple(nvs) + tuple(njs)

        carry = lax.fori_loop(0, _NG, body, carry, unroll=_UNROLL)
        for t in range(TOPK):
            rv[8*t:8*t+8, sl] = carry[t]
            ri[8*t:8*t+8, sl] = carry[TOPK + t]

    @pl.when(i == NB - 1)
    def _finalize():
        allv = rv[...]
        alli = ri[...]
        ti5 = []
        for _ in range(TOPK):
            m = jnp.min(allv, axis=0, keepdims=True)
            idx = jnp.min(jnp.where(allv == m, alli, _BIG_I), axis=0,
                          keepdims=True)
            ti5.append(idx)
            allv = jnp.where(alli == idx, jnp.inf, allv)

        tid = tids_ref[0:1, :]
        match = [ti5[j] == tid for j in range(TOPK)]
        p = jnp.where(match[0], 0,
            jnp.where(match[1], 1,
            jnp.where(match[2], 2,
            jnp.where(match[3], 3, 4)))).astype(jnp.int32)
        rows = []
        for j in range(KEEP):
            rows.append(jnp.where(jnp.int32(j) < p, ti5[j], ti5[j + 1]))
        ev_ref[0:KEEP, :] = jnp.concatenate(rows, axis=0)
        ev_ref[KEEP:8, :] = jnp.zeros((8 - KEEP, B), dtype=jnp.int32)


def _loss_body(ev_ref, w_ref, q_ref, out_ref):
    e = jnp.dot(ev_ref[...], w_ref[...], preferred_element_type=jnp.float32)
    m = (e[0:B] + e[B:2*B] + e[2*B:3*B] + e[3*B:4*B]) * 0.25 - q_ref[...]
    out_ref[0, 0] = jnp.sum(m * m) / (B * DIM)


def kernel(target_ids, documents, W):
    tids = target_ids.astype(jnp.int32)
    targets = _make_sc_gather(B, DOC_DIM)(documents, tids)
    tids_b = jnp.broadcast_to(tids.reshape(1, B), (8, B))

    ev_ids8, q = pl.pallas_call(
        _main_body,
        grid=(NB,),
        in_specs=[
            pl.BlockSpec((BN, DOC_DIM), lambda i: (i, 0)),
            pl.BlockSpec((DOC_DIM, DIM), lambda i: (0, 0)),
            pl.BlockSpec((B, DOC_DIM), lambda i: (0, 0)),
            pl.BlockSpec((8, B), lambda i: (0, 0)),
        ],
        out_specs=[
            pl.BlockSpec((8, B), lambda i: (0, 0)),
            pl.BlockSpec((B, DIM), lambda i: (0, 0)),
        ],
        out_shape=[
            jax.ShapeDtypeStruct((8, B), jnp.int32),
            jax.ShapeDtypeStruct((B, DIM), jnp.float32),
        ],
        scratch_shapes=[
            pltpu.VMEM((B, DIM), jnp.float32),
            pltpu.VMEM((BN, B), jnp.float32),
            pltpu.VMEM((8 * TOPK, B), jnp.float32),
            pltpu.VMEM((8 * TOPK, B), jnp.int32),
        ],
    )(documents, W, targets, tids_b)

    eidx = ev_ids8[0:KEEP].reshape(KEEP * B)
    evidences = _make_sc_gather(KEEP * B, DOC_DIM)(documents, eidx)

    loss = pl.pallas_call(
        _loss_body,
        in_specs=[
            pl.BlockSpec((KEEP * B, DOC_DIM), lambda: (0, 0)),
            pl.BlockSpec((DOC_DIM, DIM), lambda: (0, 0)),
            pl.BlockSpec((B, DIM), lambda: (0, 0)),
        ],
        out_specs=pl.BlockSpec(memory_space=pltpu.SMEM),
        out_shape=jax.ShapeDtypeStruct((1, 1), jnp.float32),
    )(evidences, W, q)

    return loss[0, 0]

# --- scband reference (transcript-rebuilt; emitter-appended) ---
"""Pipeline reference for scband-training-wrapper-80444737454810 (READ-ONLY COPY).

The authoritative reference and input builder live on the scoring server;
editing this copy changes nothing except your own understanding.
"""

import jax, jax.numpy as jnp
import numpy as np

NUM_DOCS = 50000
DOC_DIM = 512
DIM = 256
BATCH = 512
NUM_EVIDENCE = 4


def setup_inputs(seed: int = 0) -> dict:
    key = jax.random.key(seed)
    k1, k2, k3 = jax.random.split(key, 3)
    # 'documents' corpus (raw doc features) and the embedder weight stand in for
    # self.documents and self.model.get_embeds (a linear encoder to model.dim).
    documents = jax.random.normal(k1, (NUM_DOCS, DOC_DIM), dtype=jnp.float32)
    W = jax.random.normal(k2, (DOC_DIM, DIM), dtype=jnp.float32) * (DOC_DIM ** -0.5)
    target_ids = jax.random.randint(k3, (BATCH,), 0, NUM_DOCS)
    return {"target_ids": target_ids, "documents": documents, "W": W}


def remove_target_from_evidence(evidence_ids, target_ids):
    b, n = evidence_ids.shape
    match_mask = evidence_ids == target_ids[:, None]
    rows_without_matches = (jnp.sum(match_mask, axis=-1) == 0)[:, None]
    remove_mask = jnp.concatenate(
        [jnp.zeros((b, n - 1), dtype=bool), rows_without_matches], axis=1)
    mask = match_mask | remove_mask
    # exactly one True per row -> stable argsort puts the n-1 kept columns first,
    # in original row-major order (equivalent to torch.masked_select + reshape)
    order = jnp.argsort(mask.astype(jnp.int32), axis=1)
    keep = order[:, : n - 1]
    return jnp.take_along_axis(evidence_ids, keep, axis=1)


def reference(target_ids, documents, W):
    # embed targets
    targets = documents[target_ids]                      # [B, doc_dim]
    target_embeds = targets @ W                          # [B, dim]
    # reindex(): embed full corpus under no_grad (faiss IndexFlatL2)
    doc_embeds = jax.lax.stop_gradient(documents @ W)    # [N, dim]
    # index.search on detached queries: brute-force L2, k = num_evidence + 1
    q = jax.lax.stop_gradient(target_embeds)
    d2 = (jnp.sum(q * q, axis=1, keepdims=True)
          - 2.0 * (q @ doc_embeds.T)
          + jnp.sum(doc_embeds * doc_embeds, axis=1)[None, :])  # [B, N]
    _, evidence_ids = jax.lax.top_k(-d2, NUM_EVIDENCE + 1)
    evidence_ids = remove_target_from_evidence(evidence_ids, target_ids)
    # gather evidence docs and compute model loss (linear embed + MSE reconstruction
    # stand-in for the opaque self.model(evidences, targets, target_embeds))
    evidences = documents[evidence_ids]                  # [B, k, doc_dim]
    evidence_embeds = evidences @ W                      # [B, k, dim]
    loss = jnp.mean((jnp.mean(evidence_embeds, axis=1) - target_embeds) ** 2)
    return loss

if __name__ == "__main__":
    import jax
    _d = setup_inputs()
    print(jax.jit(kernel)(*tuple(_d.values())))

</pallas_src>

<mosaic_0001>
#map = affine_map<(d0, d1) -> (0, 0)>
#map1 = affine_map<(d0, d1) -> (0)>
module attributes {stable_mosaic.version = 14 : i64} {
  func.func @gather(%arg0: i32, %arg1: i32, %arg2: memref<50000x512xf32, #tpu.memory_space<hbm>>, %arg3: memref<2048xi32, #tpu.memory_space<hbm>>, %arg4: memref<2048x512xf32, #tpu.memory_space<hbm>>, %arg5: memref<64xi32, #tpu.memory_space<vmem>>, %arg6: memref<64x512xf32, #tpu.memory_space<vmem>>, %arg7: memref<!tpu.dma_semaphore, #tpu.memory_space<semaphore_mem>>) attributes {dimension_semantics = [#tpu.dimension_semantics<core_parallel>, #tpu.dimension_semantics<subcore_parallel>], iteration_bounds = array<i64: 2, 16>, scalar_prefetch = 0 : i64, scratch_operands = 3 : i64, tpu.core_type = #tpu.core_type<sc_vector_subcore>, window_params = [{transform_indices = #map}, {transform_indices = #map1}, {transform_indices = #map}]} {
    %mul3A = arith.constant 2 : i32
    %mul3A_0 = arith.muli %arg1, %mul3A : i32
    %add3A = arith.addi %mul3A_0, %arg0 : i32
    %mul3A_1 = arith.constant 64 : i32
    %mul3A_2 = arith.muli %add3A, %mul3A_1 : i32
    "tpu.region"() ({
      %run_scoped3A = tpu.sem_alloc : memref<!tpu.dma_semaphore, #tpu.memory_space<semaphore_mem>>
      %dma_start3A_7 = tpu.memref_slice %arg3[%mul3A_2] : memref<2048xi32, #tpu.memory_space<hbm>> -> memref<64xi32, #tpu.memory_space<hbm>>
      %dma_start3A_8 = tpu.memref_slice %arg3[%mul3A_2] : memref<2048xi32, #tpu.memory_space<hbm>> -> memref<64xi32, #tpu.memory_space<hbm>>
      tpu.enqueue_dma source(%dma_start3A_8 : memref<64xi32, #tpu.memory_space<hbm>>) target(%arg5 : memref<64xi32, #tpu.memory_space<vmem>>) target_semaphore(%run_scoped3A : memref<!tpu.dma_semaphore, #tpu.memory_space<semaphore_mem>>)
      %dma_wait3A_9 = tpu.memref_slice %arg3[%mul3A_2] : memref<2048xi32, #tpu.memory_space<hbm>> -> memref<64xi32, #tpu.memory_space<hbm>>
      %dma_wait3A_10 = tpu.memref_slice %arg3[%mul3A_2] : memref<2048xi32, #tpu.memory_space<hbm>> -> memref<64xi32, #tpu.memory_space<hbm>>
      tpu.wait_dma2 semaphore(%run_scoped3A : memref<!tpu.dma_semaphore, #tpu.memory_space<semaphore_mem>>) src(%dma_wait3A_10 : memref<64xi32, #tpu.memory_space<hbm>>) dst(%arg5 : memref<64xi32, #tpu.memory_space<vmem>>)
      tpu.yield
    }) : () -> ()
    %dma_start3A = arith.constant 0 : i32
    %dma_start3A_3 = arith.constant 0 : i32
    %dma_start3A_4 = tpu.memref_slice %arg2[%dma_start3A, %dma_start3A_3] : memref<50000x512xf32, #tpu.memory_space<hbm>> -> memref<50000x512xf32, #tpu.memory_space<hbm>>
    tpu.enqueue_indirect_dma source(%dma_start3A_4 : memref<50000x512xf32, #tpu.memory_space<hbm>>) target(%arg6 : memref<64x512xf32, #tpu.memory_space<vmem>>) offsets(%arg5 : memref<64xi32, #tpu.memory_space<vmem>>) semaphore(%arg7 : memref<!tpu.dma_semaphore, #tpu.memory_space<semaphore_mem>>)
    %dma_wait3A = arith.constant 0 : i32
    %dma_wait3A_5 = arith.constant 0 : i32
    %dma_wait3A_6 = tpu.memref_slice %arg2[%dma_wait3A, %dma_wait3A_5] : memref<50000x512xf32, #tpu.memory_space<hbm>> -> memref<50000x512xf32, #tpu.memory_space<hbm>>
    tpu.wait_indirect_dma semaphore(%arg7 : memref<!tpu.dma_semaphore, #tpu.memory_space<semaphore_mem>>) src(%dma_wait3A_6 : memref<50000x512xf32, #tpu.memory_space<hbm>>) dst(%arg6 : memref<64x512xf32, #tpu.memory_space<vmem>>)
    "tpu.region"() ({
      %run_scoped3A = tpu.sem_alloc : memref<!tpu.dma_semaphore, #tpu.memory_space<semaphore_mem>>
      %dma_start3A_7 = arith.constant 0 : i32
      %dma_start3A_8 = tpu.memref_slice %arg4[%mul3A_2, %dma_start3A_7] : memref<2048x512xf32, #tpu.memory_space<hbm>> -> memref<64x512xf32, #tpu.memory_space<hbm>>
      %dma_start3A_9 = arith.constant 0 : i32
      %dma_start3A_10 = tpu.memref_slice %arg4[%mul3A_2, %dma_start3A_9] : memref<2048x512xf32, #tpu.memory_space<hbm>> -> memref<64x512xf32, #tpu.memory_space<hbm>>
      tpu.enqueue_dma source(%arg6 : memref<64x512xf32, #tpu.memory_space<vmem>>) target(%dma_start3A_10 : memref<64x512xf32, #tpu.memory_space<hbm>>) target_semaphore(%run_scoped3A : memref<!tpu.dma_semaphore, #tpu.memory_space<semaphore_mem>>)
      %dma_wait3A_11 = arith.constant 0 : i32
      %dma_wait3A_12 = tpu.memref_slice %arg4[%mul3A_2, %dma_wait3A_11] : memref<2048x512xf32, #tpu.memory_space<hbm>> -> memref<64x512xf32, #tpu.memory_space<hbm>>
      %dma_wait3A_13 = arith.constant 0 : i32
      %dma_wait3A_14 = tpu.memref_slice %arg4[%mul3A_2, %dma_wait3A_13] : memref<2048x512xf32, #tpu.memory_space<hbm>> -> memref<64x512xf32, #tpu.memory_space<hbm>>
      tpu.wait_dma2 semaphore(%run_scoped3A : memref<!tpu.dma_semaphore, #tpu.memory_space<semaphore_mem>>) src(%arg6 : memref<64x512xf32, #tpu.memory_space<vmem>>) dst(%dma_wait3A_14 : memref<64x512xf32, #tpu.memory_space<hbm>>)
      tpu.yield
    }) : () -> ()
    return
  }
}

#map = affine_map<(d0, d1) -> (0, 0)>
#map1 = affine_map<(d0, d1) -> (0)>
module attributes {stable_mosaic.version = 14 : i64} {
  func.func @gather(%arg0: i32, %arg1: i32, %arg2: memref<50000x512xf32, #tpu.memory_space<hbm>>, %arg3: memref<512xi32, #tpu.memory_space<hbm>>, %arg4: memref<512x512xf32, #tpu.memory_space<hbm>>, %arg5: memref<16xi32, #tpu.memory_space<vmem>>, %arg6: memref<16x512xf32, #tpu.memory_space<vmem>>, %arg7: memref<!tpu.dma_semaphore, #tpu.memory_space<semaphore_mem>>) attributes {dimension_semantics = [#tpu.dimension_semantics<core_parallel>, #tpu.dimension_semantics<subcore_parallel>], iteration_bounds = array<i64: 2, 16>, scalar_prefetch = 0 : i64, scratch_operands = 3 : i64, tpu.core_type = #tpu.core_type<sc_vector_subcore>, window_params = [{transform_indices = #map}, {transform_indices = #map1}, {transform_indices = #map}]} {
    %mul3A = arith.constant 2 : i32
    %mul3A_0 = arith.muli %arg1, %mul3A : i32
    %add3A = arith.addi %mul3A_0, %arg0 : i32
    %mul3A_1 = arith.constant 16 : i32
    %mul3A_2 = arith.muli %add3A, %mul3A_1 : i32
    "tpu.region"() ({
      %run_scoped3A = tpu.sem_alloc : memref<!tpu.dma_semaphore, #tpu.memory_space<semaphore_mem>>
      %dma_start3A_7 = tpu.memref_slice %arg3[%mul3A_2] : memref<512xi32, #tpu.memory_space<hbm>> -> memref<16xi32, #tpu.memory_space<hbm>>
      %dma_start3A_8 = tpu.memref_slice %arg3[%mul3A_2] : memref<512xi32, #tpu.memory_space<hbm>> -> memref<16xi32, #tpu.memory_space<hbm>>
      tpu.enqueue_dma source(%dma_start3A_8 : memref<16xi32, #tpu.memory_space<hbm>>) target(%arg5 : memref<16xi32, #tpu.memory_space<vmem>>) target_semaphore(%run_scoped3A : memref<!tpu.dma_semaphore, #tpu.memory_space<semaphore_mem>>)
      %dma_wait3A_9 = tpu.memref_slice %arg3[%mul3A_2] : memref<512xi32, #tpu.memory_space<hbm>> -> memref<16xi32, #tpu.memory_space<hbm>>
      %dma_wait3A_10 = tpu.memref_slice %arg3[%mul3A_2] : memref<512xi32, #tpu.memory_space<hbm>> -> memref<16xi32, #tpu.memory_space<hbm>>
      tpu.wait_dma2 semaphore(%run_scoped3A : memref<!tpu.dma_semaphore, #tpu.memory_space<semaphore_mem>>) src(%dma_wait3A_10 : memref<16xi32, #tpu.memory_space<hbm>>) dst(%arg5 : memref<16xi32, #tpu.memory_space<vmem>>)
      tpu.yield
    }) : () -> ()
    %dma_start3A = arith.constant 0 : i32
    %dma_start3A_3 = arith.constant 0 : i32
    %dma_start3A_4 = tpu.memref_slice %arg2[%dma_start3A, %dma_start3A_3] : memref<50000x512xf32, #tpu.memory_space<hbm>> -> memref<50000x512xf32, #tpu.memory_space<hbm>>
    tpu.enqueue_indirect_dma source(%dma_start3A_4 : memref<50000x512xf32, #tpu.memory_space<hbm>>) target(%arg6 : memref<16x512xf32, #tpu.memory_space<vmem>>) offsets(%arg5 : memref<16xi32, #tpu.memory_space<vmem>>) semaphore(%arg7 : memref<!tpu.dma_semaphore, #tpu.memory_space<semaphore_mem>>)
    %dma_wait3A = arith.constant 0 : i32
    %dma_wait3A_5 = arith.constant 0 : i32
    %dma_wait3A_6 = tpu.memref_slice %arg2[%dma_wait3A, %dma_wait3A_5] : memref<50000x512xf32, #tpu.memory_space<hbm>> -> memref<50000x512xf32, #tpu.memory_space<hbm>>
    tpu.wait_indirect_dma semaphore(%arg7 : memref<!tpu.dma_semaphore, #tpu.memory_space<semaphore_mem>>) src(%dma_wait3A_6 : memref<50000x512xf32, #tpu.memory_space<hbm>>) dst(%arg6 : memref<16x512xf32, #tpu.memory_space<vmem>>)
    "tpu.region"() ({
      %run_scoped3A = tpu.sem_alloc : memref<!tpu.dma_semaphore, #tpu.memory_space<semaphore_mem>>
      %dma_start3A_7 = arith.constant 0 : i32
      %dma_start3A_8 = tpu.memref_slice %arg4[%mul3A_2, %dma_start3A_7] : memref<512x512xf32, #tpu.memory_space<hbm>> -> memref<16x512xf32, #tpu.memory_space<hbm>>
      %dma_start3A_9 = arith.constant 0 : i32
      %dma_start3A_10 = tpu.memref_slice %arg4[%mul3A_2, %dma_start3A_9] : memref<512x512xf32, #tpu.memory_space<hbm>> -> memref<16x512xf32, #tpu.memory_space<hbm>>
      tpu.enqueue_dma source(%arg6 : memref<16x512xf32, #tpu.memory_space<vmem>>) target(%dma_start3A_10 : memref<16x512xf32, #tpu.memory_space<hbm>>) target_semaphore(%run_scoped3A : memref<!tpu.dma_semaphore, #tpu.memory_space<semaphore_mem>>)
      %dma_wait3A_11 = arith.constant 0 : i32
      %dma_wait3A_12 = tpu.memref_slice %arg4[%mul3A_2, %dma_wait3A_11] : memref<512x512xf32, #tpu.memory_space<hbm>> -> memref<16x512xf32, #tpu.memory_space<hbm>>
      %dma_wait3A_13 = arith.constant 0 : i32
      %dma_wait3A_14 = tpu.memref_slice %arg4[%mul3A_2, %dma_wait3A_13] : memref<512x512xf32, #tpu.memory_space<hbm>> -> memref<16x512xf32, #tpu.memory_space<hbm>>
      tpu.wait_dma2 semaphore(%run_scoped3A : memref<!tpu.dma_semaphore, #tpu.memory_space<semaphore_mem>>) src(%arg6 : memref<16x512xf32, #tpu.memory_space<vmem>>) dst(%dma_wait3A_14 : memref<16x512xf32, #tpu.memory_space<hbm>>)
      tpu.yield
    }) : () -> ()
    return
  }
}

module attributes {stable_mosaic.version = 14 : i64} {
  func.func @_loss_body(%arg0: memref<2048x512xf32, #tpu.memory_space<vmem>>, %arg1: memref<512x256xf32, #tpu.memory_space<vmem>>, %arg2: memref<512x256xf32, #tpu.memory_space<vmem>>, %arg3: memref<1x1xf32, #tpu.memory_space<smem>>) attributes {dimension_semantics = [], scalar_prefetch = 0 : i64, scratch_operands = 0 : i64, tpu.core_type = #tpu.core_type<tc>} {
    %get3A = arith.constant 0 : index
    %get3A_0 = arith.constant 0 : index
    %get3A_1 = vector.load %arg0[%get3A, %get3A_0] : memref<2048x512xf32, #tpu.memory_space<vmem>>, vector<2048x512xf32>
    %get3A_2 = arith.constant 0 : index
    %get3A_3 = arith.constant 0 : index
    %get3A_4 = vector.load %arg1[%get3A_2, %get3A_3] : memref<512x256xf32, #tpu.memory_space<vmem>>, vector<512x256xf32>
    %dot_general3A = arith.constant dense<0.000000e+00> : vector<2048x256xf32>
    %dot_general3A_5 = tpu.matmul %get3A_1, %get3A_4, %dot_general3A {dimension_numbers = #tpu.dot_dimension_numbers<[1], [0], [0], [1], [0, 0, 1, 1], [], []>, transpose_lhs_hint = false} : vector<2048x512xf32>, vector<512x256xf32>, vector<2048x256xf32> -> vector<2048x256xf32>
    %slice3A = vector.extract_strided_slice %dot_general3A_5 {offsets = [0, 0], sizes = [512, 256], strides = [1, 1]} : vector<2048x256xf32> to vector<512x256xf32>
    %slice3A_6 = vector.extract_strided_slice %dot_general3A_5 {offsets = [512, 0], sizes = [512, 256], strides = [1, 1]} : vector<2048x256xf32> to vector<512x256xf32>
    %add3A = arith.addf %slice3A, %slice3A_6 : vector<512x256xf32>
    %slice3A_7 = vector.extract_strided_slice %dot_general3A_5 {offsets = [1024, 0], sizes = [512, 256], strides = [1, 1]} : vector<2048x256xf32> to vector<512x256xf32>
    %add3A_8 = arith.addf %add3A, %slice3A_7 : vector<512x256xf32>
    %slice3A_9 = vector.extract_strided_slice %dot_general3A_5 {offsets = [1536, 0], sizes = [512, 256], strides = [1, 1]} : vector<2048x256xf32> to vector<512x256xf32>
    %add3A_10 = arith.addf %add3A_8, %slice3A_9 : vector<512x256xf32>
    %mul3A = arith.constant 2.500000e-01 : f32
    %mul3A_11 = vector.broadcast %mul3A : f32 to vector<512x256xf32>
    %mul3A_12 = arith.mulf %add3A_10, %mul3A_11 : vector<512x256xf32>
    %get3A_13 = arith.constant 0 : index
    %get3A_14 = arith.constant 0 : index
    %get3A_15 = vector.load %arg2[%get3A_13, %get3A_14] : memref<512x256xf32, #tpu.memory_space<vmem>>, vector<512x256xf32>
    %sub3A = arith.subf %mul3A_12, %get3A_15 : vector<512x256xf32>
    %mul3A_16 = arith.mulf %sub3A, %sub3A : vector<512x256xf32>
    %reduce_sum3A = vector.shape_cast %mul3A_16 : vector<512x256xf32> to vector<1x512x256xf32>
    %reduce_sum3A_17 = arith.constant dense<0.000000e+00> : vector<1xf32>
    %reduce_sum3A_18 = vector.multi_reduction <add>, %reduce_sum3A, %reduce_sum3A_17 [1, 2] : vector<1x512x256xf32> to vector<1xf32>
    %reduce_sum3A_19 = vector.shape_cast %reduce_sum3A_18 : vector<1xf32> to vector<1x1x1xf32>
    %reduce_sum3A_20 = vector.extract %reduce_sum3A_19[0, 0, 0] : f32 from vector<1x1x1xf32>
    %div3A = arith.constant 1.310720e+05 : f32
    %div3A_21 = arith.divf %reduce_sum3A_20, %div3A : f32
    %swap3A = arith.constant 0 : index
    %swap3A_22 = arith.constant 0 : index
    %swap3A_23 = memref.load %arg3[%swap3A, %swap3A_22] : memref<1x1xf32, #tpu.memory_space<smem>>
    memref.store %div3A_21, %arg3[%swap3A, %swap3A_22] : memref<1x1xf32, #tpu.memory_space<smem>>
    return
  }
}

module attributes {stable_mosaic.version = 14 : i64} {
  func.func @_main_body(%arg0: i32, %arg1: memref<2000x512xf32, #tpu.memory_space<vmem>>, %arg2: memref<512x256xf32, #tpu.memory_space<vmem>>, %arg3: memref<512x512xf32, #tpu.memory_space<vmem>>, %arg4: memref<8x512xi32, #tpu.memory_space<vmem>>, %arg5: memref<8x512xi32, #tpu.memory_space<vmem>>, %arg6: memref<512x256xf32, #tpu.memory_space<vmem>>, %arg7: memref<512x256xf32, #tpu.memory_space<vmem>>, %arg8: memref<2000x512xf32, #tpu.memory_space<vmem>>, %arg9: memref<40x512xf32, #tpu.memory_space<vmem>>, %arg10: memref<40x512xi32, #tpu.memory_space<vmem>>) attributes {dimension_semantics = [#tpu.dimension_semantics<arbitrary>], iteration_bounds = array<i64: 25>, scalar_prefetch = 0 : i64, scratch_operands = 4 : i64, tpu.core_type = #tpu.core_type<tc>, window_params = [{transform_indices = @transform_0, window_bounds = array<i64: 2000, 512>}, {pipeline_mode = #tpu.pipeline_mode<synchronous>, transform_indices = @transform_1, window_bounds = array<i64: 512, 256>}, {pipeline_mode = #tpu.pipeline_mode<synchronous>, transform_indices = @transform_2, window_bounds = array<i64: 512, 512>}, {pipeline_mode = #tpu.pipeline_mode<synchronous>, transform_indices = @transform_3, window_bounds = array<i64: 8, 512>}, {pipeline_mode = #tpu.pipeline_mode<synchronous>, transform_indices = @transform_4, window_bounds = array<i64: 8, 512>}, {pipeline_mode = #tpu.pipeline_mode<synchronous>, transform_indices = @transform_5, window_bounds = array<i64: 512, 256>}]} {
    %get3A = arith.constant 0 : index
    %get3A_0 = arith.constant 0 : index
    %get3A_1 = vector.load %arg2[%get3A, %get3A_0] : memref<512x256xf32, #tpu.memory_space<vmem>>, vector<512x256xf32>
    %eq3A = arith.constant 0 : i32
    %eq3A_2 = arith.cmpi eq, %arg0, %eq3A : i32
    %convert_element_type3A = arith.extui %eq3A_2 : i1 to i32
    %cond3A = arith.constant 0 : i32
    %cond3A_3 = arith.cmpi ne, %convert_element_type3A, %cond3A : i32
    scf.if %cond3A_3 {
      %get3A_87 = arith.constant 0 : index
      %get3A_88 = arith.constant 0 : index
      %get3A_89 = vector.load %arg3[%get3A_87, %get3A_88] : memref<512x512xf32, #tpu.memory_space<vmem>>, vector<512x512xf32>
      %dot_general3A_90 = arith.constant dense<0.000000e+00> : vector<512x256xf32>
      %dot_general3A_91 = tpu.matmul %get3A_89, %get3A_1, %dot_general3A_90 {dimension_numbers = #tpu.dot_dimension_numbers<[1], [0], [0], [1], [0, 0, 1, 1], [], []>, transpose_lhs_hint = false} : vector<512x512xf32>, vector<512x256xf32>, vector<512x256xf32> -> vector<512x256xf32>
      %mul3A_92 = arith.constant -2.000000e+00 : f32
      %mul3A_93 = vector.broadcast %mul3A_92 : f32 to vector<512x256xf32>
      %mul3A_94 = arith.mulf %mul3A_93, %dot_general3A_91 : vector<512x256xf32>
      %swap3A_95 = arith.constant 0 : index
      %swap3A_96 = arith.constant 0 : index
      %swap3A_97 = vector.load %arg7[%swap3A_95, %swap3A_96] : memref<512x256xf32, #tpu.memory_space<vmem>>, vector<512x256xf32>
      tpu.vector_store %arg7[%swap3A_95, %swap3A_96], %mul3A_94 {strides = array<i32>} : memref<512x256xf32, #tpu.memory_space<vmem>>, vector<512x256xf32>,
      %swap3A_98 = arith.constant 0 : index
      %swap3A_99 = arith.constant 0 : index
      %swap3A_100 = vector.load %arg6[%swap3A_98, %swap3A_99] : memref<512x256xf32, #tpu.memory_space<vmem>>, vector<512x256xf32>
      tpu.vector_store %arg6[%swap3A_98, %swap3A_99], %dot_general3A_91 {strides = array<i32>} : memref<512x256xf32, #tpu.memory_space<vmem>>, vector<512x256xf32>,
      %broadcast_in_dim3A_101 = arith.constant 0x7F800000 : f32
      %broadcast_in_dim3A_102 = vector.broadcast %broadcast_in_dim3A_101 : f32 to vector<40x512xf32>
      %swap3A_103 = arith.constant 0 : index
      %swap3A_104 = arith.constant 0 : index
      %swap3A_105 = vector.load %arg9[%swap3A_103, %swap3A_104] : memref<40x512xf32, #tpu.memory_space<vmem>>, vector<40x512xf32>
      tpu.vector_store %arg9[%swap3A_103, %swap3A_104], %broadcast_in_dim3A_102 {strides = array<i32>} : memref<40x512xf32, #tpu.memory_space<vmem>>, vector<40x512xf32>,
      %broadcast_in_dim3A_106 = arith.constant 0 : i32
      %broadcast_in_dim3A_107 = vector.broadcast %broadcast_in_dim3A_106 : i32 to vector<40x512xi32>
      %swap3A_108 = arith.constant 0 : index
      %swap3A_109 = arith.constant 0 : index
      %swap3A_110 = vector.load %arg10[%swap3A_108, %swap3A_109] : memref<40x512xi32, #tpu.memory_space<vmem>>, vector<40x512xi32>
      tpu.vector_store %arg10[%swap3A_108, %swap3A_109], %broadcast_in_dim3A_107 {strides = array<i32>} : memref<40x512xi32, #tpu.memory_space<vmem>>, vector<40x512xi32>,
    } else {
    }
    %get3A_4 = arith.constant 0 : index
    %get3A_5 = arith.constant 0 : index
    %get3A_6 = vector.load %arg1[%get3A_4, %get3A_5] : memref<2000x512xf32, #tpu.memory_space<vmem>>, vector<2000x512xf32>
    %dot_general3A = arith.constant dense<0.000000e+00> : vector<2000x256xf32>
    %dot_general3A_7 = tpu.matmul %get3A_6, %get3A_1, %dot_general3A {dimension_numbers = #tpu.dot_dimension_numbers<[1], [0], [0], [1], [0, 0, 1, 1], [], []>, transpose_lhs_hint = false} : vector<2000x512xf32>, vector<512x256xf32>, vector<2000x256xf32> -> vector<2000x256xf32>
    %mul3A = arith.mulf %dot_general3A_7, %dot_general3A_7 : vector<2000x256xf32>
    %reduce_sum3A = arith.constant dense<0.000000e+00> : vector<2000xf32>
    %reduce_sum3A_8 = vector.multi_reduction <add>, %mul3A, %reduce_sum3A [1] : vector<2000x256xf32> to vector<2000xf32>
    %broadcast_in_dim3A = vector.shape_cast %reduce_sum3A_8 : vector<2000xf32> to vector<2000x1xf32>
    %get3A_9 = arith.constant 0 : index
    %get3A_10 = arith.constant 0 : index
    %get3A_11 = vector.load %arg7[%get3A_9, %get3A_10] : memref<512x256xf32, #tpu.memory_space<vmem>>, vector<512x256xf32>
    %dot_general3A_12 = arith.constant dense<0.000000e+00> : vector<2000x512xf32>
    %dot_general3A_13 = tpu.matmul %dot_general3A_7, %get3A_11, %dot_general3A_12 {dimension_numbers = #tpu.dot_dimension_numbers<[1], [1], [0], [0], [0, 0, 1, 0], [], []>, transpose_lhs_hint = false} : vector<2000x256xf32>, vector<512x256xf32>, vector<2000x512xf32> -> vector<2000x512xf32>
    %add3A = vector.broadcast %broadcast_in_dim3A : vector<2000x1xf32> to vector<2000x512xf32>
    %add3A_14 = arith.addf %add3A, %dot_general3A_13 : vector<2000x512xf32>
    %swap3A = arith.constant 0 : index
    %swap3A_15 = arith.constant 0 : index
    %swap3A_16 = vector.load %arg8[%swap3A, %swap3A_15] : memref<2000x512xf32, #tpu.memory_space<vmem>>, vector<2000x512xf32>
    tpu.vector_store %arg8[%swap3A, %swap3A_15], %add3A_14 {strides = array<i32>} : memref<2000x512xf32, #tpu.memory_space<vmem>>, vector<2000x512xf32>,
    %iota3A = tpu.iota {dimensions = array<i32: 0>} : vector<8x512xi32>
    %get3A_17 = arith.constant 0 : index
    %get3A_18 = arith.constant 0 : index
    %get3A_19 = vector.load %arg9[%get3A_17, %get3A_18] : memref<40x512xf32, #tpu.memory_space<vmem>>, vector<8x512xf32>
    %get3A_20 = arith.constant 8 : index
    %get3A_21 = arith.constant 0 : index
    %get3A_22 = vector.load %arg9[%get3A_20, %get3A_21] : memref<40x512xf32, #tpu.memory_space<vmem>>, vector<8x512xf32>
    %get3A_23 = arith.constant 16 : index
    %get3A_24 = arith.constant 0 : index
    %get3A_25 = vector.load %arg9[%get3A_23, %get3A_24] : memref<40x512xf32, #tpu.memory_space<vmem>>, vector<8x512xf32>
    %get3A_26 = arith.constant 24 : index
    %get3A_27 = arith.constant 0 : index
    %get3A_28 = vector.load %arg9[%get3A_26, %get3A_27] : memref<40x512xf32, #tpu.memory_space<vmem>>, vector<8x512xf32>
    %get3A_29 = arith.constant 32 : index
    %get3A_30 = arith.constant 0 : index
    %get3A_31 = vector.load %arg9[%get3A_29, %get3A_30] : memref<40x512xf32, #tpu.memory_space<vmem>>, vector<8x512xf32>
    %get3A_32 = arith.constant 0 : index
    %get3A_33 = arith.constant 0 : index
    %get3A_34 = vector.load %arg10[%get3A_32, %get3A_33] : memref<40x512xi32, #tpu.memory_space<vmem>>, vector<8x512xi32>
    %get3A_35 = arith.constant 8 : index
    %get3A_36 = arith.constant 0 : index
    %get3A_37 = vector.load %arg10[%get3A_35, %get3A_36] : memref<40x512xi32, #tpu.memory_space<vmem>>, vector<8x512xi32>
    %get3A_38 = arith.constant 16 : index
    %get3A_39 = arith.constant 0 : index
    %get3A_40 = vector.load %arg10[%get3A_38, %get3A_39] : memref<40x512xi32, #tpu.memory_space<vmem>>, vector<8x512xi32>
    %get3A_41 = arith.constant 24 : index
    %get3A_42 = arith.constant 0 : index
    %get3A_43 = vector.load %arg10[%get3A_41, %get3A_42] : memref<40x512xi32, #tpu.memory_space<vmem>>, vector<8x512xi32>
    %get3A_44 = arith.constant 32 : index
    %get3A_45 = arith.constant 0 : index
    %get3A_46 = vector.load %arg10[%get3A_44, %get3A_45] : memref<40x512xi32, #tpu.memory_space<vmem>>, vector<8x512xi32>
    %scan3A = arith.constant 0 : i32
    %scan3A_47 = arith.constant 250 : i32
    %scan3A_48 = arith.addi %scan3A, %scan3A_47 : i32
    %scan3A_49 = arith.constant 50 : i32
    %scan3A_50:10 = scf.for %scan3A_87 = %scan3A to %scan3A_48 step %scan3A_49 iter_args(%scan3A_88 = %get3A_19, %scan3A_89 = %get3A_22, %scan3A_90 = %get3A_25, %scan3A_91 = %get3A_28, %scan3A_92 = %get3A_31, %scan3A_93 = %get3A_34, %scan3A_94 = %get3A_37, %scan3A_95 = %get3A_40, %scan3A_96 = %get3A_43, %scan3A_97 = %get3A_46) -> (vector<8x512xf32>, vector<8x512xf32>, vector<8x512xf32>, vector<8x512xf32>, vector<8x512xf32>, vector<8x512xi32>, vector<8x512xi32>, vector<8x512xi32>, vector<8x512xi32>, vector<8x512xi32>)  : i32 {
      %mul3A_98 = arith.constant 8 : i32
      %mul3A_99 = arith.muli %scan3A_87, %mul3A_98 : i32
      %multiple_of3A = tpu.assume_multiple %mul3A_99, 8 : i32
      %get3A_100 = arith.index_cast %multiple_of3A : i32 to index
      %get3A_101 = arith.constant 0 : index
      %get3A_102 = vector.load %arg8[%get3A_100, %get3A_101] : memref<2000x512xf32, #tpu.memory_space<vmem>>, vector<8x512xf32>
      %mul3A_103 = arith.constant 8 : i32
      %mul3A_104 = arith.muli %scan3A_87, %mul3A_103 : i32
      %mul3A_105 = arith.constant 2000 : i32
      %mul3A_106 = arith.muli %arg0, %mul3A_105 : i32
      %add3A_107 = arith.addi %mul3A_104, %mul3A_106 : i32
      %add3A_108 = vector.broadcast %add3A_107 : i32 to vector<8x512xi32>
      %add3A_109 = arith.addi %iota3A, %add3A_108 : vector<8x512xi32>
      %lt3A = arith.cmpf olt, %get3A_102, %scan3A_88 : vector<8x512xf32>
      %select_n3A = arith.select %lt3A, %get3A_102, %scan3A_88 : vector<8x512xi1>, vector<8x512xf32>
      %select_n3A_110 = arith.select %lt3A, %add3A_109, %scan3A_93 : vector<8x512xi1>, vector<8x512xi32>
      %select_n3A_111 = arith.select %lt3A, %scan3A_88, %get3A_102 : vector<8x512xi1>, vector<8x512xf32>
      %select_n3A_112 = arith.select %lt3A, %scan3A_93, %add3A_109 : vector<8x512xi1>, vector<8x512xi32>
      %lt3A_113 = arith.cmpf olt, %select_n3A_111, %scan3A_89 : vector<8x512xf32>
      %select_n3A_114 = arith.select %lt3A_113, %select_n3A_111, %scan3A_89 : vector<8x512xi1>, vector<8x512xf32>
      %select_n3A_115 = arith.select %lt3A_113, %select_n3A_112, %scan3A_94 : vector<8x512xi1>, vector<8x512xi32>
      %select_n3A_116 = arith.select %lt3A_113, %scan3A_89, %select_n3A_111 : vector<8x512xi1>, vector<8x512xf32>
      %select_n3A_117 = arith.select %lt3A_113, %scan3A_94, %select_n3A_112 : vector<8x512xi1>, vector<8x512xi32>
      %lt3A_118 = arith.cmpf olt, %select_n3A_116, %scan3A_90 : vector<8x512xf32>
      %select_n3A_119 = arith.select %lt3A_118, %select_n3A_116, %scan3A_90 : vector<8x512xi1>, vector<8x512xf32>
      %select_n3A_120 = arith.select %lt3A_118, %select_n3A_117, %scan3A_95 : vector<8x512xi1>, vector<8x512xi32>
      %select_n3A_121 = arith.select %lt3A_118, %scan3A_90, %select_n3A_116 : vector<8x512xi1>, vector<8x512xf32>
      %select_n3A_122 = arith.select %lt3A_118, %scan3A_95, %select_n3A_117 : vector<8x512xi1>, vector<8x512xi32>
      %lt3A_123 = arith.cmpf olt, %select_n3A_121, %scan3A_91 : vector<8x512xf32>
      %select_n3A_124 = arith.select %lt3A_123, %select_n3A_121, %scan3A_91 : vector<8x512xi1>, vector<8x512xf32>
      %select_n3A_125 = arith.select %lt3A_123, %select_n3A_122, %scan3A_96 : vector<8x512xi1>, vector<8x512xi32>
      %select_n3A_126 = arith.select %lt3A_123, %scan3A_91, %select_n3A_121 : vector<8x512xi1>, vector<8x512xf32>
      %select_n3A_127 = arith.select %lt3A_123, %scan3A_96, %select_n3A_122 : vector<8x512xi1>, vector<8x512xi32>
      %lt3A_128 = arith.cmpf olt, %select_n3A_126, %scan3A_92 : vector<8x512xf32>
      %select_n3A_129 = arith.select %lt3A_128, %select_n3A_126, %scan3A_92 : vector<8x512xi1>, vector<8x512xf32>
      %select_n3A_130 = arith.select %lt3A_128, %select_n3A_127, %scan3A_97 : vector<8x512xi1>, vector<8x512xi32>
      %scan3A_131 = arith.constant 1 : i32
      %scan3A_132 = arith.addi %scan3A_87, %scan3A_131 : i32
      %mul3A_133 = arith.constant 8 : i32
      %mul3A_134 = arith.muli %scan3A_132, %mul3A_133 : i32
      %multiple_of3A_135 = tpu.assume_multiple %mul3A_134, 8 : i32
      %get3A_136 = arith.index_cast %multiple_of3A_135 : i32 to index
      %get3A_137 = arith.constant 0 : index
      %get3A_138 = vector.load %arg8[%get3A_136, %get3A_137] : memref<2000x512xf32, #tpu.memory_space<vmem>>, vector<8x512xf32>
      %mul3A_139 = arith.constant 8 : i32
      %mul3A_140 = arith.muli %scan3A_132, %mul3A_139 : i32
      %mul3A_141 = arith.constant 2000 : i32
      %mul3A_142 = arith.muli %arg0, %mul3A_141 : i32
      %add3A_143 = arith.addi %mul3A_140, %mul3A_142 : i32
      %add3A_144 = vector.broadcast %add3A_143 : i32 to vector<8x512xi32>
      %add3A_145 = arith.addi %iota3A, %add3A_144 : vector<8x512xi32>
      %lt3A_146 = arith.cmpf olt, %get3A_138, %select_n3A : vector<8x512xf32>
      %select_n3A_147 = arith.select %lt3A_146, %get3A_138, %select_n3A : vector<8x512xi1>, vector<8x512xf32>
      %select_n3A_148 = arith.select %lt3A_146, %add3A_145, %select_n3A_110 : vector<8x512xi1>, vector<8x512xi32>
      %select_n3A_149 = arith.select %lt3A_146, %select_n3A, %get3A_138 : vector<8x512xi1>, vector<8x512xf32>
      %select_n3A_150 = arith.select %lt3A_146, %select_n3A_110, %add3A_145 : vector<8x512xi1>, vector<8x512xi32>
      %lt3A_151 = arith.cmpf olt, %select_n3A_149, %select_n3A_114 : vector<8x512xf32>
      %select_n3A_152 = arith.select %lt3A_151, %select_n3A_149, %select_n3A_114 : vector<8x512xi1>, vector<8x512xf32>
      %select_n3A_153 = arith.select %lt3A_151, %select_n3A_150, %select_n3A_115 : vector<8x512xi1>, vector<8x512xi32>
      %select_n3A_154 = arith.select %lt3A_151, %select_n3A_114, %select_n3A_149 : vector<8x512xi1>, vector<8x512xf32>
      %select_n3A_155 = arith.select %lt3A_151, %select_n3A_115, %select_n3A_150 : vector<8x512xi1>, vector<8x512xi32>
      %lt3A_156 = arith.cmpf olt, %select_n3A_154, %select_n3A_119 : vector<8x512xf32>
      %select_n3A_157 = arith.select %lt3A_156, %select_n3A_154, %select_n3A_119 : vector<8x512xi1>, vector<8x512xf32>
      %select_n3A_158 = arith.select %lt3A_156, %select_n3A_155, %select_n3A_120 : vector<8x512xi1>, vector<8x512xi32>
      %select_n3A_159 = arith.select %lt3A_156, %select_n3A_119, %select_n3A_154 : vector<8x512xi1>, vector<8x512xf32>
      %select_n3A_160 = arith.select %lt3A_156, %select_n3A_120, %select_n3A_155 : vector<8x512xi1>, vector<8x512xi32>
      %lt3A_161 = arith.cmpf olt, %select_n3A_159, %select_n3A_124 : vector<8x512xf32>
      %select_n3A_162 = arith.select %lt3A_161, %select_n3A_159, %select_n3A_124 : vector<8x512xi1>, vector<8x512xf32>
      %select_n3A_163 = arith.select %lt3A_161, %select_n3A_160, %select_n3A_125 : vector<8x512xi1>, vector<8x512xi32>
      %select_n3A_164 = arith.select %lt3A_161, %select_n3A_124, %select_n3A_159 : vector<8x512xi1>, vector<8x512xf32>
      %select_n3A_165 = arith.select %lt3A_161, %select_n3A_125, %select_n3A_160 : vector<8x512xi1>, vector<8x512xi32>
      %lt3A_166 = arith.cmpf olt, %select_n3A_164, %select_n3A_129 : vector<8x512xf32>
      %select_n3A_167 = arith.select %lt3A_166, %select_n3A_164, %select_n3A_129 : vector<8x512xi1>, vector<8x512xf32>
      %select_n3A_168 = arith.select %lt3A_166, %select_n3A_165, %select_n3A_130 : vector<8x512xi1>, vector<8x512xi32>
      %scan3A_169 = arith.constant 2 : i32
      %scan3A_170 = arith.addi %scan3A_87, %scan3A_169 : i32
      %mul3A_171 = arith.constant 8 : i32
      %mul3A_172 = arith.muli %scan3A_170, %mul3A_171 : i32
      %multiple_of3A_173 = tpu.assume_multiple %mul3A_172, 8 : i32
      %get3A_174 = arith.index_cast %multiple_of3A_173 : i32 to index
      %get3A_175 = arith.constant 0 : index
      %get3A_176 = vector.load %arg8[%get3A_174, %get3A_175] : memref<2000x512xf32, #tpu.memory_space<vmem>>, vector<8x512xf32>
      %mul3A_177 = arith.constant 8 : i32
      %mul3A_178 = arith.muli %scan3A_170, %mul3A_177 : i32
      %mul3A_179 = arith.constant 2000 : i32
      %mul3A_180 = arith.muli %arg0, %mul3A_179 : i32
      %add3A_181 = arith.addi %mul3A_178, %mul3A_180 : i32
      %add3A_182 = vector.broadcast %add3A_181 : i32 to vector<8x512xi32>
      %add3A_183 = arith.addi %iota3A, %add3A_182 : vector<8x512xi32>
      %lt3A_184 = arith.cmpf olt, %get3A_176, %select_n3A_147 : vector<8x512xf32>
      %select_n3A_185 = arith.select %lt3A_184, %get3A_176, %select_n3A_147 : vector<8x512xi1>, vector<8x512xf32>
      %select_n3A_186 = arith.select %lt3A_184, %add3A_183, %select_n3A_148 : vector<8x512xi1>, vector<8x512xi32>
      %select_n3A_187 = arith.select %lt3A_184, %select_n3A_147, %get3A_176 : vector<8x512xi1>, vector<8x512xf32>
      %select_n3A_188 = arith.select %lt3A_184, %select_n3A_148, %add3A_183 : vector<8x512xi1>, vector<8x512xi32>
      %lt3A_189 = arith.cmpf olt, %select_n3A_187, %select_n3A_152 : vector<8x512xf32>
      %select_n3A_190 = arith.select %lt3A_189, %select_n3A_187, %select_n3A_152 : vector<8x512xi1>, vector<8x512xf32>
      %select_n3A_191 = arith.select %lt3A_189, %select_n3A_188, %select_n3A_153 : vector<8x512xi1>, vector<8x512xi32>
      %select_n3A_192 = arith.select %lt3A_189, %select_n3A_152, %select_n3A_187 : vector<8x512xi1>, vector<8x512xf32>
      %select_n3A_193 = arith.select %lt3A_189, %select_n3A_153, %select_n3A_188 : vector<8x512xi1>, vector<8x512xi32>
      %lt3A_194 = arith.cmpf olt, %select_n3A_192, %select_n3A_157 : vector<8x512xf32>
      %select_n3A_195 = arith.select %lt3A_194, %select_n3A_192, %select_n3A_157 : vector<8x512xi1>, vector<8x512xf32>
      %select_n3A_196 = arith.select %lt3A_194, %select_n3A_193, %select_n3A_158 : vector<8x512xi1>, vector<8x512xi32>
      %select_n3A_197 = arith.select %lt3A_194, %select_n3A_157, %select_n3A_192 : vector<8x512xi1>, vector<8x512xf32>
      %select_n3A_198 = arith.select %lt3A_194, %select_n3A_158, %select_n3A_193 : vector<8x512xi1>, vector<8x512xi32>
      %lt3A_199 = arith.cmpf olt, %select_n3A_197, %select_n3A_162 : vector<8x512xf32>
      %select_n3A_200 = arith.select %lt3A_199, %select_n3A_197, %select_n3A_162 : vector<8x512xi1>, vector<8x512xf32>
      %select_n3A_201 = arith.select %lt3A_199, %select_n3A_198, %select_n3A_163 : vector<8x512xi1>, vector<8x512xi32>
      %select_n3A_202 = arith.select %lt3A_199, %select_n3A_162, %select_n3A_197 : vector<8x512xi1>, vector<8x512xf32>
      %select_n3A_203 = arith.select %lt3A_199, %select_n3A_163, %select_n3A_198 : vector<8x512xi1>, vector<8x512xi32>
      %lt3A_204 = arith.cmpf olt, %select_n3A_202, %select_n3A_167 : vector<8x512xf32>
      %select_n3A_205 = arith.select %lt3A_204, %select_n3A_202, %select_n3A_167 : vector<8x512xi1>, vector<8x512xf32>
      %select_n3A_206 = arith.select %lt3A_204, %select_n3A_203, %select_n3A_168 : vector<8x512xi1>, vector<8x512xi32>
      %scan3A_207 = arith.constant 3 : i32
      %scan3A_208 = arith.addi %scan3A_87, %scan3A_207 : i32
      %mul3A_209 = arith.constant 8 : i32
      %mul3A_210 = arith.muli %scan3A_208, %mul3A_209 : i32
      %multiple_of3A_211 = tpu.assume_multiple %mul3A_210, 8 : i32
      %get3A_212 = arith.index_cast %multiple_of3A_211 : i32 to index
      %get3A_213 = arith.constant 0 : index
      %get3A_214 = vector.load %arg8[%get3A_212, %get3A_213] : memref<2000x512xf32, #tpu.memory_space<vmem>>, vector<8x512xf32>
      %mul3A_215 = arith.constant 8 : i32
      %mul3A_216 = arith.muli %scan3A_208, %mul3A_215 : i32
      %mul3A_217 = arith.constant 2000 : i32
      %mul3A_218 = arith.muli %arg0, %mul3A_217 : i32
      %add3A_219 = arith.addi %mul3A_216, %mul3A_218 : i32
      %add3A_220 = vector.broadcast %add3A_219 : i32 to vector<8x512xi32>
      %add3A_221 = arith.addi %iota3A, %add3A_220 : vector<8x512xi32>
      %lt3A_222 = arith.cmpf olt, %get3A_214, %select_n3A_185 : vector<8x512xf32>
      %select_n3A_223 = arith.select %lt3A_222, %get3A_214, %select_n3A_185 : vector<8x512xi1>, vector<8x512xf32>
      %select_n3A_224 = arith.select %lt3A_222, %add3A_221, %select_n3A_186 : vector<8x512xi1>, vector<8x512xi32>
      %select_n3A_225 = arith.select %lt3A_222, %select_n3A_185, %get3A_214 : vector<8x512xi1>, vector<8x512xf32>
      %select_n3A_226 = arith.select %lt3A_222, %select_n3A_186, %add3A_221 : vector<8x512xi1>, vector<8x512xi32>
      %lt3A_227 = arith.cmpf olt, %select_n3A_225, %select_n3A_190 : vector<8x512xf32>
      %select_n3A_228 = arith.select %lt3A_227, %select_n3A_225, %select_n3A_190 : vector<8x512xi1>, vector<8x512xf32>
      %select_n3A_229 = arith.select %lt3A_227, %select_n3A_226, %select_n3A_191 : vector<8x512xi1>, vector<8x512xi32>
      %select_n3A_230 = arith.select %lt3A_227, %select_n3A_190, %select_n3A_225 : vector<8x512xi1>, vector<8x512xf32>
      %select_n3A_231 = arith.select %lt3A_227, %select_n3A_191, %select_n3A_226 : vector<8x512xi1>, vector<8x512xi32>
      %lt3A_232 = arith.cmpf olt, %select_n3A_230, %select_n3A_195 : vector<8x512xf32>
      %select_n3A_233 = arith.select %lt3A_232, %select_n3A_230, %select_n3A_195 : vector<8x512xi1>, vector<8x512xf32>
      %select_n3A_234 = arith.select %lt3A_232, %select_n3A_231, %select_n3A_196 : vector<8x512xi1>, vector<8x512xi32>
      %select_n3A_235 = arith.select %lt3A_232, %select_n3A_195, %select_n3A_230 : vector<8x512xi1>, vector<8x512xf32>
      %select_n3A_236 = arith.select %lt3A_232, %select_n3A_196, %select_n3A_231 : vector<8x512xi1>, vector<8x512xi32>
      %lt3A_237 = arith.cmpf olt, %select_n3A_235, %select_n3A_200 : vector<8x512xf32>
      %select_n3A_238 = arith.select %lt3A_237, %select_n3A_235, %select_n3A_200 : vector<8x512xi1>, vector<8x512xf32>
      %select_n3A_239 = arith.select %lt3A_237, %select_n3A_236, %select_n3A_201 : vector<8x512xi1>, vector<8x512xi32>
      %select_n3A_240 = arith.select %lt3A_237, %select_n3A_200, %select_n3A_235 : vector<8x512xi1>, vector<8x512xf32>
      %select_n3A_241 = arith.select %lt3A_237, %select_n3A_201, %select_n3A_236 : vector<8x512xi1>, vector<8x512xi32>
      %lt3A_242 = arith.cmpf olt, %select_n3A_240, %select_n3A_205 : vector<8x512xf32>
      %select_n3A_243 = arith.select %lt3A_242, %select_n3A_240, %select_n3A_205 : vector<8x512xi1>, vector<8x512xf32>
      %select_n3A_244 = arith.select %lt3A_242, %select_n3A_241, %select_n3A_206 : vector<8x512xi1>, vector<8x512xi32>
      %scan3A_245 = arith.constant 4 : i32
      %scan3A_246 = arith.addi %scan3A_87, %scan3A_245 : i32
      %mul3A_247 = arith.constant 8 : i32
      %mul3A_248 = arith.muli %scan3A_246, %mul3A_247 : i32
      %multiple_of3A_249 = tpu.assume_multiple %mul3A_248, 8 : i32
      %get3A_250 = arith.index_cast %multiple_of3A_249 : i32 to index
      %get3A_251 = arith.constant 0 : index
      %get3A_252 = vector.load %arg8[%get3A_250, %get3A_251] : memref<2000x512xf32, #tpu.memory_space<vmem>>, vector<8x512xf32>
      %mul3A_253 = arith.constant 8 : i32
      %mul3A_254 = arith.muli %scan3A_246, %mul3A_253 : i32
      %mul3A_255 = arith.constant 2000 : i32
      %mul3A_256 = arith.muli %arg0, %mul3A_255 : i32
      %add3A_257 = arith.addi %mul3A_254, %mul3A_256 : i32
      %add3A_258 = vector.broadcast %add3A_257 : i32 to vector<8x512xi32>
      %add3A_259 = arith.addi %iota3A, %add3A_258 : vector<8x512xi32>
      %lt3A_260 = arith.cmpf olt, %get3A_252, %select_n3A_223 : vector<8x512xf32>
      %select_n3A_261 = arith.select %lt3A_260, %get3A_252, %select_n3A_223 : vector<8x512xi1>, vector<8x512xf32>
      %select_n3A_262 = arith.select %lt3A_260, %add3A_259, %select_n3A_224 : vector<8x512xi1>, vector<8x512xi32>
      %select_n3A_263 = arith.select %lt3A_260, %select_n3A_223, %get3A_252 : vector<8x512xi1>, vector<8x512xf32>
      %select_n3A_264 = arith.select %lt3A_260, %select_n3A_224, %add3A_259 : vector<8x512xi1>, vector<8x512xi32>
      %lt3A_265 = arith.cmpf olt, %select_n3A_263, %select_n3A_228 : vector<8x512xf32>
      %select_n3A_266 = arith.select %lt3A_265, %select_n3A_263, %select_n3A_228 : vector<8x512xi1>, vector<8x512xf32>
      %select_n3A_267 = arith.select %lt3A_265, %select_n3A_264, %select_n3A_229 : vector<8x512xi1>, vector<8x512xi32>
      %select_n3A_268 = arith.select %lt3A_265, %select_n3A_228, %select_n3A_263 : vector<8x512xi1>, vector<8x512xf32>
      %select_n3A_269 = arith.select %lt3A_265, %select_n3A_229, %select_n3A_264 : vector<8x512xi1>, vector<8x512xi32>
      %lt3A_270 = arith.cmpf olt, %select_n3A_268, %select_n3A_233 : vector<8x512xf32>
      %select_n3A_271 = arith.select %lt3A_270, %select_n3A_268, %select_n3A_233 : vector<8x512xi1>, vector<8x512xf32>
      %select_n3A_272 = arith.select %lt3A_270, %select_n3A_269, %select_n3A_234 : vector<8x512xi1>, vector<8x512xi32>
      %select_n3A_273 = arith.select %lt3A_270, %select_n3A_233, %select_n3A_268 : vector<8x512xi1>, vector<8x512xf32>
      %select_n3A_274 = arith.select %lt3A_270, %select_n3A_234, %select_n3A_269 : vector<8x512xi1>, vector<8x512xi32>
      %lt3A_275 = arith.cmpf olt, %select_n3A_273, %select_n3A_238 : vector<8x512xf32>
      %select_n3A_276 = arith.select %lt3A_275, %select_n3A_273, %select_n3A_238 : vector<8x512xi1>, vector<8x512xf32>
      %select_n3A_277 = arith.select %lt3A_275, %select_n3A_274, %select_n3A_239 : vector<8x512xi1>, vector<8x512xi32>
      %select_n3A_278 = arith.select %lt3A_275, %select_n3A_238, %select_n3A_273 : vector<8x512xi1>, vector<8x512xf32>
      %select_n3A_279 = arith.select %lt3A_275, %select_n3A_239, %select_n3A_274 : vector<8x512xi1>, vector<8x512xi32>
      %lt3A_280 = arith.cmpf olt, %select_n3A_278, %select_n3A_243 : vector<8x512xf32>
      %select_n3A_281 = arith.select %lt3A_280, %select_n3A_278, %select_n3A_243 : vector<8x512xi1>, vector<8x512xf32>
      %select_n3A_282 = arith.select %lt3A_280, %select_n3A_279, %select_n3A_244 : vector<8x512xi1>, vector<8x512xi32>
      %scan3A_283 = arith.constant 5 : i32
      %scan3A_284 = arith.addi %scan3A_87, %scan3A_283 : i32
      %mul3A_285 = arith.constant 8 : i32
      %mul3A_286 = arith.muli %scan3A_284, %mul3A_285 : i32
      %multiple_of3A_287 = tpu.assume_multiple %mul3A_286, 8 : i32
      %get3A_288 = arith.index_cast %multiple_of3A_287 : i32 to index
      %get3A_289 = arith.constant 0 : index
      %get3A_290 = vector.load %arg8[%get3A_288, %get3A_289] : memref<2000x512xf32, #tpu.memory_space<vmem>>, vector<8x512xf32>
      %mul3A_291 = arith.constant 8 : i32
      %mul3A_292 = arith.muli %scan3A_284, %mul3A_291 : i32
      %mul3A_293 = arith.constant 2000 : i32
      %mul3A_294 = arith.muli %arg0, %mul3A_293 : i32
      %add3A_295 = arith.addi %mul3A_292, %mul3A_294 : i32
      %add3A_296 = vector.broadcast %add3A_295 : i32 to vector<8x512xi32>
      %add3A_297 = arith.addi %iota3A, %add3A_296 : vector<8x512xi32>
      %lt3A_298 = arith.cmpf olt, %get3A_290, %select_n3A_261 : vector<8x512xf32>
      %select_n3A_299 = arith.select %lt3A_298, %get3A_290, %select_n3A_261 : vector<8x512xi1>, vector<8x512xf32>
      %select_n3A_300 = arith.select %lt3A_298, %add3A_297, %select_n3A_262 : vector<8x512xi1>, vector<8x512xi32>
      %select_n3A_301 = arith.select %lt3A_298, %select_n3A_261, %get3A_290 : vector<8x512xi1>, vector<8x512xf32>
      %select_n3A_302 = arith.select %lt3A_298, %select_n3A_262, %add3A_297 : vector<8x512xi1>, vector<8x512xi32>
      %lt3A_303 = arith.cmpf olt, %select_n3A_301, %select_n3A_266 : vector<8x512xf32>
      %select_n3A_304 = arith.select %lt3A_303, %select_n3A_301, %select_n3A_266 : vector<8x512xi1>, vector<8x512xf32>
      %select_n3A_305 = arith.select %lt3A_303, %select_n3A_302, %select_n3A_267 : vector<8x512xi1>, vector<8x512xi32>
      %select_n3A_306 = arith.select %lt3A_303, %select_n3A_266, %select_n3A_301 : vector<8x512xi1>, vector<8x512xf32>
      %select_n3A_307 = arith.select %lt3A_303, %select_n3A_267, %select_n3A_302 : vector<8x512xi1>, vector<8x512xi32>
      %lt3A_308 = arith.cmpf olt, %select_n3A_306, %select_n3A_271 : vector<8x512xf32>
      %select_n3A_309 = arith.select %lt3A_308, %select_n3A_306, %select_n3A_271 : vector<8x512xi1>, vector<8x512xf32>
      %select_n3A_310 = arith.select %lt3A_308, %select_n3A_307, %select_n3A_272 : vector<8x512xi1>, vector<8x512xi32>
      %select_n3A_311 = arith.select %lt3A_308, %select_n3A_271, %select_n3A_306 : vector<8x512xi1>, vector<8x512xf32>
      %select_n3A_312 = arith.select %lt3A_308, %select_n3A_272, %select_n3A_307 : vector<8x512xi1>, vector<8x512xi32>
      %lt3A_313 = arith.cmpf olt, %select_n3A_311, %select_n3A_276 : vector<8x512xf32>
      %select_n3A_314 = arith.select %lt3A_313, %select_n3A_311, %select_n3A_276 : vector<8x512xi1>, vector<8x512xf32>
      %select_n3A_315 = arith.select %lt3A_313, %select_n3A_312, %select_n3A_277 : vector<8x512xi1>, vector<8x512xi32>
      %select_n3A_316 = arith.select %lt3A_313, %select_n3A_276, %select_n3A_311 : vector<8x512xi1>, vector<8x512xf32>
      %select_n3A_317 = arith.select %lt3A_313, %select_n3A_277, %select_n3A_312 : vector<8x512xi1>, vector<8x512xi32>
      %lt3A_318 = arith.cmpf olt, %select_n3A_316, %select_n3A_281 : vector<8x512xf32>
      %select_n3A_319 = arith.select %lt3A_318, %select_n3A_316, %select_n3A_281 : vector<8x512xi1>, vector<8x512xf32>
      %select_n3A_320 = arith.select %lt3A_318, %select_n3A_317, %select_n3A_282 : vector<8x512xi1>, vector<8x512xi32>
      %scan3A_321 = arith.constant 6 : i32
      %scan3A_322 = arith.addi %scan3A_87, %scan3A_321 : i32
      %mul3A_323 = arith.constant 8 : i32
      %mul3A_324 = arith.muli %scan3A_322, %mul3A_323 : i32
      %multiple_of3A_325 = tpu.assume_multiple %mul3A_324, 8 : i32
      %get3A_326 = arith.index_cast %multiple_of3A_325 : i32 to index
      %get3A_327 = arith.constant 0 : index
      %get3A_328 = vector.load %arg8[%get3A_326, %get3A_327] : memref<2000x512xf32, #tpu.memory_space<vmem>>, vector<8x512xf32>
      %mul3A_329 = arith.constant 8 : i32
      %mul3A_330 = arith.muli %scan3A_322, %mul3A_329 : i32
      %mul3A_331 = arith.constant 2000 : i32
      %mul3A_332 = arith.muli %arg0, %mul3A_331 : i32
      %add3A_333 = arith.addi %mul3A_330, %mul3A_332 : i32
      %add3A_334 = vector.broadcast %add3A_333 : i32 to vector<8x512xi32>
      %add3A_335 = arith.addi %iota3A, %add3A_334 : vector<8x512xi32>
      %lt3A_336 = arith.cmpf olt, %get3A_328, %select_n3A_299 : vector<8x512xf32>
      %select_n3A_337 = arith.select %lt3A_336, %get3A_328, %select_n3A_299 : vector<8x512xi1>, vector<8x512xf32>
      %select_n3A_338 = arith.select %lt3A_336, %add3A_335, %select_n3A_300 : vector<8x512xi1>, vector<8x512xi32>
      %select_n3A_339 = arith.select %lt3A_336, %select_n3A_299, %get3A_328 : vector<8x512xi1>, vector<8x512xf32>
      %select_n3A_340 = arith.select %lt3A_336, %select_n3A_300, %add3A_335 : vector<8x512xi1>, vector<8x512xi32>
      %lt3A_341 = arith.cmpf olt, %select_n3A_339, %select_n3A_304 : vector<8x512xf32>
      %select_n3A_342 = arith.select %lt3A_341, %select_n3A_339, %select_n3A_304 : vector<8x512xi1>, vector<8x512xf32>
      %select_n3A_343 = arith.select %lt3A_341, %select_n3A_340, %select_n3A_305 : vector<8x512xi1>, vector<8x512xi32>
      %select_n3A_344 = arith.select %lt3A_341, %select_n3A_304, %select_n3A_339 : vector<8x512xi1>, vector<8x512xf32>
      %select_n3A_345 = arith.select %lt3A_341, %select_n3A_305, %select_n3A_340 : vector<8x512xi1>, vector<8x512xi32>
      %lt3A_346 = arith.cmpf olt, %select_n3A_344, %select_n3A_309 : vector<8x512xf32>
      %select_n3A_347 = arith.select %lt3A_346, %select_n3A_344, %select_n3A_309 : vector<8x512xi1>, vector<8x512xf32>
      %select_n3A_348 = arith.select %lt3A_346, %select_n3A_345, %select_n3A_310 : vector<8x512xi1>, vector<8x512xi32>
      %select_n3A_349 = arith.select %lt3A_346, %select_n3A_309, %select_n3A_344 : vector<8x512xi1>, vector<8x512xf32>
      %select_n3A_350 = arith.select %lt3A_346, %select_n3A_310, %select_n3A_345 : vector<8x512xi1>, vector<8x512xi32>
      %lt3A_351 = arith.cmpf olt, %select_n3A_349, %select_n3A_314 : vector<8x512xf32>
      %select_n3A_352 = arith.select %lt3A_351, %select_n3A_349, %select_n3A_314 : vector<8x512xi1>, vector<8x512xf32>
      %select_n3A_353 = arith.select %lt3A_351, %select_n3A_350, %select_n3A_315 : vector<8x512xi1>, vector<8x512xi32>
      %select_n3A_354 = arith.select %lt3A_351, %select_n3A_314, %select_n3A_349 : vector<8x512xi1>, vector<8x512xf32>
      %select_n3A_355 = arith.select %lt3A_351, %select_n3A_315, %select_n3A_350 : vector<8x512xi1>, vector<8x512xi32>
      %lt3A_356 = arith.cmpf olt, %select_n3A_354, %select_n3A_319 : vector<8x512xf32>
      %select_n3A_357 = arith.select %lt3A_356, %select_n3A_354, %select_n3A_319 : vector<8x512xi1>, vector<8x512xf32>
      %select_n3A_358 = arith.select %lt3A_356, %select_n3A_355, %select_n3A_320 : vector<8x512xi1>, vector<8x512xi32>
      %scan3A_359 = arith.constant 7 : i32
      %scan3A_360 = arith.addi %scan3A_87, %scan3A_359 : i32
      %mul3A_361 = arith.constant 8 : i32
      %mul3A_362 = arith.muli %scan3A_360, %mul3A_361 : i32
      %multiple_of3A_363 = tpu.assume_multiple %mul3A_362, 8 : i32
      %get3A_364 = arith.index_cast %multiple_of3A_363 : i32 to index
      %get3A_365 = arith.constant 0 : index
      %get3A_366 = vector.load %arg8[%get3A_364, %get3A_365] : memref<2000x512xf32, #tpu.memory_space<vmem>>, vector<8x512xf32>
      %mul3A_367 = arith.constant 8 : i32
      %mul3A_368 = arith.muli %scan3A_360, %mul3A_367 : i32
      %mul3A_369 = arith.constant 2000 : i32
      %mul3A_370 = arith.muli %arg0, %mul3A_369 : i32
      %add3A_371 = arith.addi %mul3A_368, %mul3A_370 : i32
      %add3A_372 = vector.broadcast %add3A_371 : i32 to vector<8x512xi32>
      %add3A_373 = arith.addi %iota3A, %add3A_372 : vector<8x512xi32>
      %lt3A_374 = arith.cmpf olt, %get3A_366, %select_n3A_337 : vector<8x512xf32>
      %select_n3A_375 = arith.select %lt3A_374, %get3A_366, %select_n3A_337 : vector<8x512xi1>, vector<8x512xf32>
      %select_n3A_376 = arith.select %lt3A_374, %add3A_373, %select_n3A_338 : vector<8x512xi1>, vector<8x512xi32>
      %select_n3A_377 = arith.select %lt3A_374, %select_n3A_337, %get3A_366 : vector<8x512xi1>, vector<8x512xf32>
      %select_n3A_378 = arith.select %lt3A_374, %select_n3A_338, %add3A_373 : vector<8x512xi1>, vector<8x512xi32>
      %lt3A_379 = arith.cmpf olt, %select_n3A_377, %select_n3A_342 : vector<8x512xf32>
      %select_n3A_380 = arith.select %lt3A_379, %select_n3A_377, %select_n3A_342 : vector<8x512xi1>, vector<8x512xf32>
      %select_n3A_381 = arith.select %lt3A_379, %select_n3A_378, %select_n3A_343 : vector<8x512xi1>, vector<8x512xi32>
      %select_n3A_382 = arith.select %lt3A_379, %select_n3A_342, %select_n3A_377 : vector<8x512xi1>, vector<8x512xf32>
      %select_n3A_383 = arith.select %lt3A_379, %select_n3A_343, %select_n3A_378 : vector<8x512xi1>, vector<8x512xi32>
      %lt3A_384 = arith.cmpf olt, %select_n3A_382, %select_n3A_347 : vector<8x512xf32>
      %select_n3A_385 = arith.select %lt3A_384, %select_n3A_382, %select_n3A_347 : vector<8x512xi1>, vector<8x512xf32>
      %select_n3A_386 = arith.select %lt3A_384, %select_n3A_383, %select_n3A_348 : vector<8x512xi1>, vector<8x512xi32>
      %select_n3A_387 = arith.select %lt3A_384, %select_n3A_347, %select_n3A_382 : vector<8x512xi1>, vector<8x512xf32>
      %select_n3A_388 = arith.select %lt3A_384, %select_n3A_348, %select_n3A_383 : vector<8x512xi1>, vector<8x512xi32>
      %lt3A_389 = arith.cmpf olt, %select_n3A_387, %select_n3A_352 : vector<8x512xf32>
      %select_n3A_390 = arith.select %lt3A_389, %select_n3A_387, %select_n3A_352 : vector<8x512xi1>, vector<8x512xf32>
      %select_n3A_391 = arith.select %lt3A_389, %select_n3A_388, %select_n3A_353 : vector<8x512xi1>, vector<8x512xi32>
      %select_n3A_392 = arith.select %lt3A_389, %select_n3A_352, %select_n3A_387 : vector<8x512xi1>, vector<8x512xf32>
      %select_n3A_393 = arith.select %lt3A_389, %select_n3A_353, %select_n3A_388 : vector<8x512xi1>, vector<8x512xi32>
      %lt3A_394 = arith.cmpf olt, %select_n3A_392, %select_n3A_357 : vector<8x512xf32>
      %select_n3A_395 = arith.select %lt3A_394, %select_n3A_392, %select_n3A_357 : vector<8x512xi1>, vector<8x512xf32>
      %select_n3A_396 = arith.select %lt3A_394, %select_n3A_393, %select_n3A_358 : vector<8x512xi1>, vector<8x512xi32>
      %scan3A_397 = arith.constant 8 : i32
      %scan3A_398 = arith.addi %scan3A_87, %scan3A_397 : i32
      %mul3A_399 = arith.constant 8 : i32
      %mul3A_400 = arith.muli %scan3A_398, %mul3A_399 : i32
      %multiple_of3A_401 = tpu.assume_multiple %mul3A_400, 8 : i32
      %get3A_402 = arith.index_cast %multiple_of3A_401 : i32 to index
      %get3A_403 = arith.constant 0 : index
      %get3A_404 = vector.load %arg8[%get3A_402, %get3A_403] : memref<2000x512xf32, #tpu.memory_space<vmem>>, vector<8x512xf32>
      %mul3A_405 = arith.constant 8 : i32
      %mul3A_406 = arith.muli %scan3A_398, %mul3A_405 : i32
      %mul3A_407 = arith.constant 2000 : i32
      %mul3A_408 = arith.muli %arg0, %mul3A_407 : i32
      %add3A_409 = arith.addi %mul3A_406, %mul3A_408 : i32
      %add3A_410 = vector.broadcast %add3A_409 : i32 to vector<8x512xi32>
      %add3A_411 = arith.addi %iota3A, %add3A_410 : vector<8x512xi32>
      %lt3A_412 = arith.cmpf olt, %get3A_404, %select_n3A_375 : vector<8x512xf32>
      %select_n3A_413 = arith.select %lt3A_412, %get3A_404, %select_n3A_375 : vector<8x512xi1>, vector<8x512xf32>
      %select_n3A_414 = arith.select %lt3A_412, %add3A_411, %select_n3A_376 : vector<8x512xi1>, vector<8x512xi32>
      %select_n3A_415 = arith.select %lt3A_412, %select_n3A_375, %get3A_404 : vector<8x512xi1>, vector<8x512xf32>
      %select_n3A_416 = arith.select %lt3A_412, %select_n3A_376, %add3A_411 : vector<8x512xi1>, vector<8x512xi32>
      %lt3A_417 = arith.cmpf olt, %select_n3A_415, %select_n3A_380 : vector<8x512xf32>
      %select_n3A_418 = arith.select %lt3A_417, %select_n3A_415, %select_n3A_380 : vector<8x512xi1>, vector<8x512xf32>
      %select_n3A_419 = arith.select %lt3A_417, %select_n3A_416, %select_n3A_381 : vector<8x512xi1>, vector<8x512xi32>
      %select_n3A_420 = arith.select %lt3A_417, %select_n3A_380, %select_n3A_415 : vector<8x512xi1>, vector<8x512xf32>
      %select_n3A_421 = arith.select %lt3A_417, %select_n3A_381, %select_n3A_416 : vector<8x512xi1>, vector<8x512xi32>
      %lt3A_422 = arith.cmpf olt, %select_n3A_420, %select_n3A_385 : vector<8x512xf32>
      %select_n3A_423 = arith.select %lt3A_422, %select_n3A_420, %select_n3A_385 : vector<8x512xi1>, vector<8x512xf32>
      %select_n3A_424 = arith.select %lt3A_422, %select_n3A_421, %select_n3A_386 : vector<8x512xi1>, vector<8x512xi32>
      %select_n3A_425 = arith.select %lt3A_422, %select_n3A_385, %select_n3A_420 : vector<8x512xi1>, vector<8x512xf32>
      %select_n3A_426 = arith.select %lt3A_422, %select_n3A_386, %select_n3A_421 : vector<8x512xi1>, vector<8x512xi32>
      %lt3A_427 = arith.cmpf olt, %select_n3A_425, %select_n3A_390 : vector<8x512xf32>
      %select_n3A_428 = arith.select %lt3A_427, %select_n3A_425, %select_n3A_390 : vector<8x512xi1>, vector<8x512xf32>
      %select_n3A_429 = arith.select %lt3A_427, %select_n3A_426, %select_n3A_391 : vector<8x512xi1>, vector<8x512xi32>
      %select_n3A_430 = arith.select %lt3A_427, %select_n3A_390, %select_n3A_425 : vector<8x512xi1>, vector<8x512xf32>
      %select_n3A_431 = arith.select %lt3A_427, %select_n3A_391, %select_n3A_426 : vector<8x512xi1>, vector<8x512xi32>
      %lt3A_432 = arith.cmpf olt, %select_n3A_430, %select_n3A_395 : vector<8x512xf32>
      %select_n3A_433 = arith.select %lt3A_432, %select_n3A_430, %select_n3A_395 : vector<8x512xi1>, vector<8x512xf32>
      %select_n3A_434 = arith.select %lt3A_432, %select_n3A_431, %select_n3A_396 : vector<8x512xi1>, vector<8x512xi32>
      %scan3A_435 = arith.constant 9 : i32
      %scan3A_436 = arith.addi %scan3A_87, %scan3A_435 : i32
      %mul3A_437 = arith.constant 8 : i32
      %mul3A_438 = arith.muli %scan3A_436, %mul3A_437 : i32
      %multiple_of3A_439 = tpu.assume_multiple %mul3A_438, 8 : i32
      %get3A_440 = arith.index_cast %multiple_of3A_439 : i32 to index
      %get3A_441 = arith.constant 0 : index
      %get3A_442 = vector.load %arg8[%get3A_440, %get3A_441] : memref<2000x512xf32, #tpu.memory_space<vmem>>, vector<8x512xf32>
      %mul3A_443 = arith.constant 8 : i32
      %mul3A_444 = arith.muli %scan3A_436, %mul3A_443 : i32
      %mul3A_445 = arith.constant 2000 : i32
      %mul3A_446 = arith.muli %arg0, %mul3A_445 : i32
      %add3A_447 = arith.addi %mul3A_444, %mul3A_446 : i32
      %add3A_448 = vector.broadcast %add3A_447 : i32 to vector<8x512xi32>
      %add3A_449 = arith.addi %iota3A, %add3A_448 : vector<8x512xi32>
      %lt3A_450 = arith.cmpf olt, %get3A_442, %select_n3A_413 : vector<8x512xf32>
      %select_n3A_451 = arith.select %lt3A_450, %get3A_442, %select_n3A_413 : vector<8x512xi1>, vector<8x512xf32>
      %select_n3A_452 = arith.select %lt3A_450, %add3A_449, %select_n3A_414 : vector<8x512xi1>, vector<8x512xi32>
      %select_n3A_453 = arith.select %lt3A_450, %select_n3A_413, %get3A_442 : vector<8x512xi1>, vector<8x512xf32>
      %select_n3A_454 = arith.select %lt3A_450, %select_n3A_414, %add3A_449 : vector<8x512xi1>, vector<8x512xi32>
      %lt3A_455 = arith.cmpf olt, %select_n3A_453, %select_n3A_418 : vector<8x512xf32>
      %select_n3A_456 = arith.select %lt3A_455, %select_n3A_453, %select_n3A_418 : vector<8x512xi1>, vector<8x512xf32>
      %select_n3A_457 = arith.select %lt3A_455, %select_n3A_454, %select_n3A_419 : vector<8x512xi1>, vector<8x512xi32>
      %select_n3A_458 = arith.select %lt3A_455, %select_n3A_418, %select_n3A_453 : vector<8x512xi1>, vector<8x512xf32>
      %select_n3A_459 = arith.select %lt3A_455, %select_n3A_419, %select_n3A_454 : vector<8x512xi1>, vector<8x512xi32>
      %lt3A_460 = arith.cmpf olt, %select_n3A_458, %select_n3A_423 : vector<8x512xf32>
      %select_n3A_461 = arith.select %lt3A_460, %select_n3A_458, %select_n3A_423 : vector<8x512xi1>, vector<8x512xf32>
      %select_n3A_462 = arith.select %lt3A_460, %select_n3A_459, %select_n3A_424 : vector<8x512xi1>, vector<8x512xi32>
      %select_n3A_463 = arith.select %lt3A_460, %select_n3A_423, %select_n3A_458 : vector<8x512xi1>, vector<8x512xf32>
      %select_n3A_464 = arith.select %lt3A_460, %select_n3A_424, %select_n3A_459 : vector<8x512xi1>, vector<8x512xi32>
      %lt3A_465 = arith.cmpf olt, %select_n3A_463, %select_n3A_428 : vector<8x512xf32>
      %select_n3A_466 = arith.select %lt3A_465, %select_n3A_463, %select_n3A_428 : vector<8x512xi1>, vector<8x512xf32>
      %select_n3A_467 = arith.select %lt3A_465, %select_n3A_464, %select_n3A_429 : vector<8x512xi1>, vector<8x512xi32>
      %select_n3A_468 = arith.select %lt3A_465, %select_n3A_428, %select_n3A_463 : vector<8x512xi1>, vector<8x512xf32>
      %select_n3A_469 = arith.select %lt3A_465, %select_n3A_429, %select_n3A_464 : vector<8x512xi1>, vector<8x512xi32>
      %lt3A_470 = arith.cmpf olt, %select_n3A_468, %select_n3A_433 : vector<8x512xf32>
      %select_n3A_471 = arith.select %lt3A_470, %select_n3A_468, %select_n3A_433 : vector<8x512xi1>, vector<8x512xf32>
      %select_n3A_472 = arith.select %lt3A_470, %select_n3A_469, %select_n3A_434 : vector<8x512xi1>, vector<8x512xi32>
      %scan3A_473 = arith.constant 10 : i32
      %scan3A_474 = arith.addi %scan3A_87, %scan3A_473 : i32
      %mul3A_475 = arith.constant 8 : i32
      %mul3A_476 = arith.muli %scan3A_474, %mul3A_475 : i32
      %multiple_of3A_477 = tpu.assume_multiple %mul3A_476, 8 : i32
      %get3A_478 = arith.index_cast %multiple_of3A_477 : i32 to index
      %get3A_479 = arith.constant 0 : index
      %get3A_480 = vector.load %arg8[%get3A_478, %get3A_479] : memref<2000x512xf32, #tpu.memory_space<vmem>>, vector<8x512xf32>
      %mul3A_481 = arith.constant 8 : i32
      %mul3A_482 = arith.muli %scan3A_474, %mul3A_481 : i32
      %mul3A_483 = arith.constant 2000 : i32
      %mul3A_484 = arith.muli %arg0, %mul3A_483 : i32
      %add3A_485 = arith.addi %mul3A_482, %mul3A_484 : i32
      %add3A_486 = vector.broadcast %add3A_485 : i32 to vector<8x512xi32>
      %add3A_487 = arith.addi %iota3A, %add3A_486 : vector<8x512xi32>
      %lt3A_488 = arith.cmpf olt, %get3A_480, %select_n3A_451 : vector<8x512xf32>
      %select_n3A_489 = arith.select %lt3A_488, %get3A_480, %select_n3A_451 : vector<8x512xi1>, vector<8x512xf32>
      %select_n3A_490 = arith.select %lt3A_488, %add3A_487, %select_n3A_452 : vector<8x512xi1>, vector<8x512xi32>
      %select_n3A_491 = arith.select %lt3A_488, %select_n3A_451, %get3A_480 : vector<8x512xi1>, vector<8x512xf32>
      %select_n3A_492 = arith.select %lt3A_488, %select_n3A_452, %add3A_487 : vector<8x512xi1>, vector<8x512xi32>
      %lt3A_493 = arith.cmpf olt, %select_n3A_491, %select_n3A_456 : vector<8x512xf32>
      %select_n3A_494 = arith.select %lt3A_493, %select_n3A_491, %select_n3A_456 : vector<8x512xi1>, vector<8x512xf32>
      %select_n3A_495 = arith.select %lt3A_493, %select_n3A_492, %select_n3A_457 : vector<8x512xi1>, vector<8x512xi32>
      %select_n3A_496 = arith.select %lt3A_493, %select_n3A_456, %select_n3A_491 : vector<8x512xi1>, vector<8x512xf32>
      %select_n3A_497 = arith.select %lt3A_493, %select_n3A_457, %select_n3A_492 : vector<8x512xi1>, vector<8x512xi32>
      %lt3A_498 = arith.cmpf olt, %select_n3A_496, %select_n3A_461 : vector<8x512xf32>
      %select_n3A_499 = arith.select %lt3A_498, %select_n3A_496, %select_n3A_461 : vector<8x512xi1>, vector<8x512xf32>
      %select_n3A_500 = arith.select %lt3A_498, %select_n3A_497, %select_n3A_462 : vector<8x512xi1>, vector<8x512xi32>
      %select_n3A_501 = arith.select %lt3A_498, %select_n3A_461, %select_n3A_496 : vector<8x512xi1>, vector<8x512xf32>
      %select_n3A_502 = arith.select %lt3A_498, %select_n3A_462, %select_n3A_497 : vector<8x512xi1>, vector<8x512xi32>
      %lt3A_503 = arith.cmpf olt, %select_n3A_501, %select_n3A_466 : vector<8x512xf32>
      %select_n3A_504 = arith.select %lt3A_503, %select_n3A_501, %select_n3A_466 : vector<8x512xi1>, vector<8x512xf32>
      %select_n3A_505 = arith.select %lt3A_503, %select_n3A_502, %select_n3A_467 : vector<8x512xi1>, vector<8x512xi32>
      %select_n3A_506 = arith.select %lt3A_503, %select_n3A_466, %select_n3A_501 : vector<8x512xi1>, vector<8x512xf32>
      %select_n3A_507 = arith.select %lt3A_503, %select_n3A_467, %select_n3A_502 : vector<8x512xi1>, vector<8x512xi32>
      %lt3A_508 = arith.cmpf olt, %select_n3A_506, %select_n3A_471 : vector<8x512xf32>
      %select_n3A_509 = arith.select %lt3A_508, %select_n3A_506, %select_n3A_471 : vector<8x512xi1>, vector<8x512xf32>
      %select_n3A_510 = arith.select %lt3A_508, %select_n3A_507, %select_n3A_472 : vector<8x512xi1>, vector<8x512xi32>
      %scan3A_511 = arith.constant 11 : i32
      %scan3A_512 = arith.addi %scan3A_87, %scan3A_511 : i32
      %mul3A_513 = arith.constant 8 : i32
      %mul3A_514 = arith.muli %scan3A_512, %mul3A_513 : i32
      %multiple_of3A_515 = tpu.assume_multiple %mul3A_514, 8 : i32
      %get3A_516 = arith.index_cast %multiple_of3A_515 : i32 to index
      %get3A_517 = arith.constant 0 : index
      %get3A_518 = vector.load %arg8[%get3A_516, %get3A_517] : memref<2000x512xf32, #tpu.memory_space<vmem>>, vector<8x512xf32>
      %mul3A_519 = arith.constant 8 : i32
      %mul3A_520 = arith.muli %scan3A_512, %mul3A_519 : i32
      %mul3A_521 = arith.constant 2000 : i32
      %mul3A_522 = arith.muli %arg0, %mul3A_521 : i32
      %add3A_523 = arith.addi %mul3A_520, %mul3A_522 : i32
      %add3A_524 = vector.broadcast %add3A_523 : i32 to vector<8x512xi32>
      %add3A_525 = arith.addi %iota3A, %add3A_524 : vector<8x512xi32>
      %lt3A_526 = arith.cmpf olt, %get3A_518, %select_n3A_489 : vector<8x512xf32>
      %select_n3A_527 = arith.select %lt3A_526, %get3A_518, %select_n3A_489 : vector<8x512xi1>, vector<8x512xf32>
      %select_n3A_528 = arith.select %lt3A_526, %add3A_525, %select_n3A_490 : vector<8x512xi1>, vector<8x512xi32>
      %select_n3A_529 = arith.select %lt3A_526, %select_n3A_489, %get3A_518 : vector<8x512xi1>, vector<8x512xf32>
      %select_n3A_530 = arith.select %lt3A_526, %select_n3A_490, %add3A_525 : vector<8x512xi1>, vector<8x512xi32>
      %lt3A_531 = arith.cmpf olt, %select_n3A_529, %select_n3A_494 : vector<8x512xf32>
      %select_n3A_532 = arith.select %lt3A_531, %select_n3A_529, %select_n3A_494 : vector<8x512xi1>, vector<8x512xf32>
      %select_n3A_533 = arith.select %lt3A_531, %select_n3A_530, %select_n3A_495 : vector<8x512xi1>, vector<8x512xi32>
      %select_n3A_534 = arith.select %lt3A_531, %select_n3A_494, %select_n3A_529 : vector<8x512xi1>, vector<8x512xf32>
      %select_n3A_535 = arith.select %lt3A_531, %select_n3A_495, %select_n3A_530 : vector<8x512xi1>, vector<8x512xi32>
      %lt3A_536 = arith.cmpf olt, %select_n3A_534, %select_n3A_499 : vector<8x512xf32>
      %select_n3A_537 = arith.select %lt3A_536, %select_n3A_534, %select_n3A_499 : vector<8x512xi1>, vector<8x512xf32>
      %select_n3A_538 = arith.select %lt3A_536, %select_n3A_535, %select_n3A_500 : vector<8x512xi1>, vector<8x512xi32>
      %select_n3A_539 = arith.select %lt3A_536, %select_n3A_499, %select_n3A_534 : vector<8x512xi1>, vector<8x512xf32>
      %select_n3A_540 = arith.select %lt3A_536, %select_n3A_500, %select_n3A_535 : vector<8x512xi1>, vector<8x512xi32>
      %lt3A_541 = arith.cmpf olt, %select_n3A_539, %select_n3A_504 : vector<8x512xf32>
      %select_n3A_542 = arith.select %lt3A_541, %select_n3A_539, %select_n3A_504 : vector<8x512xi1>, vector<8x512xf32>
      %select_n3A_543 = arith.select %lt3A_541, %select_n3A_540, %select_n3A_505 : vector<8x512xi1>, vector<8x512xi32>
      %select_n3A_544 = arith.select %lt3A_541, %select_n3A_504, %select_n3A_539 : vector<8x512xi1>, vector<8x512xf32>
      %select_n3A_545 = arith.select %lt3A_541, %select_n3A_505, %select_n3A_540 : vector<8x512xi1>, vector<8x512xi32>
      %lt3A_546 = arith.cmpf olt, %select_n3A_544, %select_n3A_509 : vector<8x512xf32>
      %select_n3A_547 = arith.select %lt3A_546, %select_n3A_544, %select_n3A_509 : vector<8x512xi1>, vector<8x512xf32>
      %select_n3A_548 = arith.select %lt3A_546, %select_n3A_545, %select_n3A_510 : vector<8x512xi1>, vector<8x512xi32>
      %scan3A_549 = arith.constant 12 : i32
      %scan3A_550 = arith.addi %scan3A_87, %scan3A_549 : i32
      %mul3A_551 = arith.constant 8 : i32
      %mul3A_552 = arith.muli %scan3A_550, %mul3A_551 : i32
      %multiple_of3A_553 = tpu.assume_multiple %mul3A_552, 8 : i32
      %get3A_554 = arith.index_cast %multiple_of3A_553 : i32 to index
      %get3A_555 = arith.constant 0 : index
      %get3A_556 = vector.load %arg8[%get3A_554, %get3A_555] : memref<2000x512xf32, #tpu.memory_space<vmem>>, vector<8x512xf32>
      %mul3A_557 = arith.constant 8 : i32
      %mul3A_558 = arith.muli %scan3A_550, %mul3A_557 : i32
      %mul3A_559 = arith.constant 2000 : i32
      %mul3A_560 = arith.muli %arg0, %mul3A_559 : i32
      %add3A_561 = arith.addi %mul3A_558, %mul3A_560 : i32
      %add3A_562 = vector.broadcast %add3A_561 : i32 to vector<8x512xi32>
      %add3A_563 = arith.addi %iota3A, %add3A_562 : vector<8x512xi32>
      %lt3A_564 = arith.cmpf olt, %get3A_556, %select_n3A_527 : vector<8x512xf32>
      %select_n3A_565 = arith.select %lt3A_564, %get3A_556, %select_n3A_527 : vector<8x512xi1>, vector<8x512xf32>
      %select_n3A_566 = arith.select %lt3A_564, %add3A_563, %select_n3A_528 : vector<8x512xi1>, vector<8x512xi32>
      %select_n3A_567 = arith.select %lt3A_564, %select_n3A_527, %get3A_556 : vector<8x512xi1>, vector<8x512xf32>
      %select_n3A_568 = arith.select %lt3A_564, %select_n3A_528, %add3A_563 : vector<8x512xi1>, vector<8x512xi32>
      %lt3A_569 = arith.cmpf olt, %select_n3A_567, %select_n3A_532 : vector<8x512xf32>
      %select_n3A_570 = arith.select %lt3A_569, %select_n3A_567, %select_n3A_532 : vector<8x512xi1>, vector<8x512xf32>
      %select_n3A_571 = arith.select %lt3A_569, %select_n3A_568, %select_n3A_533 : vector<8x512xi1>, vector<8x512xi32>
      %select_n3A_572 = arith.select %lt3A_569, %select_n3A_532, %select_n3A_567 : vector<8x512xi1>, vector<8x512xf32>
      %select_n3A_573 = arith.select %lt3A_569, %select_n3A_533, %select_n3A_568 : vector<8x512xi1>, vector<8x512xi32>
      %lt3A_574 = arith.cmpf olt, %select_n3A_572, %select_n3A_537 : vector<8x512xf32>
      %select_n3A_575 = arith.select %lt3A_574, %select_n3A_572, %select_n3A_537 : vector<8x512xi1>, vector<8x512xf32>
      %select_n3A_576 = arith.select %lt3A_574, %select_n3A_573, %select_n3A_538 : vector<8x512xi1>, vector<8x512xi32>
      %select_n3A_577 = arith.select %lt3A_574, %select_n3A_537, %select_n3A_572 : vector<8x512xi1>, vector<8x512xf32>
      %select_n3A_578 = arith.select %lt3A_574, %select_n3A_538, %select_n3A_573 : vector<8x512xi1>, vector<8x512xi32>
      %lt3A_579 = arith.cmpf olt, %select_n3A_577, %select_n3A_542 : vector<8x512xf32>
      %select_n3A_580 = arith.select %lt3A_579, %select_n3A_577, %select_n3A_542 : vector<8x512xi1>, vector<8x512xf32>
      %select_n3A_581 = arith.select %lt3A_579, %select_n3A_578, %select_n3A_543 : vector<8x512xi1>, vector<8x512xi32>
      %select_n3A_582 = arith.select %lt3A_579, %select_n3A_542, %select_n3A_577 : vector<8x512xi1>, vector<8x512xf32>
      %select_n3A_583 = arith.select %lt3A_579, %select_n3A_543, %select_n3A_578 : vector<8x512xi1>, vector<8x512xi32>
      %lt3A_584 = arith.cmpf olt, %select_n3A_582, %select_n3A_547 : vector<8x512xf32>
      %select_n3A_585 = arith.select %lt3A_584, %select_n3A_582, %select_n3A_547 : vector<8x512xi1>, vector<8x512xf32>
      %select_n3A_586 = arith.select %lt3A_584, %select_n3A_583, %select_n3A_548 : vector<8x512xi1>, vector<8x512xi32>
      %scan3A_587 = arith.constant 13 : i32
      %scan3A_588 = arith.addi %scan3A_87, %scan3A_587 : i32
      %mul3A_589 = arith.constant 8 : i32
      %mul3A_590 = arith.muli %scan3A_588, %mul3A_589 : i32
      %multiple_of3A_591 = tpu.assume_multiple %mul3A_590, 8 : i32
      %get3A_592 = arith.index_cast %multiple_of3A_591 : i32 to index
      %get3A_593 = arith.constant 0 : index
      %get3A_594 = vector.load %arg8[%get3A_592, %get3A_593] : memref<2000x512xf32, #tpu.memory_space<vmem>>, vector<8x512xf32>
      %mul3A_595 = arith.constant 8 : i32
      %mul3A_596 = arith.muli %scan3A_588, %mul3A_595 : i32
      %mul3A_597 = arith.constant 2000 : i32
      %mul3A_598 = arith.muli %arg0, %mul3A_597 : i32
      %add3A_599 = arith.addi %mul3A_596, %mul3A_598 : i32
      %add3A_600 = vector.broadcast %add3A_599 : i32 to vector<8x512xi32>
      %add3A_601 = arith.addi %iota3A, %add3A_600 : vector<8x512xi32>
      %lt3A_602 = arith.cmpf olt, %get3A_594, %select_n3A_565 : vector<8x512xf32>
      %select_n3A_603 = arith.select %lt3A_602, %get3A_594, %select_n3A_565 : vector<8x512xi1>, vector<8x512xf32>
      %select_n3A_604 = arith.select %lt3A_602, %add3A_601, %select_n3A_566 : vector<8x512xi1>, vector<8x512xi32>
      %select_n3A_605 = arith.select %lt3A_602, %select_n3A_565, %get3A_594 : vector<8x512xi1>, vector<8x512xf32>
      %select_n3A_606 = arith.select %lt3A_602, %select_n3A_566, %add3A_601 : vector<8x512xi1>, vector<8x512xi32>
      %lt3A_607 = arith.cmpf olt, %select_n3A_605, %select_n3A_570 : vector<8x512xf32>
      %select_n3A_608 = arith.select %lt3A_607, %select_n3A_605, %select_n3A_570 : vector<8x512xi1>, vector<8x512xf32>
      %select_n3A_609 = arith.select %lt3A_607, %select_n3A_606, %select_n3A_571 : vector<8x512xi1>, vector<8x512xi32>
      %select_n3A_610 = arith.select %lt3A_607, %select_n3A_570, %select_n3A_605 : vector<8x512xi1>, vector<8x512xf32>
      %select_n3A_611 = arith.select %lt3A_607, %select_n3A_571, %select_n3A_606 : vector<8x512xi1>, vector<8x512xi32>
      %lt3A_612 = arith.cmpf olt, %select_n3A_610, %select_n3A_575 : vector<8x512xf32>
      %select_n3A_613 = arith.select %lt3A_612, %select_n3A_610, %select_n3A_575 : vector<8x512xi1>, vector<8x512xf32>
      %select_n3A_614 = arith.select %lt3A_612, %select_n3A_611, %select_n3A_576 : vector<8x512xi1>, vector<8x512xi32>
      %select_n3A_615 = arith.select %lt3A_612, %select_n3A_575, %select_n3A_610 : vector<8x512xi1>, vector<8x512xf32>
      %select_n3A_616 = arith.select %lt3A_612, %select_n3A_576, %select_n3A_611 : vector<8x512xi1>, vector<8x512xi32>
      %lt3A_617 = arith.cmpf olt, %select_n3A_615, %select_n3A_580 : vector<8x512xf32>
      %select_n3A_618 = arith.select %lt3A_617, %select_n3A_615, %select_n3A_580 : vector<8x512xi1>, vector<8x512xf32>
      %select_n3A_619 = arith.select %lt3A_617, %select_n3A_616, %select_n3A_581 : vector<8x512xi1>, vector<8x512xi32>
      %select_n3A_620 = arith.select %lt3A_617, %select_n3A_580, %select_n3A_615 : vector<8x512xi1>, vector<8x512xf32>
      %select_n3A_621 = arith.select %lt3A_617, %select_n3A_581, %select_n3A_616 : vector<8x512xi1>, vector<8x512xi32>
      %lt3A_622 = arith.cmpf olt, %select_n3A_620, %select_n3A_585 : vector<8x512xf32>
      %select_n3A_623 = arith.select %lt3A_622, %select_n3A_620, %select_n3A_585 : vector<8x512xi1>, vector<8x512xf32>
      %select_n3A_624 = arith.select %lt3A_622, %select_n3A_621, %select_n3A_586 : vector<8x512xi1>, vector<8x512xi32>
      %scan3A_625 = arith.constant 14 : i32
      %scan3A_626 = arith.addi %scan3A_87, %scan3A_625 : i32
      %mul3A_627 = arith.constant 8 : i32
      %mul3A_628 = arith.muli %scan3A_626, %mul3A_627 : i32
      %multiple_of3A_629 = tpu.assume_multiple %mul3A_628, 8 : i32
      %get3A_630 = arith.index_cast %multiple_of3A_629 : i32 to index
      %get3A_631 = arith.constant 0 : index
      %get3A_632 = vector.load %arg8[%get3A_630, %get3A_631] : memref<2000x512xf32, #tpu.memory_space<vmem>>, vector<8x512xf32>
      %mul3A_633 = arith.constant 8 : i32
      %mul3A_634 = arith.muli %scan3A_626, %mul3A_633 : i32
      %mul3A_635 = arith.constant 2000 : i32
      %mul3A_636 = arith.muli %arg0, %mul3A_635 : i32
      %add3A_637 = arith.addi %mul3A_634, %mul3A_636 : i32
      %add3A_638 = vector.broadcast %add3A_637 : i32 to vector<8x512xi32>
      %add3A_639 = arith.addi %iota3A, %add3A_638 : vector<8x512xi32>
      %lt3A_640 = arith.cmpf olt, %get3A_632, %select_n3A_603 : vector<8x512xf32>
      %select_n3A_641 = arith.select %lt3A_640, %get3A_632, %select_n3A_603 : vector<8x512xi1>, vector<8x512xf32>
      %select_n3A_642 = arith.select %lt3A_640, %add3A_639, %select_n3A_604 : vector<8x512xi1>, vector<8x512xi32>
      %select_n3A_643 = arith.select %lt3A_640, %select_n3A_603, %get3A_632 : vector<8x512xi1>, vector<8x512xf32>
      %select_n3A_644 = arith.select %lt3A_640, %select_n3A_604, %add3A_639 : vector<8x512xi1>, vector<8x512xi32>
      %lt3A_645 = arith.cmpf olt, %select_n3A_643, %select_n3A_608 : vector<8x512xf32>
      %select_n3A_646 = arith.select %lt3A_645, %select_n3A_643, %select_n3A_608 : vector<8x512xi1>, vector<8x512xf32>
      %select_n3A_647 = arith.select %lt3A_645, %select_n3A_644, %select_n3A_609 : vector<8x512xi1>, vector<8x512xi32>
      %select_n3A_648 = arith.select %lt3A_645, %select_n3A_608, %select_n3A_643 : vector<8x512xi1>, vector<8x512xf32>
      %select_n3A_649 = arith.select %lt3A_645, %select_n3A_609, %select_n3A_644 : vector<8x512xi1>, vector<8x512xi32>
      %lt3A_650 = arith.cmpf olt, %select_n3A_648, %select_n3A_613 : vector<8x512xf32>
      %select_n3A_651 = arith.select %lt3A_650, %select_n3A_648, %select_n3A_613 : vector<8x512xi1>, vector<8x512xf32>
      %select_n3A_652 = arith.select %lt3A_650, %select_n3A_649, %select_n3A_614 : vector<8x512xi1>, vector<8x512xi32>
      %select_n3A_653 = arith.select %lt3A_650, %select_n3A_613, %select_n3A_648 : vector<8x512xi1>, vector<8x512xf32>
      %select_n3A_654 = arith.select %lt3A_650, %select_n3A_614, %select_n3A_649 : vector<8x512xi1>, vector<8x512xi32>
      %lt3A_655 = arith.cmpf olt, %select_n3A_653, %select_n3A_618 : vector<8x512xf32>
      %select_n3A_656 = arith.select %lt3A_655, %select_n3A_653, %select_n3A_618 : vector<8x512xi1>, vector<8x512xf32>
      %select_n3A_657 = arith.select %lt3A_655, %select_n3A_654, %select_n3A_619 : vector<8x512xi1>, vector<8x512xi32>
      %select_n3A_658 = arith.select %lt3A_655, %select_n3A_618, %select_n3A_653 : vector<8x512xi1>, vector<8x512xf32>
      %select_n3A_659 = arith.select %lt3A_655, %select_n3A_619, %select_n3A_654 : vector<8x512xi1>, vector<8x512xi32>
      %lt3A_660 = arith.cmpf olt, %select_n3A_658, %select_n3A_623 : vector<8x512xf32>
      %select_n3A_661 = arith.select %lt3A_660, %select_n3A_658, %select_n3A_623 : vector<8x512xi1>, vector<8x512xf32>
      %select_n3A_662 = arith.select %lt3A_660, %select_n3A_659, %select_n3A_624 : vector<8x512xi1>, vector<8x512xi32>
      %scan3A_663 = arith.constant 15 : i32
      %scan3A_664 = arith.addi %scan3A_87, %scan3A_663 : i32
      %mul3A_665 = arith.constant 8 : i32
      %mul3A_666 = arith.muli %scan3A_664, %mul3A_665 : i32
      %multiple_of3A_667 = tpu.assume_multiple %mul3A_666, 8 : i32
      %get3A_668 = arith.index_cast %multiple_of3A_667 : i32 to index
      %get3A_669 = arith.constant 0 : index
      %get3A_670 = vector.load %arg8[%get3A_668, %get3A_669] : memref<2000x512xf32, #tpu.memory_space<vmem>>, vector<8x512xf32>
      %mul3A_671 = arith.constant 8 : i32
      %mul3A_672 = arith.muli %scan3A_664, %mul3A_671 : i32
      %mul3A_673 = arith.constant 2000 : i32
      %mul3A_674 = arith.muli %arg0, %mul3A_673 : i32
      %add3A_675 = arith.addi %mul3A_672, %mul3A_674 : i32
      %add3A_676 = vector.broadcast %add3A_675 : i32 to vector<8x512xi32>
      %add3A_677 = arith.addi %iota3A, %add3A_676 : vector<8x512xi32>
      %lt3A_678 = arith.cmpf olt, %get3A_670, %select_n3A_641 : vector<8x512xf32>
      %select_n3A_679 = arith.select %lt3A_678, %get3A_670, %select_n3A_641 : vector<8x512xi1>, vector<8x512xf32>
      %select_n3A_680 = arith.select %lt3A_678, %add3A_677, %select_n3A_642 : vector<8x512xi1>, vector<8x512xi32>
      %select_n3A_681 = arith.select %lt3A_678, %select_n3A_641, %get3A_670 : vector<8x512xi1>, vector<8x512xf32>
      %select_n3A_682 = arith.select %lt3A_678, %select_n3A_642, %add3A_677 : vector<8x512xi1>, vector<8x512xi32>
      %lt3A_683 = arith.cmpf olt, %select_n3A_681, %select_n3A_646 : vector<8x512xf32>
      %select_n3A_684 = arith.select %lt3A_683, %select_n3A_681, %select_n3A_646 : vector<8x512xi1>, vector<8x512xf32>
      %select_n3A_685 = arith.select %lt3A_683, %select_n3A_682, %select_n3A_647 : vector<8x512xi1>, vector<8x512xi32>
      %select_n3A_686 = arith.select %lt3A_683, %select_n3A_646, %select_n3A_681 : vector<8x512xi1>, vector<8x512xf32>
      %select_n3A_687 = arith.select %lt3A_683, %select_n3A_647, %select_n3A_682 : vector<8x512xi1>, vector<8x512xi32>
      %lt3A_688 = arith.cmpf olt, %select_n3A_686, %select_n3A_651 : vector<8x512xf32>
      %select_n3A_689 = arith.select %lt3A_688, %select_n3A_686, %select_n3A_651 : vector<8x512xi1>, vector<8x512xf32>
      %select_n3A_690 = arith.select %lt3A_688, %select_n3A_687, %select_n3A_652 : vector<8x512xi1>, vector<8x512xi32>
      %select_n3A_691 = arith.select %lt3A_688, %select_n3A_651, %select_n3A_686 : vector<8x512xi1>, vector<8x512xf32>
      %select_n3A_692 = arith.select %lt3A_688, %select_n3A_652, %select_n3A_687 : vector<8x512xi1>, vector<8x512xi32>
      %lt3A_693 = arith.cmpf olt, %select_n3A_691, %select_n3A_656 : vector<8x512xf32>
      %select_n3A_694 = arith.select %lt3A_693, %select_n3A_691, %select_n3A_656 : vector<8x512xi1>, vector<8x512xf32>
      %select_n3A_695 = arith.select %lt3A_693, %select_n3A_692, %select_n3A_657 : vector<8x512xi1>, vector<8x512xi32>
      %select_n3A_696 = arith.select %lt3A_693, %select_n3A_656, %select_n3A_691 : vector<8x512xi1>, vector<8x512xf32>
      %select_n3A_697 = arith.select %lt3A_693, %select_n3A_657, %select_n3A_692 : vector<8x512xi1>, vector<8x512xi32>
      %lt3A_698 = arith.cmpf olt, %select_n3A_696, %select_n3A_661 : vector<8x512xf32>
      %select_n3A_699 = arith.select %lt3A_698, %select_n3A_696, %select_n3A_661 : vector<8x512xi1>, vector<8x512xf32>
      %select_n3A_700 = arith.select %lt3A_698, %select_n3A_697, %select_n3A_662 : vector<8x512xi1>, vector<8x512xi32>
      %scan3A_701 = arith.constant 16 : i32
      %scan3A_702 = arith.addi %scan3A_87, %scan3A_701 : i32
      %mul3A_703 = arith.constant 8 : i32
      %mul3A_704 = arith.muli %scan3A_702, %mul3A_703 : i32
      %multiple_of3A_705 = tpu.assume_multiple %mul3A_704, 8 : i32
      %get3A_706 = arith.index_cast %multiple_of3A_705 : i32 to index
      %get3A_707 = arith.constant 0 : index
      %get3A_708 = vector.load %arg8[%get3A_706, %get3A_707] : memref<2000x512xf32, #tpu.memory_space<vmem>>, vector<8x512xf32>
      %mul3A_709 = arith.constant 8 : i32
      %mul3A_710 = arith.muli %scan3A_702, %mul3A_709 : i32
      %mul3A_711 = arith.constant 2000 : i32
      %mul3A_712 = arith.muli %arg0, %mul3A_711 : i32
      %add3A_713 = arith.addi %mul3A_710, %mul3A_712 : i32
      %add3A_714 = vector.broadcast %add3A_713 : i32 to vector<8x512xi32>
      %add3A_715 = arith.addi %iota3A, %add3A_714 : vector<8x512xi32>
      %lt3A_716 = arith.cmpf olt, %get3A_708, %select_n3A_679 : vector<8x512xf32>
      %select_n3A_717 = arith.select %lt3A_716, %get3A_708, %select_n3A_679 : vector<8x512xi1>, vector<8x512xf32>
      %select_n3A_718 = arith.select %lt3A_716, %add3A_715, %select_n3A_680 : vector<8x512xi1>, vector<8x512xi32>
      %select_n3A_719 = arith.select %lt3A_716, %select_n3A_679, %get3A_708 : vector<8x512xi1>, vector<8x512xf32>
      %select_n3A_720 = arith.select %lt3A_716, %select_n3A_680, %add3A_715 : vector<8x512xi1>, vector<8x512xi32>
      %lt3A_721 = arith.cmpf olt, %select_n3A_719, %select_n3A_684 : vector<8x512xf32>
      %select_n3A_722 = arith.select %lt3A_721, %select_n3A_719, %select_n3A_684 : vector<8x512xi1>, vector<8x512xf32>
      %select_n3A_723 = arith.select %lt3A_721, %select_n3A_720, %select_n3A_685 : vector<8x512xi1>, vector<8x512xi32>
      %select_n3A_724 = arith.select %lt3A_721, %select_n3A_684, %select_n3A_719 : vector<8x512xi1>, vector<8x512xf32>
      %select_n3A_725 = arith.select %lt3A_721, %select_n3A_685, %select_n3A_720 : vector<8x512xi1>, vector<8x512xi32>
      %lt3A_726 = arith.cmpf olt, %select_n3A_724, %select_n3A_689 : vector<8x512xf32>
      %select_n3A_727 = arith.select %lt3A_726, %select_n3A_724, %select_n3A_689 : vector<8x512xi1>, vector<8x512xf32>
      %select_n3A_728 = arith.select %lt3A_726, %select_n3A_725, %select_n3A_690 : vector<8x512xi1>, vector<8x512xi32>
      %select_n3A_729 = arith.select %lt3A_726, %select_n3A_689, %select_n3A_724 : vector<8x512xi1>, vector<8x512xf32>
      %select_n3A_730 = arith.select %lt3A_726, %select_n3A_690, %select_n3A_725 : vector<8x512xi1>, vector<8x512xi32>
      %lt3A_731 = arith.cmpf olt, %select_n3A_729, %select_n3A_694 : vector<8x512xf32>
      %select_n3A_732 = arith.select %lt3A_731, %select_n3A_729, %select_n3A_694 : vector<8x512xi1>, vector<8x512xf32>
      %select_n3A_733 = arith.select %lt3A_731, %select_n3A_730, %select_n3A_695 : vector<8x512xi1>, vector<8x512xi32>
      %select_n3A_734 = arith.select %lt3A_731, %select_n3A_694, %select_n3A_729 : vector<8x512xi1>, vector<8x512xf32>
      %select_n3A_735 = arith.select %lt3A_731, %select_n3A_695, %select_n3A_730 : vector<8x512xi1>, vector<8x512xi32>
      %lt3A_736 = arith.cmpf olt, %select_n3A_734, %select_n3A_699 : vector<8x512xf32>
      %select_n3A_737 = arith.select %lt3A_736, %select_n3A_734, %select_n3A_699 : vector<8x512xi1>, vector<8x512xf32>
      %select_n3A_738 = arith.select %lt3A_736, %select_n3A_735, %select_n3A_700 : vector<8x512xi1>, vector<8x512xi32>
      %scan3A_739 = arith.constant 17 : i32
      %scan3A_740 = arith.addi %scan3A_87, %scan3A_739 : i32
      %mul3A_741 = arith.constant 8 : i32
      %mul3A_742 = arith.muli %scan3A_740, %mul3A_741 : i32
      %multiple_of3A_743 = tpu.assume_multiple %mul3A_742, 8 : i32
      %get3A_744 = arith.index_cast %multiple_of3A_743 : i32 to index
      %get3A_745 = arith.constant 0 : index
      %get3A_746 = vector.load %arg8[%get3A_744, %get3A_745] : memref<2000x512xf32, #tpu.memory_space<vmem>>, vector<8x512xf32>
      %mul3A_747 = arith.constant 8 : i32
      %mul3A_748 = arith.muli %scan3A_740, %mul3A_747 : i32
      %mul3A_749 = arith.constant 2000 : i32
      %mul3A_750 = arith.muli %arg0, %mul3A_749 : i32
      %add3A_751 = arith.addi %mul3A_748, %mul3A_750 : i32
      %add3A_752 = vector.broadcast %add3A_751 : i32 to vector<8x512xi32>
      %add3A_753 = arith.addi %iota3A, %add3A_752 : vector<8x512xi32>
      %lt3A_754 = arith.cmpf olt, %get3A_746, %select_n3A_717 : vector<8x512xf32>
      %select_n3A_755 = arith.select %lt3A_754, %get3A_746, %select_n3A_717 : vector<8x512xi1>, vector<8x512xf32>
      %select_n3A_756 = arith.select %lt3A_754, %add3A_753, %select_n3A_718 : vector<8x512xi1>, vector<8x512xi32>
      %select_n3A_757 = arith.select %lt3A_754, %select_n3A_717, %get3A_746 : vector<8x512xi1>, vector<8x512xf32>
      %select_n3A_758 = arith.select %lt3A_754, %select_n3A_718, %add3A_753 : vector<8x512xi1>, vector<8x512xi32>
      %lt3A_759 = arith.cmpf olt, %select_n3A_757, %select_n3A_722 : vector<8x512xf32>
      %select_n3A_760 = arith.select %lt3A_759, %select_n3A_757, %select_n3A_722 : vector<8x512xi1>, vector<8x512xf32>
      %select_n3A_761 = arith.select %lt3A_759, %select_n3A_758, %select_n3A_723 : vector<8x512xi1>, vector<8x512xi32>
      %select_n3A_762 = arith.select %lt3A_759, %select_n3A_722, %select_n3A_757 : vector<8x512xi1>, vector<8x512xf32>
      %select_n3A_763 = arith.select %lt3A_759, %select_n3A_723, %select_n3A_758 : vector<8x512xi1>, vector<8x512xi32>
      %lt3A_764 = arith.cmpf olt, %select_n3A_762, %select_n3A_727 : vector<8x512xf32>
      %select_n3A_765 = arith.select %lt3A_764, %select_n3A_762, %select_n3A_727 : vector<8x512xi1>, vector<8x512xf32>
      %select_n3A_766 = arith.select %lt3A_764, %select_n3A_763, %select_n3A_728 : vector<8x512xi1>, vector<8x512xi32>
      %select_n3A_767 = arith.select %lt3A_764, %select_n3A_727, %select_n3A_762 : vector<8x512xi1>, vector<8x512xf32>
      %select_n3A_768 = arith.select %lt3A_764, %select_n3A_728, %select_n3A_763 : vector<8x512xi1>, vector<8x512xi32>
      %lt3A_769 = arith.cmpf olt, %select_n3A_767, %select_n3A_732 : vector<8x512xf32>
      %select_n3A_770 = arith.select %lt3A_769, %select_n3A_767, %select_n3A_732 : vector<8x512xi1>, vector<8x512xf32>
      %select_n3A_771 = arith.select %lt3A_769, %select_n3A_768, %select_n3A_733 : vector<8x512xi1>, vector<8x512xi32>
      %select_n3A_772 = arith.select %lt3A_769, %select_n3A_732, %select_n3A_767 : vector<8x512xi1>, vector<8x512xf32>
      %select_n3A_773 = arith.select %lt3A_769, %select_n3A_733, %select_n3A_768 : vector<8x512xi1>, vector<8x512xi32>
      %lt3A_774 = arith.cmpf olt, %select_n3A_772, %select_n3A_737 : vector<8x512xf32>
      %select_n3A_775 = arith.select %lt3A_774, %select_n3A_772, %select_n3A_737 : vector<8x512xi1>, vector<8x512xf32>
      %select_n3A_776 = arith.select %lt3A_774, %select_n3A_773, %select_n3A_738 : vector<8x512xi1>, vector<8x512xi32>
      %scan3A_777 = arith.constant 18 : i32
      %scan3A_778 = arith.addi %scan3A_87, %scan3A_777 : i32
      %mul3A_779 = arith.constant 8 : i32
      %mul3A_780 = arith.muli %scan3A_778, %mul3A_779 : i32
      %multiple_of3A_781 = tpu.assume_multiple %mul3A_780, 8 : i32
      %get3A_782 = arith.index_cast %multiple_of3A_781 : i32 to index
      %get3A_783 = arith.constant 0 : index
      %get3A_784 = vector.load %arg8[%get3A_782, %get3A_783] : memref<2000x512xf32, #tpu.memory_space<vmem>>, vector<8x512xf32>
      %mul3A_785 = arith.constant 8 : i32
      %mul3A_786 = arith.muli %scan3A_778, %mul3A_785 : i32
      %mul3A_787 = arith.constant 2000 : i32
      %mul3A_788 = arith.muli %arg0, %mul3A_787 : i32
      %add3A_789 = arith.addi %mul3A_786, %mul3A_788 : i32
      %add3A_790 = vector.broadcast %add3A_789 : i32 to vector<8x512xi32>
      %add3A_791 = arith.addi %iota3A, %add3A_790 : vector<8x512xi32>
      %lt3A_792 = arith.cmpf olt, %get3A_784, %select_n3A_755 : vector<8x512xf32>
      %select_n3A_793 = arith.select %lt3A_792, %get3A_784, %select_n3A_755 : vector<8x512xi1>, vector<8x512xf32>
      %select_n3A_794 = arith.select %lt3A_792, %add3A_791, %select_n3A_756 : vector<8x512xi1>, vector<8x512xi32>
      %select_n3A_795 = arith.select %lt3A_792, %select_n3A_755, %get3A_784 : vector<8x512xi1>, vector<8x512xf32>
      %select_n3A_796 = arith.select %lt3A_792, %select_n3A_756, %add3A_791 : vector<8x512xi1>, vector<8x512xi32>
      %lt3A_797 = arith.cmpf olt, %select_n3A_795, %select_n3A_760 : vector<8x512xf32>
      %select_n3A_798 = arith.select %lt3A_797, %select_n3A_795, %select_n3A_760 : vector<8x512xi1>, vector<8x512xf32>
      %select_n3A_799 = arith.select %lt3A_797, %select_n3A_796, %select_n3A_761 : vector<8x512xi1>, vector<8x512xi32>
      %select_n3A_800 = arith.select %lt3A_797, %select_n3A_760, %select_n3A_795 : vector<8x512xi1>, vector<8x512xf32>
      %select_n3A_801 = arith.select %lt3A_797, %select_n3A_761, %select_n3A_796 : vector<8x512xi1>, vector<8x512xi32>
      %lt3A_802 = arith.cmpf olt, %select_n3A_800, %select_n3A_765 : vector<8x512xf32>
      %select_n3A_803 = arith.select %lt3A_802, %select_n3A_800, %select_n3A_765 : vector<8x512xi1>, vector<8x512xf32>
      %select_n3A_804 = arith.select %lt3A_802, %select_n3A_801, %select_n3A_766 : vector<8x512xi1>, vector<8x512xi32>
      %select_n3A_805 = arith.select %lt3A_802, %select_n3A_765, %select_n3A_800 : vector<8x512xi1>, vector<8x512xf32>
      %select_n3A_806 = arith.select %lt3A_802, %select_n3A_766, %select_n3A_801 : vector<8x512xi1>, vector<8x512xi32>
      %lt3A_807 = arith.cmpf olt, %select_n3A_805, %select_n3A_770 : vector<8x512xf32>
      %select_n3A_808 = arith.select %lt3A_807, %select_n3A_805, %select_n3A_770 : vector<8x512xi1>, vector<8x512xf32>
      %select_n3A_809 = arith.select %lt3A_807, %select_n3A_806, %select_n3A_771 : vector<8x512xi1>, vector<8x512xi32>
      %select_n3A_810 = arith.select %lt3A_807, %select_n3A_770, %select_n3A_805 : vector<8x512xi1>, vector<8x512xf32>
      %select_n3A_811 = arith.select %lt3A_807, %select_n3A_771, %select_n3A_806 : vector<8x512xi1>, vector<8x512xi32>
      %lt3A_812 = arith.cmpf olt, %select_n3A_810, %select_n3A_775 : vector<8x512xf32>
      %select_n3A_813 = arith.select %lt3A_812, %select_n3A_810, %select_n3A_775 : vector<8x512xi1>, vector<8x512xf32>
      %select_n3A_814 = arith.select %lt3A_812, %select_n3A_811, %select_n3A_776 : vector<8x512xi1>, vector<8x512xi32>
      %scan3A_815 = arith.constant 19 : i32
      %scan3A_816 = arith.addi %scan3A_87, %scan3A_815 : i32
      %mul3A_817 = arith.constant 8 : i32
      %mul3A_818 = arith.muli %scan3A_816, %mul3A_817 : i32
      %multiple_of3A_819 = tpu.assume_multiple %mul3A_818, 8 : i32
      %get3A_820 = arith.index_cast %multiple_of3A_819 : i32 to index
      %get3A_821 = arith.constant 0 : index
      %get3A_822 = vector.load %arg8[%get3A_820, %get3A_821] : memref<2000x512xf32, #tpu.memory_space<vmem>>, vector<8x512xf32>
      %mul3A_823 = arith.constant 8 : i32
      %mul3A_824 = arith.muli %scan3A_816, %mul3A_823 : i32
      %mul3A_825 = arith.constant 2000 : i32
      %mul3A_826 = arith.muli %arg0, %mul3A_825 : i32
      %add3A_827 = arith.addi %mul3A_824, %mul3A_826 : i32
      %add3A_828 = vector.broadcast %add3A_827 : i32 to vector<8x512xi32>
      %add3A_829 = arith.addi %iota3A, %add3A_828 : vector<8x512xi32>
      %lt3A_830 = arith.cmpf olt, %get3A_822, %select_n3A_793 : vector<8x512xf32>
      %select_n3A_831 = arith.select %lt3A_830, %get3A_822, %select_n3A_793 : vector<8x512xi1>, vector<8x512xf32>
      %select_n3A_832 = arith.select %lt3A_830, %add3A_829, %select_n3A_794 : vector<8x512xi1>, vector<8x512xi32>
      %select_n3A_833 = arith.select %lt3A_830, %select_n3A_793, %get3A_822 : vector<8x512xi1>, vector<8x512xf32>
      %select_n3A_834 = arith.select %lt3A_830, %select_n3A_794, %add3A_829 : vector<8x512xi1>, vector<8x512xi32>
      %lt3A_835 = arith.cmpf olt, %select_n3A_833, %select_n3A_798 : vector<8x512xf32>
      %select_n3A_836 = arith.select %lt3A_835, %select_n3A_833, %select_n3A_798 : vector<8x512xi1>, vector<8x512xf32>
      %select_n3A_837 = arith.select %lt3A_835, %select_n3A_834, %select_n3A_799 : vector<8x512xi1>, vector<8x512xi32>
      %select_n3A_838 = arith.select %lt3A_835, %select_n3A_798, %select_n3A_833 : vector<8x512xi1>, vector<8x512xf32>
      %select_n3A_839 = arith.select %lt3A_835, %select_n3A_799, %select_n3A_834 : vector<8x512xi1>, vector<8x512xi32>
      %lt3A_840 = arith.cmpf olt, %select_n3A_838, %select_n3A_803 : vector<8x512xf32>
      %select_n3A_841 = arith.select %lt3A_840, %select_n3A_838, %select_n3A_803 : vector<8x512xi1>, vector<8x512xf32>
      %select_n3A_842 = arith.select %lt3A_840, %select_n3A_839, %select_n3A_804 : vector<8x512xi1>, vector<8x512xi32>
      %select_n3A_843 = arith.select %lt3A_840, %select_n3A_803, %select_n3A_838 : vector<8x512xi1>, vector<8x512xf32>
      %select_n3A_844 = arith.select %lt3A_840, %select_n3A_804, %select_n3A_839 : vector<8x512xi1>, vector<8x512xi32>
      %lt3A_845 = arith.cmpf olt, %select_n3A_843, %select_n3A_808 : vector<8x512xf32>
      %select_n3A_846 = arith.select %lt3A_845, %select_n3A_843, %select_n3A_808 : vector<8x512xi1>, vector<8x512xf32>
      %select_n3A_847 = arith.select %lt3A_845, %select_n3A_844, %select_n3A_809 : vector<8x512xi1>, vector<8x512xi32>
      %select_n3A_848 = arith.select %lt3A_845, %select_n3A_808, %select_n3A_843 : vector<8x512xi1>, vector<8x512xf32>
      %select_n3A_849 = arith.select %lt3A_845, %select_n3A_809, %select_n3A_844 : vector<8x512xi1>, vector<8x512xi32>
      %lt3A_850 = arith.cmpf olt, %select_n3A_848, %select_n3A_813 : vector<8x512xf32>
      %select_n3A_851 = arith.select %lt3A_850, %select_n3A_848, %select_n3A_813 : vector<8x512xi1>, vector<8x512xf32>
      %select_n3A_852 = arith.select %lt3A_850, %select_n3A_849, %select_n3A_814 : vector<8x512xi1>, vector<8x512xi32>
      %scan3A_853 = arith.constant 20 : i32
      %scan3A_854 = arith.addi %scan3A_87, %scan3A_853 : i32
      %mul3A_855 = arith.constant 8 : i32
      %mul3A_856 = arith.muli %scan3A_854, %mul3A_855 : i32
      %multiple_of3A_857 = tpu.assume_multiple %mul3A_856, 8 : i32
      %get3A_858 = arith.index_cast %multiple_of3A_857 : i32 to index
      %get3A_859 = arith.constant 0 : index
      %get3A_860 = vector.load %arg8[%get3A_858, %get3A_859] : memref<2000x512xf32, #tpu.memory_space<vmem>>, vector<8x512xf32>
      %mul3A_861 = arith.constant 8 : i32
      %mul3A_862 = arith.muli %scan3A_854, %mul3A_861 : i32
      %mul3A_863 = arith.constant 2000 : i32
      %mul3A_864 = arith.muli %arg0, %mul3A_863 : i32
      %add3A_865 = arith.addi %mul3A_862, %mul3A_864 : i32
      %add3A_866 = vector.broadcast %add3A_865 : i32 to vector<8x512xi32>
      %add3A_867 = arith.addi %iota3A, %add3A_866 : vector<8x512xi32>
      %lt3A_868 = arith.cmpf olt, %get3A_860, %select_n3A_831 : vector<8x512xf32>
      %select_n3A_869 = arith.select %lt3A_868, %get3A_860, %select_n3A_831 : vector<8x512xi1>, vector<8x512xf32>
      %select_n3A_870 = arith.select %lt3A_868, %add3A_867, %select_n3A_832 : vector<8x512xi1>, vector<8x512xi32>
      %select_n3A_871 = arith.select %lt3A_868, %select_n3A_831, %get3A_860 : vector<8x512xi1>, vector<8x512xf32>
      %select_n3A_872 = arith.select %lt3A_868, %select_n3A_832, %add3A_867 : vector<8x512xi1>, vector<8x512xi32>
      %lt3A_873 = arith.cmpf olt, %select_n3A_871, %select_n3A_836 : vector<8x512xf32>
      %select_n3A_874 = arith.select %lt3A_873, %select_n3A_871, %select_n3A_836 : vector<8x512xi1>, vector<8x512xf32>
      %select_n3A_875 = arith.select %lt3A_873, %select_n3A_872, %select_n3A_837 : vector<8x512xi1>, vector<8x512xi32>
      %select_n3A_876 = arith.select %lt3A_873, %select_n3A_836, %select_n3A_871 : vector<8x512xi1>, vector<8x512xf32>
      %select_n3A_877 = arith.select %lt3A_873, %select_n3A_837, %select_n3A_872 : vector<8x512xi1>, vector<8x512xi32>
      %lt3A_878 = arith.cmpf olt, %select_n3A_876, %select_n3A_841 : vector<8x512xf32>
      %select_n3A_879 = arith.select %lt3A_878, %select_n3A_876, %select_n3A_841 : vector<8x512xi1>, vector<8x512xf32>
      %select_n3A_880 = arith.select %lt3A_878, %select_n3A_877, %select_n3A_842 : vector<8x512xi1>, vector<8x512xi32>
      %select_n3A_881 = arith.select %lt3A_878, %select_n3A_841, %select_n3A_876 : vector<8x512xi1>, vector<8x512xf32>
      %select_n3A_882 = arith.select %lt3A_878, %select_n3A_842, %select_n3A_877 : vector<8x512xi1>, vector<8x512xi32>
      %lt3A_883 = arith.cmpf olt, %select_n3A_881, %select_n3A_846 : vector<8x512xf32>
      %select_n3A_884 = arith.select %lt3A_883, %select_n3A_881, %select_n3A_846 : vector<8x512xi1>, vector<8x512xf32>
      %select_n3A_885 = arith.select %lt3A_883, %select_n3A_882, %select_n3A_847 : vector<8x512xi1>, vector<8x512xi32>
      %select_n3A_886 = arith.select %lt3A_883, %select_n3A_846, %select_n3A_881 : vector<8x512xi1>, vector<8x512xf32>
      %select_n3A_887 = arith.select %lt3A_883, %select_n3A_847, %select_n3A_882 : vector<8x512xi1>, vector<8x512xi32>
      %lt3A_888 = arith.cmpf olt, %select_n3A_886, %select_n3A_851 : vector<8x512xf32>
      %select_n3A_889 = arith.select %lt3A_888, %select_n3A_886, %select_n3A_851 : vector<8x512xi1>, vector<8x512xf32>
      %select_n3A_890 = arith.select %lt3A_888, %select_n3A_887, %select_n3A_852 : vector<8x512xi1>, vector<8x512xi32>
      %scan3A_891 = arith.constant 21 : i32
      %scan3A_892 = arith.addi %scan3A_87, %scan3A_891 : i32
      %mul3A_893 = arith.constant 8 : i32
      %mul3A_894 = arith.muli %scan3A_892, %mul3A_893 : i32
      %multiple_of3A_895 = tpu.assume_multiple %mul3A_894, 8 : i32
      %get3A_896 = arith.index_cast %multiple_of3A_895 : i32 to index
      %get3A_897 = arith.constant 0 : index
      %get3A_898 = vector.load %arg8[%get3A_896, %get3A_897] : memref<2000x512xf32, #tpu.memory_space<vmem>>, vector<8x512xf32>
      %mul3A_899 = arith.constant 8 : i32
      %mul3A_900 = arith.muli %scan3A_892, %mul3A_899 : i32
      %mul3A_901 = arith.constant 2000 : i32
      %mul3A_902 = arith.muli %arg0, %mul3A_901 : i32
      %add3A_903 = arith.addi %mul3A_900, %mul3A_902 : i32
      %add3A_904 = vector.broadcast %add3A_903 : i32 to vector<8x512xi32>
      %add3A_905 = arith.addi %iota3A, %add3A_904 : vector<8x512xi32>
      %lt3A_906 = arith.cmpf olt, %get3A_898, %select_n3A_869 : vector<8x512xf32>
      %select_n3A_907 = arith.select %lt3A_906, %get3A_898, %select_n3A_869 : vector<8x512xi1>, vector<8x512xf32>
      %select_n3A_908 = arith.select %lt3A_906, %add3A_905, %select_n3A_870 : vector<8x512xi1>, vector<8x512xi32>
      %select_n3A_909 = arith.select %lt3A_906, %select_n3A_869, %get3A_898 : vector<8x512xi1>, vector<8x512xf32>
      %select_n3A_910 = arith.select %lt3A_906, %select_n3A_870, %add3A_905 : vector<8x512xi1>, vector<8x512xi32>
      %lt3A_911 = arith.cmpf olt, %select_n3A_909, %select_n3A_874 : vector<8x512xf32>
      %select_n3A_912 = arith.select %lt3A_911, %select_n3A_909, %select_n3A_874 : vector<8x512xi1>, vector<8x512xf32>
      %select_n3A_913 = arith.select %lt3A_911, %select_n3A_910, %select_n3A_875 : vector<8x512xi1>, vector<8x512xi32>
      %select_n3A_914 = arith.select %lt3A_911, %select_n3A_874, %select_n3A_909 : vector<8x512xi1>, vector<8x512xf32>
      %select_n3A_915 = arith.select %lt3A_911, %select_n3A_875, %select_n3A_910 : vector<8x512xi1>, vector<8x512xi32>
      %lt3A_916 = arith.cmpf olt, %select_n3A_914, %select_n3A_879 : vector<8x512xf32>
      %select_n3A_917 = arith.select %lt3A_916, %select_n3A_914, %select_n3A_879 : vector<8x512xi1>, vector<8x512xf32>
      %select_n3A_918 = arith.select %lt3A_916, %select_n3A_915, %select_n3A_880 : vector<8x512xi1>, vector<8x512xi32>
      %select_n3A_919 = arith.select %lt3A_916, %select_n3A_879, %select_n3A_914 : vector<8x512xi1>, vector<8x512xf32>
      %select_n3A_920 = arith.select %lt3A_916, %select_n3A_880, %select_n3A_915 : vector<8x512xi1>, vector<8x512xi32>
      %lt3A_921 = arith.cmpf olt, %select_n3A_919, %select_n3A_884 : vector<8x512xf32>
      %select_n3A_922 = arith.select %lt3A_921, %select_n3A_919, %select_n3A_884 : vector<8x512xi1>, vector<8x512xf32>
      %select_n3A_923 = arith.select %lt3A_921, %select_n3A_920, %select_n3A_885 : vector<8x512xi1>, vector<8x512xi32>
      %select_n3A_924 = arith.select %lt3A_921, %select_n3A_884, %select_n3A_919 : vector<8x512xi1>, vector<8x512xf32>
      %select_n3A_925 = arith.select %lt3A_921, %select_n3A_885, %select_n3A_920 : vector<8x512xi1>, vector<8x512xi32>
      %lt3A_926 = arith.cmpf olt, %select_n3A_924, %select_n3A_889 : vector<8x512xf32>
      %select_n3A_927 = arith.select %lt3A_926, %select_n3A_924, %select_n3A_889 : vector<8x512xi1>, vector<8x512xf32>
      %select_n3A_928 = arith.select %lt3A_926, %select_n3A_925, %select_n3A_890 : vector<8x512xi1>, vector<8x512xi32>
      %scan3A_929 = arith.constant 22 : i32
      %scan3A_930 = arith.addi %scan3A_87, %scan3A_929 : i32
      %mul3A_931 = arith.constant 8 : i32
      %mul3A_932 = arith.muli %scan3A_930, %mul3A_931 : i32
      %multiple_of3A_933 = tpu.assume_multiple %mul3A_932, 8 : i32
      %get3A_934 = arith.index_cast %multiple_of3A_933 : i32 to index
      %get3A_935 = arith.constant 0 : index
      %get3A_936 = vector.load %arg8[%get3A_934, %get3A_935] : memref<2000x512xf32, #tpu.memory_space<vmem>>, vector<8x512xf32>
      %mul3A_937 = arith.constant 8 : i32
      %mul3A_938 = arith.muli %scan3A_930, %mul3A_937 : i32
      %mul3A_939 = arith.constant 2000 : i32
      %mul3A_940 = arith.muli %arg0, %mul3A_939 : i32
      %add3A_941 = arith.addi %mul3A_938, %mul3A_940 : i32
      %add3A_942 = vector.broadcast %add3A_941 : i32 to vector<8x512xi32>
      %add3A_943 = arith.addi %iota3A, %add3A_942 : vector<8x512xi32>
      %lt3A_944 = arith.cmpf olt, %get3A_936, %select_n3A_907 : vector<8x512xf32>
      %select_n3A_945 = arith.select %lt3A_944, %get3A_936, %select_n3A_907 : vector<8x512xi1>, vector<8x512xf32>
      %select_n3A_946 = arith.select %lt3A_944, %add3A_943, %select_n3A_908 : vector<8x512xi1>, vector<8x512xi32>
      %select_n3A_947 = arith.select %lt3A_944, %select_n3A_907, %get3A_936 : vector<8x512xi1>, vector<8x512xf32>
      %select_n3A_948 = arith.select %lt3A_944, %select_n3A_908, %add3A_943 : vector<8x512xi1>, vector<8x512xi32>
      %lt3A_949 = arith.cmpf olt, %select_n3A_947, %select_n3A_912 : vector<8x512xf32>
      %select_n3A_950 = arith.select %lt3A_949, %select_n3A_947, %select_n3A_912 : vector<8x512xi1>, vector<8x512xf32>
      %select_n3A_951 = arith.select %lt3A_949, %select_n3A_948, %select_n3A_913 : vector<8x512xi1>, vector<8x512xi32>
      %select_n3A_952 = arith.select %lt3A_949, %select_n3A_912, %select_n3A_947 : vector<8x512xi1>, vector<8x512xf32>
      %select_n3A_953 = arith.select %lt3A_949, %select_n3A_913, %select_n3A_948 : vector<8x512xi1>, vector<8x512xi32>
      %lt3A_954 = arith.cmpf olt, %select_n3A_952, %select_n3A_917 : vector<8x512xf32>
      %select_n3A_955 = arith.select %lt3A_954, %select_n3A_952, %select_n3A_917 : vector<8x512xi1>, vector<8x512xf32>
      %select_n3A_956 = arith.select %lt3A_954, %select_n3A_953, %select_n3A_918 : vector<8x512xi1>, vector<8x512xi32>
      %select_n3A_957 = arith.select %lt3A_954, %select_n3A_917, %select_n3A_952 : vector<8x512xi1>, vector<8x512xf32>
      %select_n3A_958 = arith.select %lt3A_954, %select_n3A_918, %select_n3A_953 : vector<8x512xi1>, vector<8x512xi32>
      %lt3A_959 = arith.cmpf olt, %select_n3A_957, %select_n3A_922 : vector<8x512xf32>
      %select_n3A_960 = arith.select %lt3A_959, %select_n3A_957, %select_n3A_922 : vector<8x512xi1>, vector<8x512xf32>
      %select_n3A_961 = arith.select %lt3A_959, %select_n3A_958, %select_n3A_923 : vector<8x512xi1>, vector<8x512xi32>
      %select_n3A_962 = arith.select %lt3A_959, %select_n3A_922, %select_n3A_957 : vector<8x512xi1>, vector<8x512xf32>
      %select_n3A_963 = arith.select %lt3A_959, %select_n3A_923, %select_n3A_958 : vector<8x512xi1>, vector<8x512xi32>
      %lt3A_964 = arith.cmpf olt, %select_n3A_962, %select_n3A_927 : vector<8x512xf32>
      %select_n3A_965 = arith.select %lt3A_964, %select_n3A_962, %select_n3A_927 : vector<8x512xi1>, vector<8x512xf32>
      %select_n3A_966 = arith.select %lt3A_964, %select_n3A_963, %select_n3A_928 : vector<8x512xi1>, vector<8x512xi32>
      %scan3A_967 = arith.constant 23 : i32
      %scan3A_968 = arith.addi %scan3A_87, %scan3A_967 : i32
      %mul3A_969 = arith.constant 8 : i32
      %mul3A_970 = arith.muli %scan3A_968, %mul3A_969 : i32
      %multiple_of3A_971 = tpu.assume_multiple %mul3A_970, 8 : i32
      %get3A_972 = arith.index_cast %multiple_of3A_971 : i32 to index
      %get3A_973 = arith.constant 0 : index
      %get3A_974 = vector.load %arg8[%get3A_972, %get3A_973] : memref<2000x512xf32, #tpu.memory_space<vmem>>, vector<8x512xf32>
      %mul3A_975 = arith.constant 8 : i32
      %mul3A_976 = arith.muli %scan3A_968, %mul3A_975 : i32
      %mul3A_977 = arith.constant 2000 : i32
      %mul3A_978 = arith.muli %arg0, %mul3A_977 : i32
      %add3A_979 = arith.addi %mul3A_976, %mul3A_978 : i32
      %add3A_980 = vector.broadcast %add3A_979 : i32 to vector<8x512xi32>
      %add3A_981 = arith.addi %iota3A, %add3A_980 : vector<8x512xi32>
      %lt3A_982 = arith.cmpf olt, %get3A_974, %select_n3A_945 : vector<8x512xf32>
      %select_n3A_983 = arith.select %lt3A_982, %get3A_974, %select_n3A_945 : vector<8x512xi1>, vector<8x512xf32>
      %select_n3A_984 = arith.select %lt3A_982, %add3A_981, %select_n3A_946 : vector<8x512xi1>, vector<8x512xi32>
      %select_n3A_985 = arith.select %lt3A_982, %select_n3A_945, %get3A_974 : vector<8x512xi1>, vector<8x512xf32>
      %select_n3A_986 = arith.select %lt3A_982, %select_n3A_946, %add3A_981 : vector<8x512xi1>, vector<8x512xi32>
      %lt3A_987 = arith.cmpf olt, %select_n3A_985, %select_n3A_950 : vector<8x512xf32>
      %select_n3A_988 = arith.select %lt3A_987, %select_n3A_985, %select_n3A_950 : vector<8x512xi1>, vector<8x512xf32>
      %select_n3A_989 = arith.select %lt3A_987, %select_n3A_986, %select_n3A_951 : vector<8x512xi1>, vector<8x512xi32>
      %select_n3A_990 = arith.select %lt3A_987, %select_n3A_950, %select_n3A_985 : vector<8x512xi1>, vector<8x512xf32>
      %select_n3A_991 = arith.select %lt3A_987, %select_n3A_951, %select_n3A_986 : vector<8x512xi1>, vector<8x512xi32>
      %lt3A_992 = arith.cmpf olt, %select_n3A_990, %select_n3A_955 : vector<8x512xf32>
      %select_n3A_993 = arith.select %lt3A_992, %select_n3A_990, %select_n3A_955 : vector<8x512xi1>, vector<8x512xf32>
      %select_n3A_994 = arith.select %lt3A_992, %select_n3A_991, %select_n3A_956 : vector<8x512xi1>, vector<8x512xi32>
      %select_n3A_995 = arith.select %lt3A_992, %select_n3A_955, %select_n3A_990 : vector<8x512xi1>, vector<8x512xf32>
      %select_n3A_996 = arith.select %lt3A_992, %select_n3A_956, %select_n3A_991 : vector<8x512xi1>, vector<8x512xi32>
      %lt3A_997 = arith.cmpf olt, %select_n3A_995, %select_n3A_960 : vector<8x512xf32>
      %select_n3A_998 = arith.select %lt3A_997, %select_n3A_995, %select_n3A_960 : vector<8x512xi1>, vector<8x512xf32>
      %select_n3A_999 = arith.select %lt3A_997, %select_n3A_996, %select_n3A_961 : vector<8x512xi1>, vector<8x512xi32>
      %select_n3A_1000 = arith.select %lt3A_997, %select_n3A_960, %select_n3A_995 : vector<8x512xi1>, vector<8x512xf32>
      %select_n3A_1001 = arith.select %lt3A_997, %select_n3A_961, %select_n3A_996 : vector<8x512xi1>, vector<8x512xi32>
      %lt3A_1002 = arith.cmpf olt, %select_n3A_1000, %select_n3A_965 : vector<8x512xf32>
      %select_n3A_1003 = arith.select %lt3A_1002, %select_n3A_1000, %select_n3A_965 : vector<8x512xi1>, vector<8x512xf32>
      %select_n3A_1004 = arith.select %lt3A_1002, %select_n3A_1001, %select_n3A_966 : vector<8x512xi1>, vector<8x512xi32>
      %scan3A_1005 = arith.constant 24 : i32
      %scan3A_1006 = arith.addi %scan3A_87, %scan3A_1005 : i32
      %mul3A_1007 = arith.constant 8 : i32
      %mul3A_1008 = arith.muli %scan3A_1006, %mul3A_1007 : i32
      %multiple_of3A_1009 = tpu.assume_multiple %mul3A_1008, 8 : i32
      %get3A_1010 = arith.index_cast %multiple_of3A_1009 : i32 to index
      %get3A_1011 = arith.constant 0 : index
      %get3A_1012 = vector.load %arg8[%get3A_1010, %get3A_1011] : memref<2000x512xf32, #tpu.memory_space<vmem>>, vector<8x512xf32>
      %mul3A_1013 = arith.constant 8 : i32
      %mul3A_1014 = arith.muli %scan3A_1006, %mul3A_1013 : i32
      %mul3A_1015 = arith.constant 2000 : i32
      %mul3A_1016 = arith.muli %arg0, %mul3A_1015 : i32
      %add3A_1017 = arith.addi %mul3A_1014, %mul3A_1016 : i32
      %add3A_1018 = vector.broadcast %add3A_1017 : i32 to vector<8x512xi32>
      %add3A_1019 = arith.addi %iota3A, %add3A_1018 : vector<8x512xi32>
      %lt3A_1020 = arith.cmpf olt, %get3A_1012, %select_n3A_983 : vector<8x512xf32>
      %select_n3A_1021 = arith.select %lt3A_1020, %get3A_1012, %select_n3A_983 : vector<8x512xi1>, vector<8x512xf32>
      %select_n3A_1022 = arith.select %lt3A_1020, %add3A_1019, %select_n3A_984 : vector<8x512xi1>, vector<8x512xi32>
      %select_n3A_1023 = arith.select %lt3A_1020, %select_n3A_983, %get3A_1012 : vector<8x512xi1>, vector<8x512xf32>
      %select_n3A_1024 = arith.select %lt3A_1020, %select_n3A_984, %add3A_1019 : vector<8x512xi1>, vector<8x512xi32>
      %lt3A_1025 = arith.cmpf olt, %select_n3A_1023, %select_n3A_988 : vector<8x512xf32>
      %select_n3A_1026 = arith.select %lt3A_1025, %select_n3A_1023, %select_n3A_988 : vector<8x512xi1>, vector<8x512xf32>
      %select_n3A_1027 = arith.select %lt3A_1025, %select_n3A_1024, %select_n3A_989 : vector<8x512xi1>, vector<8x512xi32>
      %select_n3A_1028 = arith.select %lt3A_1025, %select_n3A_988, %select_n3A_1023 : vector<8x512xi1>, vector<8x512xf32>
      %select_n3A_1029 = arith.select %lt3A_1025, %select_n3A_989, %select_n3A_1024 : vector<8x512xi1>, vector<8x512xi32>
      %lt3A_1030 = arith.cmpf olt, %select_n3A_1028, %select_n3A_993 : vector<8x512xf32>
      %select_n3A_1031 = arith.select %lt3A_1030, %select_n3A_1028, %select_n3A_993 : vector<8x512xi1>, vector<8x512xf32>
      %select_n3A_1032 = arith.select %lt3A_1030, %select_n3A_1029, %select_n3A_994 : vector<8x512xi1>, vector<8x512xi32>
      %select_n3A_1033 = arith.select %lt3A_1030, %select_n3A_993, %select_n3A_1028 : vector<8x512xi1>, vector<8x512xf32>
      %select_n3A_1034 = arith.select %lt3A_1030, %select_n3A_994, %select_n3A_1029 : vector<8x512xi1>, vector<8x512xi32>
      %lt3A_1035 = arith.cmpf olt, %select_n3A_1033, %select_n3A_998 : vector<8x512xf32>
      %select_n3A_1036 = arith.select %lt3A_1035, %select_n3A_1033, %select_n3A_998 : vector<8x512xi1>, vector<8x512xf32>
      %select_n3A_1037 = arith.select %lt3A_1035, %select_n3A_1034, %select_n3A_999 : vector<8x512xi1>, vector<8x512xi32>
      %select_n3A_1038 = arith.select %lt3A_1035, %select_n3A_998, %select_n3A_1033 : vector<8x512xi1>, vector<8x512xf32>
      %select_n3A_1039 = arith.select %lt3A_1035, %select_n3A_999, %select_n3A_1034 : vector<8x512xi1>, vector<8x512xi32>
      %lt3A_1040 = arith.cmpf olt, %select_n3A_1038, %select_n3A_1003 : vector<8x512xf32>
      %select_n3A_1041 = arith.select %lt3A_1040, %select_n3A_1038, %select_n3A_1003 : vector<8x512xi1>, vector<8x512xf32>
      %select_n3A_1042 = arith.select %lt3A_1040, %select_n3A_1039, %select_n3A_1004 : vector<8x512xi1>, vector<8x512xi32>
      %scan3A_1043 = arith.constant 25 : i32
      %scan3A_1044 = arith.addi %scan3A_87, %scan3A_1043 : i32
      %mul3A_1045 = arith.constant 8 : i32
      %mul3A_1046 = arith.muli %scan3A_1044, %mul3A_1045 : i32
      %multiple_of3A_1047 = tpu.assume_multiple %mul3A_1046, 8 : i32
      %get3A_1048 = arith.index_cast %multiple_of3A_1047 : i32 to index
      %get3A_1049 = arith.constant 0 : index
      %get3A_1050 = vector.load %arg8[%get3A_1048, %get3A_1049] : memref<2000x512xf32, #tpu.memory_space<vmem>>, vector<8x512xf32>
      %mul3A_1051 = arith.constant 8 : i32
      %mul3A_1052 = arith.muli %scan3A_1044, %mul3A_1051 : i32
      %mul3A_1053 = arith.constant 2000 : i32
      %mul3A_1054 = arith.muli %arg0, %mul3A_1053 : i32
      %add3A_1055 = arith.addi %mul3A_1052, %mul3A_1054 : i32
      %add3A_1056 = vector.broadcast %add3A_1055 : i32 to vector<8x512xi32>
      %add3A_1057 = arith.addi %iota3A, %add3A_1056 : vector<8x512xi32>
      %lt3A_1058 = arith.cmpf olt, %get3A_1050, %select_n3A_1021 : vector<8x512xf32>
      %select_n3A_1059 = arith.select %lt3A_1058, %get3A_1050, %select_n3A_1021 : vector<8x512xi1>, vector<8x512xf32>
      %select_n3A_1060 = arith.select %lt3A_1058, %add3A_1057, %select_n3A_1022 : vector<8x512xi1>, vector<8x512xi32>
      %select_n3A_1061 = arith.select %lt3A_1058, %select_n3A_1021, %get3A_1050 : vector<8x512xi1>, vector<8x512xf32>
      %select_n3A_1062 = arith.select %lt3A_1058, %select_n3A_1022, %add3A_1057 : vector<8x512xi1>, vector<8x512xi32>
      %lt3A_1063 = arith.cmpf olt, %select_n3A_1061, %select_n3A_1026 : vector<8x512xf32>
      %select_n3A_1064 = arith.select %lt3A_1063, %select_n3A_1061, %select_n3A_1026 : vector<8x512xi1>, vector<8x512xf32>
      %select_n3A_1065 = arith.select %lt3A_1063, %select_n3A_1062, %select_n3A_1027 : vector<8x512xi1>, vector<8x512xi32>
      %select_n3A_1066 = arith.select %lt3A_1063, %select_n3A_1026, %select_n3A_1061 : vector<8x512xi1>, vector<8x512xf32>
      %select_n3A_1067 = arith.select %lt3A_1063, %select_n3A_1027, %select_n3A_1062 : vector<8x512xi1>, vector<8x512xi32>
      %lt3A_1068 = arith.cmpf olt, %select_n3A_1066, %select_n3A_1031 : vector<8x512xf32>
      %select_n3A_1069 = arith.select %lt3A_1068, %select_n3A_1066, %select_n3A_1031 : vector<8x512xi1>, vector<8x512xf32>
      %select_n3A_1070 = arith.select %lt3A_1068, %select_n3A_1067, %select_n3A_1032 : vector<8x512xi1>, vector<8x512xi32>
      %select_n3A_1071 = arith.select %lt3A_1068, %select_n3A_1031, %select_n3A_1066 : vector<8x512xi1>, vector<8x512xf32>
      %select_n3A_1072 = arith.select %lt3A_1068, %select_n3A_1032, %select_n3A_1067 : vector<8x512xi1>, vector<8x512xi32>
      %lt3A_1073 = arith.cmpf olt, %select_n3A_1071, %select_n3A_1036 : vector<8x512xf32>
      %select_n3A_1074 = arith.select %lt3A_1073, %select_n3A_1071, %select_n3A_1036 : vector<8x512xi1>, vector<8x512xf32>
      %select_n3A_1075 = arith.select %lt3A_1073, %select_n3A_1072, %select_n3A_1037 : vector<8x512xi1>, vector<8x512xi32>
      %select_n3A_1076 = arith.select %lt3A_1073, %select_n3A_1036, %select_n3A_1071 : vector<8x512xi1>, vector<8x512xf32>
      %select_n3A_1077 = arith.select %lt3A_1073, %select_n3A_1037, %select_n3A_1072 : vector<8x512xi1>, vector<8x512xi32>
      %lt3A_1078 = arith.cmpf olt, %select_n3A_1076, %select_n3A_1041 : vector<8x512xf32>
      %select_n3A_1079 = arith.select %lt3A_1078, %select_n3A_1076, %select_n3A_1041 : vector<8x512xi1>, vector<8x512xf32>
      %select_n3A_1080 = arith.select %lt3A_1078, %select_n3A_1077, %select_n3A_1042 : vector<8x512xi1>, vector<8x512xi32>
      %scan3A_1081 = arith.constant 26 : i32
      %scan3A_1082 = arith.addi %scan3A_87, %scan3A_1081 : i32
      %mul3A_1083 = arith.constant 8 : i32
      %mul3A_1084 = arith.muli %scan3A_1082, %mul3A_1083 : i32
      %multiple_of3A_1085 = tpu.assume_multiple %mul3A_1084, 8 : i32
      %get3A_1086 = arith.index_cast %multiple_of3A_1085 : i32 to index
      %get3A_1087 = arith.constant 0 : index
      %get3A_1088 = vector.load %arg8[%get3A_1086, %get3A_1087] : memref<2000x512xf32, #tpu.memory_space<vmem>>, vector<8x512xf32>
      %mul3A_1089 = arith.constant 8 : i32
      %mul3A_1090 = arith.muli %scan3A_1082, %mul3A_1089 : i32
      %mul3A_1091 = arith.constant 2000 : i32
      %mul3A_1092 = arith.muli %arg0, %mul3A_1091 : i32
      %add3A_1093 = arith.addi %mul3A_1090, %mul3A_1092 : i32
      %add3A_1094 = vector.broadcast %add3A_1093 : i32 to vector<8x512xi32>
      %add3A_1095 = arith.addi %iota3A, %add3A_1094 : vector<8x512xi32>
      %lt3A_1096 = arith.cmpf olt, %get3A_1088, %select_n3A_1059 : vector<8x512xf32>
      %select_n3A_1097 = arith.select %lt3A_1096, %get3A_1088, %select_n3A_1059 : vector<8x512xi1>, vector<8x512xf32>
      %select_n3A_1098 = arith.select %lt3A_1096, %add3A_1095, %select_n3A_1060 : vector<8x512xi1>, vector<8x512xi32>
      %select_n3A_1099 = arith.select %lt3A_1096, %select_n3A_1059, %get3A_1088 : vector<8x512xi1>, vector<8x512xf32>
      %select_n3A_1100 = arith.select %lt3A_1096, %select_n3A_1060, %add3A_1095 : vector<8x512xi1>, vector<8x512xi32>
      %lt3A_1101 = arith.cmpf olt, %select_n3A_1099, %select_n3A_1064 : vector<8x512xf32>
      %select_n3A_1102 = arith.select %lt3A_1101, %select_n3A_1099, %select_n3A_1064 : vector<8x512xi1>, vector<8x512xf32>
      %select_n3A_1103 = arith.select %lt3A_1101, %select_n3A_1100, %select_n3A_1065 : vector<8x512xi1>, vector<8x512xi32>
      %select_n3A_1104 = arith.select %lt3A_1101, %select_n3A_1064, %select_n3A_1099 : vector<8x512xi1>, vector<8x512xf32>
      %select_n3A_1105 = arith.select %lt3A_1101, %select_n3A_1065, %select_n3A_1100 : vector<8x512xi1>, vector<8x512xi32>
      %lt3A_1106 = arith.cmpf olt, %select_n3A_1104, %select_n3A_1069 : vector<8x512xf32>
      %select_n3A_1107 = arith.select %lt3A_1106, %select_n3A_1104, %select_n3A_1069 : vector<8x512xi1>, vector<8x512xf32>
      %select_n3A_1108 = arith.select %lt3A_1106, %select_n3A_1105, %select_n3A_1070 : vector<8x512xi1>, vector<8x512xi32>
      %select_n3A_1109 = arith.select %lt3A_1106, %select_n3A_1069, %select_n3A_1104 : vector<8x512xi1>, vector<8x512xf32>
      %select_n3A_1110 = arith.select %lt3A_1106, %select_n3A_1070, %select_n3A_1105 : vector<8x512xi1>, vector<8x512xi32>
      %lt3A_1111 = arith.cmpf olt, %select_n3A_1109, %select_n3A_1074 : vector<8x512xf32>
      %select_n3A_1112 = arith.select %lt3A_1111, %select_n3A_1109, %select_n3A_1074 : vector<8x512xi1>, vector<8x512xf32>
      %select_n3A_1113 = arith.select %lt3A_1111, %select_n3A_1110, %select_n3A_1075 : vector<8x512xi1>, vector<8x512xi32>
      %select_n3A_1114 = arith.select %lt3A_1111, %select_n3A_1074, %select_n3A_1109 : vector<8x512xi1>, vector<8x512xf32>
      %select_n3A_1115 = arith.select %lt3A_1111, %select_n3A_1075, %select_n3A_1110 : vector<8x512xi1>, vector<8x512xi32>
      %lt3A_1116 = arith.cmpf olt, %select_n3A_1114, %select_n3A_1079 : vector<8x512xf32>
      %select_n3A_1117 = arith.select %lt3A_1116, %select_n3A_1114, %select_n3A_1079 : vector<8x512xi1>, vector<8x512xf32>
      %select_n3A_1118 = arith.select %lt3A_1116, %select_n3A_1115, %select_n3A_1080 : vector<8x512xi1>, vector<8x512xi32>
      %scan3A_1119 = arith.constant 27 : i32
      %scan3A_1120 = arith.addi %scan3A_87, %scan3A_1119 : i32
      %mul3A_1121 = arith.constant 8 : i32
      %mul3A_1122 = arith.muli %scan3A_1120, %mul3A_1121 : i32
      %multiple_of3A_1123 = tpu.assume_multiple %mul3A_1122, 8 : i32
      %get3A_1124 = arith.index_cast %multiple_of3A_1123 : i32 to index
      %get3A_1125 = arith.constant 0 : index
      %get3A_1126 = vector.load %arg8[%get3A_1124, %get3A_1125] : memref<2000x512xf32, #tpu.memory_space<vmem>>, vector<8x512xf32>
      %mul3A_1127 = arith.constant 8 : i32
      %mul3A_1128 = arith.muli %scan3A_1120, %mul3A_1127 : i32
      %mul3A_1129 = arith.constant 2000 : i32
      %mul3A_1130 = arith.muli %arg0, %mul3A_1129 : i32
      %add3A_1131 = arith.addi %mul3A_1128, %mul3A_1130 : i32
      %add3A_1132 = vector.broadcast %add3A_1131 : i32 to vector<8x512xi32>
      %add3A_1133 = arith.addi %iota3A, %add3A_1132 : vector<8x512xi32>
      %lt3A_1134 = arith.cmpf olt, %get3A_1126, %select_n3A_1097 : vector<8x512xf32>
      %select_n3A_1135 = arith.select %lt3A_1134, %get3A_1126, %select_n3A_1097 : vector<8x512xi1>, vector<8x512xf32>
      %select_n3A_1136 = arith.select %lt3A_1134, %add3A_1133, %select_n3A_1098 : vector<8x512xi1>, vector<8x512xi32>
      %select_n3A_1137 = arith.select %lt3A_1134, %select_n3A_1097, %get3A_1126 : vector<8x512xi1>, vector<8x512xf32>
      %select_n3A_1138 = arith.select %lt3A_1134, %select_n3A_1098, %add3A_1133 : vector<8x512xi1>, vector<8x512xi32>
      %lt3A_1139 = arith.cmpf olt, %select_n3A_1137, %select_n3A_1102 : vector<8x512xf32>
      %select_n3A_1140 = arith.select %lt3A_1139, %select_n3A_1137, %select_n3A_1102 : vector<8x512xi1>, vector<8x512xf32>
      %select_n3A_1141 = arith.select %lt3A_1139, %select_n3A_1138, %select_n3A_1103 : vector<8x512xi1>, vector<8x512xi32>
      %select_n3A_1142 = arith.select %lt3A_1139, %select_n3A_1102, %select_n3A_1137 : vector<8x512xi1>, vector<8x512xf32>
      %select_n3A_1143 = arith.select %lt3A_1139, %select_n3A_1103, %select_n3A_1138 : vector<8x512xi1>, vector<8x512xi32>
      %lt3A_1144 = arith.cmpf olt, %select_n3A_1142, %select_n3A_1107 : vector<8x512xf32>
      %select_n3A_1145 = arith.select %lt3A_1144, %select_n3A_1142, %select_n3A_1107 : vector<8x512xi1>, vector<8x512xf32>
      %select_n3A_1146 = arith.select %lt3A_1144, %select_n3A_1143, %select_n3A_1108 : vector<8x512xi1>, vector<8x512xi32>
      %select_n3A_1147 = arith.select %lt3A_1144, %select_n3A_1107, %select_n3A_1142 : vector<8x512xi1>, vector<8x512xf32>
      %select_n3A_1148 = arith.select %lt3A_1144, %select_n3A_1108, %select_n3A_1143 : vector<8x512xi1>, vector<8x512xi32>
      %lt3A_1149 = arith.cmpf olt, %select_n3A_1147, %select_n3A_1112 : vector<8x512xf32>
      %select_n3A_1150 = arith.select %lt3A_1149, %select_n3A_1147, %select_n3A_1112 : vector<8x512xi1>, vector<8x512xf32>
      %select_n3A_1151 = arith.select %lt3A_1149, %select_n3A_1148, %select_n3A_1113 : vector<8x512xi1>, vector<8x512xi32>
      %select_n3A_1152 = arith.select %lt3A_1149, %select_n3A_1112, %select_n3A_1147 : vector<8x512xi1>, vector<8x512xf32>
      %select_n3A_1153 = arith.select %lt3A_1149, %select_n3A_1113, %select_n3A_1148 : vector<8x512xi1>, vector<8x512xi32>
      %lt3A_1154 = arith.cmpf olt, %select_n3A_1152, %select_n3A_1117 : vector<8x512xf32>
      %select_n3A_1155 = arith.select %lt3A_1154, %select_n3A_1152, %select_n3A_1117 : vector<8x512xi1>, vector<8x512xf32>
      %select_n3A_1156 = arith.select %lt3A_1154, %select_n3A_1153, %select_n3A_1118 : vector<8x512xi1>, vector<8x512xi32>
      %scan3A_1157 = arith.constant 28 : i32
      %scan3A_1158 = arith.addi %scan3A_87, %scan3A_1157 : i32
      %mul3A_1159 = arith.constant 8 : i32
      %mul3A_1160 = arith.muli %scan3A_1158, %mul3A_1159 : i32
      %multiple_of3A_1161 = tpu.assume_multiple %mul3A_1160, 8 : i32
      %get3A_1162 = arith.index_cast %multiple_of3A_1161 : i32 to index
      %get3A_1163 = arith.constant 0 : index
      %get3A_1164 = vector.load %arg8[%get3A_1162, %get3A_1163] : memref<2000x512xf32, #tpu.memory_space<vmem>>, vector<8x512xf32>
      %mul3A_1165 = arith.constant 8 : i32
      %mul3A_1166 = arith.muli %scan3A_1158, %mul3A_1165 : i32
      %mul3A_1167 = arith.constant 2000 : i32
      %mul3A_1168 = arith.muli %arg0, %mul3A_1167 : i32
      %add3A_1169 = arith.addi %mul3A_1166, %mul3A_1168 : i32
      %add3A_1170 = vector.broadcast %add3A_1169 : i32 to vector<8x512xi32>
      %add3A_1171 = arith.addi %iota3A, %add3A_1170 : vector<8x512xi32>
      %lt3A_1172 = arith.cmpf olt, %get3A_1164, %select_n3A_1135 : vector<8x512xf32>
      %select_n3A_1173 = arith.select %lt3A_1172, %get3A_1164, %select_n3A_1135 : vector<8x512xi1>, vector<8x512xf32>
      %select_n3A_1174 = arith.select %lt3A_1172, %add3A_1171, %select_n3A_1136 : vector<8x512xi1>, vector<8x512xi32>
      %select_n3A_1175 = arith.select %lt3A_1172, %select_n3A_1135, %get3A_1164 : vector<8x512xi1>, vector<8x512xf32>
      %select_n3A_1176 = arith.select %lt3A_1172, %select_n3A_1136, %add3A_1171 : vector<8x512xi1>, vector<8x512xi32>
      %lt3A_1177 = arith.cmpf olt, %select_n3A_1175, %select_n3A_1140 : vector<8x512xf32>
      %select_n3A_1178 = arith.select %lt3A_1177, %select_n3A_1175, %select_n3A_1140 : vector<8x512xi1>, vector<8x512xf32>
      %select_n3A_1179 = arith.select %lt3A_1177, %select_n3A_1176, %select_n3A_1141 : vector<8x512xi1>, vector<8x512xi32>
      %select_n3A_1180 = arith.select %lt3A_1177, %select_n3A_1140, %select_n3A_1175 : vector<8x512xi1>, vector<8x512xf32>
      %select_n3A_1181 = arith.select %lt3A_1177, %select_n3A_1141, %select_n3A_1176 : vector<8x512xi1>, vector<8x512xi32>
      %lt3A_1182 = arith.cmpf olt, %select_n3A_1180, %select_n3A_1145 : vector<8x512xf32>
      %select_n3A_1183 = arith.select %lt3A_1182, %select_n3A_1180, %select_n3A_1145 : vector<8x512xi1>, vector<8x512xf32>
      %select_n3A_1184 = arith.select %lt3A_1182, %select_n3A_1181, %select_n3A_1146 : vector<8x512xi1>, vector<8x512xi32>
      %select_n3A_1185 = arith.select %lt3A_1182, %select_n3A_1145, %select_n3A_1180 : vector<8x512xi1>, vector<8x512xf32>
      %select_n3A_1186 = arith.select %lt3A_1182, %select_n3A_1146, %select_n3A_1181 : vector<8x512xi1>, vector<8x512xi32>
      %lt3A_1187 = arith.cmpf olt, %select_n3A_1185, %select_n3A_1150 : vector<8x512xf32>
      %select_n3A_1188 = arith.select %lt3A_1187, %select_n3A_1185, %select_n3A_1150 : vector<8x512xi1>, vector<8x512xf32>
      %select_n3A_1189 = arith.select %lt3A_1187, %select_n3A_1186, %select_n3A_1151 : vector<8x512xi1>, vector<8x512xi32>
      %select_n3A_1190 = arith.select %lt3A_1187, %select_n3A_1150, %select_n3A_1185 : vector<8x512xi1>, vector<8x512xf32>
      %select_n3A_1191 = arith.select %lt3A_1187, %select_n3A_1151, %select_n3A_1186 : vector<8x512xi1>, vector<8x512xi32>
      %lt3A_1192 = arith.cmpf olt, %select_n3A_1190, %select_n3A_1155 : vector<8x512xf32>
      %select_n3A_1193 = arith.select %lt3A_1192, %select_n3A_1190, %select_n3A_1155 : vector<8x512xi1>, vector<8x512xf32>
      %select_n3A_1194 = arith.select %lt3A_1192, %select_n3A_1191, %select_n3A_1156 : vector<8x512xi1>, vector<8x512xi32>
      %scan3A_1195 = arith.constant 29 : i32
      %scan3A_1196 = arith.addi %scan3A_87, %scan3A_1195 : i32
      %mul3A_1197 = arith.constant 8 : i32
      %mul3A_1198 = arith.muli %scan3A_1196, %mul3A_1197 : i32
      %multiple_of3A_1199 = tpu.assume_multiple %mul3A_1198, 8 : i32
      %get3A_1200 = arith.index_cast %multiple_of3A_1199 : i32 to index
      %get3A_1201 = arith.constant 0 : index
      %get3A_1202 = vector.load %arg8[%get3A_1200, %get3A_1201] : memref<2000x512xf32, #tpu.memory_space<vmem>>, vector<8x512xf32>
      %mul3A_1203 = arith.constant 8 : i32
      %mul3A_1204 = arith.muli %scan3A_1196, %mul3A_1203 : i32
      %mul3A_1205 = arith.constant 2000 : i32
      %mul3A_1206 = arith.muli %arg0, %mul3A_1205 : i32
      %add3A_1207 = arith.addi %mul3A_1204, %mul3A_1206 : i32
      %add3A_1208 = vector.broadcast %add3A_1207 : i32 to vector<8x512xi32>
      %add3A_1209 = arith.addi %iota3A, %add3A_1208 : vector<8x512xi32>
      %lt3A_1210 = arith.cmpf olt, %get3A_1202, %select_n3A_1173 : vector<8x512xf32>
      %select_n3A_1211 = arith.select %lt3A_1210, %get3A_1202, %select_n3A_1173 : vector<8x512xi1>, vector<8x512xf32>
      %select_n3A_1212 = arith.select %lt3A_1210, %add3A_1209, %select_n3A_1174 : vector<8x512xi1>, vector<8x512xi32>
      %select_n3A_1213 = arith.select %lt3A_1210, %select_n3A_1173, %get3A_1202 : vector<8x512xi1>, vector<8x512xf32>
      %select_n3A_1214 = arith.select %lt3A_1210, %select_n3A_1174, %add3A_1209 : vector<8x512xi1>, vector<8x512xi32>
      %lt3A_1215 = arith.cmpf olt, %select_n3A_1213, %select_n3A_1178 : vector<8x512xf32>
      %select_n3A_1216 = arith.select %lt3A_1215, %select_n3A_1213, %select_n3A_1178 : vector<8x512xi1>, vector<8x512xf32>
      %select_n3A_1217 = arith.select %lt3A_1215, %select_n3A_1214, %select_n3A_1179 : vector<8x512xi1>, vector<8x512xi32>
      %select_n3A_1218 = arith.select %lt3A_1215, %select_n3A_1178, %select_n3A_1213 : vector<8x512xi1>, vector<8x512xf32>
      %select_n3A_1219 = arith.select %lt3A_1215, %select_n3A_1179, %select_n3A_1214 : vector<8x512xi1>, vector<8x512xi32>
      %lt3A_1220 = arith.cmpf olt, %select_n3A_1218, %select_n3A_1183 : vector<8x512xf32>
      %select_n3A_1221 = arith.select %lt3A_1220, %select_n3A_1218, %select_n3A_1183 : vector<8x512xi1>, vector<8x512xf32>
      %select_n3A_1222 = arith.select %lt3A_1220, %select_n3A_1219, %select_n3A_1184 : vector<8x512xi1>, vector<8x512xi32>
      %select_n3A_1223 = arith.select %lt3A_1220, %select_n3A_1183, %select_n3A_1218 : vector<8x512xi1>, vector<8x512xf32>
      %select_n3A_1224 = arith.select %lt3A_1220, %select_n3A_1184, %select_n3A_1219 : vector<8x512xi1>, vector<8x512xi32>
      %lt3A_1225 = arith.cmpf olt, %select_n3A_1223, %select_n3A_1188 : vector<8x512xf32>
      %select_n3A_1226 = arith.select %lt3A_1225, %select_n3A_1223, %select_n3A_1188 : vector<8x512xi1>, vector<8x512xf32>
      %select_n3A_1227 = arith.select %lt3A_1225, %select_n3A_1224, %select_n3A_1189 : vector<8x512xi1>, vector<8x512xi32>
      %select_n3A_1228 = arith.select %lt3A_1225, %select_n3A_1188, %select_n3A_1223 : vector<8x512xi1>, vector<8x512xf32>
      %select_n3A_1229 = arith.select %lt3A_1225, %select_n3A_1189, %select_n3A_1224 : vector<8x512xi1>, vector<8x512xi32>
      %lt3A_1230 = arith.cmpf olt, %select_n3A_1228, %select_n3A_1193 : vector<8x512xf32>
      %select_n3A_1231 = arith.select %lt3A_1230, %select_n3A_1228, %select_n3A_1193 : vector<8x512xi1>, vector<8x512xf32>
      %select_n3A_1232 = arith.select %lt3A_1230, %select_n3A_1229, %select_n3A_1194 : vector<8x512xi1>, vector<8x512xi32>
      %scan3A_1233 = arith.constant 30 : i32
      %scan3A_1234 = arith.addi %scan3A_87, %scan3A_1233 : i32
      %mul3A_1235 = arith.constant 8 : i32
      %mul3A_1236 = arith.muli %scan3A_1234, %mul3A_1235 : i32
      %multiple_of3A_1237 = tpu.assume_multiple %mul3A_1236, 8 : i32
      %get3A_1238 = arith.index_cast %multiple_of3A_1237 : i32 to index
      %get3A_1239 = arith.constant 0 : index
      %get3A_1240 = vector.load %arg8[%get3A_1238, %get3A_1239] : memref<2000x512xf32, #tpu.memory_space<vmem>>, vector<8x512xf32>
      %mul3A_1241 = arith.constant 8 : i32
      %mul3A_1242 = arith.muli %scan3A_1234, %mul3A_1241 : i32
      %mul3A_1243 = arith.constant 2000 : i32
      %mul3A_1244 = arith.muli %arg0, %mul3A_1243 : i32
      %add3A_1245 = arith.addi %mul3A_1242, %mul3A_1244 : i32
      %add3A_1246 = vector.broadcast %add3A_1245 : i32 to vector<8x512xi32>
      %add3A_1247 = arith.addi %iota3A, %add3A_1246 : vector<8x512xi32>
      %lt3A_1248 = arith.cmpf olt, %get3A_1240, %select_n3A_1211 : vector<8x512xf32>
      %select_n3A_1249 = arith.select %lt3A_1248, %get3A_1240, %select_n3A_1211 : vector<8x512xi1>, vector<8x512xf32>
      %select_n3A_1250 = arith.select %lt3A_1248, %add3A_1247, %select_n3A_1212 : vector<8x512xi1>, vector<8x512xi32>
      %select_n3A_1251 = arith.select %lt3A_1248, %select_n3A_1211, %get3A_1240 : vector<8x512xi1>, vector<8x512xf32>
      %select_n3A_1252 = arith.select %lt3A_1248, %select_n3A_1212, %add3A_1247 : vector<8x512xi1>, vector<8x512xi32>
      %lt3A_1253 = arith.cmpf olt, %select_n3A_1251, %select_n3A_1216 : vector<8x512xf32>
      %select_n3A_1254 = arith.select %lt3A_1253, %select_n3A_1251, %select_n3A_1216 : vector<8x512xi1>, vector<8x512xf32>
      %select_n3A_1255 = arith.select %lt3A_1253, %select_n3A_1252, %select_n3A_1217 : vector<8x512xi1>, vector<8x512xi32>
      %select_n3A_1256 = arith.select %lt3A_1253, %select_n3A_1216, %select_n3A_1251 : vector<8x512xi1>, vector<8x512xf32>
      %select_n3A_1257 = arith.select %lt3A_1253, %select_n3A_1217, %select_n3A_1252 : vector<8x512xi1>, vector<8x512xi32>
      %lt3A_1258 = arith.cmpf olt, %select_n3A_1256, %select_n3A_1221 : vector<8x512xf32>
      %select_n3A_1259 = arith.select %lt3A_1258, %select_n3A_1256, %select_n3A_1221 : vector<8x512xi1>, vector<8x512xf32>
      %select_n3A_1260 = arith.select %lt3A_1258, %select_n3A_1257, %select_n3A_1222 : vector<8x512xi1>, vector<8x512xi32>
      %select_n3A_1261 = arith.select %lt3A_1258, %select_n3A_1221, %select_n3A_1256 : vector<8x512xi1>, vector<8x512xf32>
      %select_n3A_1262 = arith.select %lt3A_1258, %select_n3A_1222, %select_n3A_1257 : vector<8x512xi1>, vector<8x512xi32>
      %lt3A_1263 = arith.cmpf olt, %select_n3A_1261, %select_n3A_1226 : vector<8x512xf32>
      %select_n3A_1264 = arith.select %lt3A_1263, %select_n3A_1261, %select_n3A_1226 : vector<8x512xi1>, vector<8x512xf32>
      %select_n3A_1265 = arith.select %lt3A_1263, %select_n3A_1262, %select_n3A_1227 : vector<8x512xi1>, vector<8x512xi32>
      %select_n3A_1266 = arith.select %lt3A_1263, %select_n3A_1226, %select_n3A_1261 : vector<8x512xi1>, vector<8x512xf32>
      %select_n3A_1267 = arith.select %lt3A_1263, %select_n3A_1227, %select_n3A_1262 : vector<8x512xi1>, vector<8x512xi32>
      %lt3A_1268 = arith.cmpf olt, %select_n3A_1266, %select_n3A_1231 : vector<8x512xf32>
      %select_n3A_1269 = arith.select %lt3A_1268, %select_n3A_1266, %select_n3A_1231 : vector<8x512xi1>, vector<8x512xf32>
      %select_n3A_1270 = arith.select %lt3A_1268, %select_n3A_1267, %select_n3A_1232 : vector<8x512xi1>, vector<8x512xi32>
      %scan3A_1271 = arith.constant 31 : i32
      %scan3A_1272 = arith.addi %scan3A_87, %scan3A_1271 : i32
      %mul3A_1273 = arith.constant 8 : i32
      %mul3A_1274 = arith.muli %scan3A_1272, %mul3A_1273 : i32
      %multiple_of3A_1275 = tpu.assume_multiple %mul3A_1274, 8 : i32
      %get3A_1276 = arith.index_cast %multiple_of3A_1275 : i32 to index
      %get3A_1277 = arith.constant 0 : index
      %get3A_1278 = vector.load %arg8[%get3A_1276, %get3A_1277] : memref<2000x512xf32, #tpu.memory_space<vmem>>, vector<8x512xf32>
      %mul3A_1279 = arith.constant 8 : i32
      %mul3A_1280 = arith.muli %scan3A_1272, %mul3A_1279 : i32
      %mul3A_1281 = arith.constant 2000 : i32
      %mul3A_1282 = arith.muli %arg0, %mul3A_1281 : i32
      %add3A_1283 = arith.addi %mul3A_1280, %mul3A_1282 : i32
      %add3A_1284 = vector.broadcast %add3A_1283 : i32 to vector<8x512xi32>
      %add3A_1285 = arith.addi %iota3A, %add3A_1284 : vector<8x512xi32>
      %lt3A_1286 = arith.cmpf olt, %get3A_1278, %select_n3A_1249 : vector<8x512xf32>
      %select_n3A_1287 = arith.select %lt3A_1286, %get3A_1278, %select_n3A_1249 : vector<8x512xi1>, vector<8x512xf32>
      %select_n3A_1288 = arith.select %lt3A_1286, %add3A_1285, %select_n3A_1250 : vector<8x512xi1>, vector<8x512xi32>
      %select_n3A_1289 = arith.select %lt3A_1286, %select_n3A_1249, %get3A_1278 : vector<8x512xi1>, vector<8x512xf32>
      %select_n3A_1290 = arith.select %lt3A_1286, %select_n3A_1250, %add3A_1285 : vector<8x512xi1>, vector<8x512xi32>
      %lt3A_1291 = arith.cmpf olt, %select_n3A_1289, %select_n3A_1254 : vector<8x512xf32>
      %select_n3A_1292 = arith.select %lt3A_1291, %select_n3A_1289, %select_n3A_1254 : vector<8x512xi1>, vector<8x512xf32>
      %select_n3A_1293 = arith.select %lt3A_1291, %select_n3A_1290, %select_n3A_1255 : vector<8x512xi1>, vector<8x512xi32>
      %select_n3A_1294 = arith.select %lt3A_1291, %select_n3A_1254, %select_n3A_1289 : vector<8x512xi1>, vector<8x512xf32>
      %select_n3A_1295 = arith.select %lt3A_1291, %select_n3A_1255, %select_n3A_1290 : vector<8x512xi1>, vector<8x512xi32>
      %lt3A_1296 = arith.cmpf olt, %select_n3A_1294, %select_n3A_1259 : vector<8x512xf32>
      %select_n3A_1297 = arith.select %lt3A_1296, %select_n3A_1294, %select_n3A_1259 : vector<8x512xi1>, vector<8x512xf32>
      %select_n3A_1298 = arith.select %lt3A_1296, %select_n3A_1295, %select_n3A_1260 : vector<8x512xi1>, vector<8x512xi32>
      %select_n3A_1299 = arith.select %lt3A_1296, %select_n3A_1259, %select_n3A_1294 : vector<8x512xi1>, vector<8x512xf32>
      %select_n3A_1300 = arith.select %lt3A_1296, %select_n3A_1260, %select_n3A_1295 : vector<8x512xi1>, vector<8x512xi32>
      %lt3A_1301 = arith.cmpf olt, %select_n3A_1299, %select_n3A_1264 : vector<8x512xf32>
      %select_n3A_1302 = arith.select %lt3A_1301, %select_n3A_1299, %select_n3A_1264 : vector<8x512xi1>, vector<8x512xf32>
      %select_n3A_1303 = arith.select %lt3A_1301, %select_n3A_1300, %select_n3A_1265 : vector<8x512xi1>, vector<8x512xi32>
      %select_n3A_1304 = arith.select %lt3A_1301, %select_n3A_1264, %select_n3A_1299 : vector<8x512xi1>, vector<8x512xf32>
      %select_n3A_1305 = arith.select %lt3A_1301, %select_n3A_1265, %select_n3A_1300 : vector<8x512xi1>, vector<8x512xi32>
      %lt3A_1306 = arith.cmpf olt, %select_n3A_1304, %select_n3A_1269 : vector<8x512xf32>
      %select_n3A_1307 = arith.select %lt3A_1306, %select_n3A_1304, %select_n3A_1269 : vector<8x512xi1>, vector<8x512xf32>
      %select_n3A_1308 = arith.select %lt3A_1306, %select_n3A_1305, %select_n3A_1270 : vector<8x512xi1>, vector<8x512xi32>
      %scan3A_1309 = arith.constant 32 : i32
      %scan3A_1310 = arith.addi %scan3A_87, %scan3A_1309 : i32
      %mul3A_1311 = arith.constant 8 : i32
      %mul3A_1312 = arith.muli %scan3A_1310, %mul3A_1311 : i32
      %multiple_of3A_1313 = tpu.assume_multiple %mul3A_1312, 8 : i32
      %get3A_1314 = arith.index_cast %multiple_of3A_1313 : i32 to index
      %get3A_1315 = arith.constant 0 : index
      %get3A_1316 = vector.load %arg8[%get3A_1314, %get3A_1315] : memref<2000x512xf32, #tpu.memory_space<vmem>>, vector<8x512xf32>
      %mul3A_1317 = arith.constant 8 : i32
      %mul3A_1318 = arith.muli %scan3A_1310, %mul3A_1317 : i32
      %mul3A_1319 = arith.constant 2000 : i32
      %mul3A_1320 = arith.muli %arg0, %mul3A_1319 : i32
      %add3A_1321 = arith.addi %mul3A_1318, %mul3A_1320 : i32
      %add3A_1322 = vector.broadcast %add3A_1321 : i32 to vector<8x512xi32>
      %add3A_1323 = arith.addi %iota3A, %add3A_1322 : vector<8x512xi32>
      %lt3A_1324 = arith.cmpf olt, %get3A_1316, %select_n3A_1287 : vector<8x512xf32>
      %select_n3A_1325 = arith.select %lt3A_1324, %get3A_1316, %select_n3A_1287 : vector<8x512xi1>, vector<8x512xf32>
      %select_n3A_1326 = arith.select %lt3A_1324, %add3A_1323, %select_n3A_1288 : vector<8x512xi1>, vector<8x512xi32>
      %select_n3A_1327 = arith.select %lt3A_1324, %select_n3A_1287, %get3A_1316 : vector<8x512xi1>, vector<8x512xf32>
      %select_n3A_1328 = arith.select %lt3A_1324, %select_n3A_1288, %add3A_1323 : vector<8x512xi1>, vector<8x512xi32>
      %lt3A_1329 = arith.cmpf olt, %select_n3A_1327, %select_n3A_1292 : vector<8x512xf32>
      %select_n3A_1330 = arith.select %lt3A_1329, %select_n3A_1327, %select_n3A_1292 : vector<8x512xi1>, vector<8x512xf32>
      %select_n3A_1331 = arith.select %lt3A_1329, %select_n3A_1328, %select_n3A_1293 : vector<8x512xi1>, vector<8x512xi32>
      %select_n3A_1332 = arith.select %lt3A_1329, %select_n3A_1292, %select_n3A_1327 : vector<8x512xi1>, vector<8x512xf32>
      %select_n3A_1333 = arith.select %lt3A_1329, %select_n3A_1293, %select_n3A_1328 : vector<8x512xi1>, vector<8x512xi32>
      %lt3A_1334 = arith.cmpf olt, %select_n3A_1332, %select_n3A_1297 : vector<8x512xf32>
      %select_n3A_1335 = arith.select %lt3A_1334, %select_n3A_1332, %select_n3A_1297 : vector<8x512xi1>, vector<8x512xf32>
      %select_n3A_1336 = arith.select %lt3A_1334, %select_n3A_1333, %select_n3A_1298 : vector<8x512xi1>, vector<8x512xi32>
      %select_n3A_1337 = arith.select %lt3A_1334, %select_n3A_1297, %select_n3A_1332 : vector<8x512xi1>, vector<8x512xf32>
      %select_n3A_1338 = arith.select %lt3A_1334, %select_n3A_1298, %select_n3A_1333 : vector<8x512xi1>, vector<8x512xi32>
      %lt3A_1339 = arith.cmpf olt, %select_n3A_1337, %select_n3A_1302 : vector<8x512xf32>
      %select_n3A_1340 = arith.select %lt3A_1339, %select_n3A_1337, %select_n3A_1302 : vector<8x512xi1>, vector<8x512xf32>
      %select_n3A_1341 = arith.select %lt3A_1339, %select_n3A_1338, %select_n3A_1303 : vector<8x512xi1>, vector<8x512xi32>
      %select_n3A_1342 = arith.select %lt3A_1339, %select_n3A_1302, %select_n3A_1337 : vector<8x512xi1>, vector<8x512xf32>
      %select_n3A_1343 = arith.select %lt3A_1339, %select_n3A_1303, %select_n3A_1338 : vector<8x512xi1>, vector<8x512xi32>
      %lt3A_1344 = arith.cmpf olt, %select_n3A_1342, %select_n3A_1307 : vector<8x512xf32>
      %select_n3A_1345 = arith.select %lt3A_1344, %select_n3A_1342, %select_n3A_1307 : vector<8x512xi1>, vector<8x512xf32>
      %select_n3A_1346 = arith.select %lt3A_1344, %select_n3A_1343, %select_n3A_1308 : vector<8x512xi1>, vector<8x512xi32>
      %scan3A_1347 = arith.constant 33 : i32
      %scan3A_1348 = arith.addi %scan3A_87, %scan3A_1347 : i32
      %mul3A_1349 = arith.constant 8 : i32
      %mul3A_1350 = arith.muli %scan3A_1348, %mul3A_1349 : i32
      %multiple_of3A_1351 = tpu.assume_multiple %mul3A_1350, 8 : i32
      %get3A_1352 = arith.index_cast %multiple_of3A_1351 : i32 to index
      %get3A_1353 = arith.constant 0 : index
      %get3A_1354 = vector.load %arg8[%get3A_1352, %get3A_1353] : memref<2000x512xf32, #tpu.memory_space<vmem>>, vector<8x512xf32>
      %mul3A_1355 = arith.constant 8 : i32
      %mul3A_1356 = arith.muli %scan3A_1348, %mul3A_1355 : i32
      %mul3A_1357 = arith.constant 2000 : i32
      %mul3A_1358 = arith.muli %arg0, %mul3A_1357 : i32
      %add3A_1359 = arith.addi %mul3A_1356, %mul3A_1358 : i32
      %add3A_1360 = vector.broadcast %add3A_1359 : i32 to vector<8x512xi32>
      %add3A_1361 = arith.addi %iota3A, %add3A_1360 : vector<8x512xi32>
      %lt3A_1362 = arith.cmpf olt, %get3A_1354, %select_n3A_1325 : vector<8x512xf32>
      %select_n3A_1363 = arith.select %lt3A_1362, %get3A_1354, %select_n3A_1325 : vector<8x512xi1>, vector<8x512xf32>
      %select_n3A_1364 = arith.select %lt3A_1362, %add3A_1361, %select_n3A_1326 : vector<8x512xi1>, vector<8x512xi32>
      %select_n3A_1365 = arith.select %lt3A_1362, %select_n3A_1325, %get3A_1354 : vector<8x512xi1>, vector<8x512xf32>
      %select_n3A_1366 = arith.select %lt3A_1362, %select_n3A_1326, %add3A_1361 : vector<8x512xi1>, vector<8x512xi32>
      %lt3A_1367 = arith.cmpf olt, %select_n3A_1365, %select_n3A_1330 : vector<8x512xf32>
      %select_n3A_1368 = arith.select %lt3A_1367, %select_n3A_1365, %select_n3A_1330 : vector<8x512xi1>, vector<8x512xf32>
      %select_n3A_1369 = arith.select %lt3A_1367, %select_n3A_1366, %select_n3A_1331 : vector<8x512xi1>, vector<8x512xi32>
      %select_n3A_1370 = arith.select %lt3A_1367, %select_n3A_1330, %select_n3A_1365 : vector<8x512xi1>, vector<8x512xf32>
      %select_n3A_1371 = arith.select %lt3A_1367, %select_n3A_1331, %select_n3A_1366 : vector<8x512xi1>, vector<8x512xi32>
      %lt3A_1372 = arith.cmpf olt, %select_n3A_1370, %select_n3A_1335 : vector<8x512xf32>
      %select_n3A_1373 = arith.select %lt3A_1372, %select_n3A_1370, %select_n3A_1335 : vector<8x512xi1>, vector<8x512xf32>
      %select_n3A_1374 = arith.select %lt3A_1372, %select_n3A_1371, %select_n3A_1336 : vector<8x512xi1>, vector<8x512xi32>
      %select_n3A_1375 = arith.select %lt3A_1372, %select_n3A_1335, %select_n3A_1370 : vector<8x512xi1>, vector<8x512xf32>
      %select_n3A_1376 = arith.select %lt3A_1372, %select_n3A_1336, %select_n3A_1371 : vector<8x512xi1>, vector<8x512xi32>
      %lt3A_1377 = arith.cmpf olt, %select_n3A_1375, %select_n3A_1340 : vector<8x512xf32>
      %select_n3A_1378 = arith.select %lt3A_1377, %select_n3A_1375, %select_n3A_1340 : vector<8x512xi1>, vector<8x512xf32>
      %select_n3A_1379 = arith.select %lt3A_1377, %select_n3A_1376, %select_n3A_1341 : vector<8x512xi1>, vector<8x512xi32>
      %select_n3A_1380 = arith.select %lt3A_1377, %select_n3A_1340, %select_n3A_1375 : vector<8x512xi1>, vector<8x512xf32>
      %select_n3A_1381 = arith.select %lt3A_1377, %select_n3A_1341, %select_n3A_1376 : vector<8x512xi1>, vector<8x512xi32>
      %lt3A_1382 = arith.cmpf olt, %select_n3A_1380, %select_n3A_1345 : vector<8x512xf32>
      %select_n3A_1383 = arith.select %lt3A_1382, %select_n3A_1380, %select_n3A_1345 : vector<8x512xi1>, vector<8x512xf32>
      %select_n3A_1384 = arith.select %lt3A_1382, %select_n3A_1381, %select_n3A_1346 : vector<8x512xi1>, vector<8x512xi32>
      %scan3A_1385 = arith.constant 34 : i32
      %scan3A_1386 = arith.addi %scan3A_87, %scan3A_1385 : i32
      %mul3A_1387 = arith.constant 8 : i32
      %mul3A_1388 = arith.muli %scan3A_1386, %mul3A_1387 : i32
      %multiple_of3A_1389 = tpu.assume_multiple %mul3A_1388, 8 : i32
      %get3A_1390 = arith.index_cast %multiple_of3A_1389 : i32 to index
      %get3A_1391 = arith.constant 0 : index
      %get3A_1392 = vector.load %arg8[%get3A_1390, %get3A_1391] : memref<2000x512xf32, #tpu.memory_space<vmem>>, vector<8x512xf32>
      %mul3A_1393 = arith.constant 8 : i32
      %mul3A_1394 = arith.muli %scan3A_1386, %mul3A_1393 : i32
      %mul3A_1395 = arith.constant 2000 : i32
      %mul3A_1396 = arith.muli %arg0, %mul3A_1395 : i32
      %add3A_1397 = arith.addi %mul3A_1394, %mul3A_1396 : i32
      %add3A_1398 = vector.broadcast %add3A_1397 : i32 to vector<8x512xi32>
      %add3A_1399 = arith.addi %iota3A, %add3A_1398 : vector<8x512xi32>
      %lt3A_1400 = arith.cmpf olt, %get3A_1392, %select_n3A_1363 : vector<8x512xf32>
      %select_n3A_1401 = arith.select %lt3A_1400, %get3A_1392, %select_n3A_1363 : vector<8x512xi1>, vector<8x512xf32>
      %select_n3A_1402 = arith.select %lt3A_1400, %add3A_1399, %select_n3A_1364 : vector<8x512xi1>, vector<8x512xi32>
      %select_n3A_1403 = arith.select %lt3A_1400, %select_n3A_1363, %get3A_1392 : vector<8x512xi1>, vector<8x512xf32>
      %select_n3A_1404 = arith.select %lt3A_1400, %select_n3A_1364, %add3A_1399 : vector<8x512xi1>, vector<8x512xi32>
      %lt3A_1405 = arith.cmpf olt, %select_n3A_1403, %select_n3A_1368 : vector<8x512xf32>
      %select_n3A_1406 = arith.select %lt3A_1405, %select_n3A_1403, %select_n3A_1368 : vector<8x512xi1>, vector<8x512xf32>
      %select_n3A_1407 = arith.select %lt3A_1405, %select_n3A_1404, %select_n3A_1369 : vector<8x512xi1>, vector<8x512xi32>
      %select_n3A_1408 = arith.select %lt3A_1405, %select_n3A_1368, %select_n3A_1403 : vector<8x512xi1>, vector<8x512xf32>
      %select_n3A_1409 = arith.select %lt3A_1405, %select_n3A_1369, %select_n3A_1404 : vector<8x512xi1>, vector<8x512xi32>
      %lt3A_1410 = arith.cmpf olt, %select_n3A_1408, %select_n3A_1373 : vector<8x512xf32>
      %select_n3A_1411 = arith.select %lt3A_1410, %select_n3A_1408, %select_n3A_1373 : vector<8x512xi1>, vector<8x512xf32>
      %select_n3A_1412 = arith.select %lt3A_1410, %select_n3A_1409, %select_n3A_1374 : vector<8x512xi1>, vector<8x512xi32>
      %select_n3A_1413 = arith.select %lt3A_1410, %select_n3A_1373, %select_n3A_1408 : vector<8x512xi1>, vector<8x512xf32>
      %select_n3A_1414 = arith.select %lt3A_1410, %select_n3A_1374, %select_n3A_1409 : vector<8x512xi1>, vector<8x512xi32>
      %lt3A_1415 = arith.cmpf olt, %select_n3A_1413, %select_n3A_1378 : vector<8x512xf32>
      %select_n3A_1416 = arith.select %lt3A_1415, %select_n3A_1413, %select_n3A_1378 : vector<8x512xi1>, vector<8x512xf32>
      %select_n3A_1417 = arith.select %lt3A_1415, %select_n3A_1414, %select_n3A_1379 : vector<8x512xi1>, vector<8x512xi32>
      %select_n3A_1418 = arith.select %lt3A_1415, %select_n3A_1378, %select_n3A_1413 : vector<8x512xi1>, vector<8x512xf32>
      %select_n3A_1419 = arith.select %lt3A_1415, %select_n3A_1379, %select_n3A_1414 : vector<8x512xi1>, vector<8x512xi32>
      %lt3A_1420 = arith.cmpf olt, %select_n3A_1418, %select_n3A_1383 : vector<8x512xf32>
      %select_n3A_1421 = arith.select %lt3A_1420, %select_n3A_1418, %select_n3A_1383 : vector<8x512xi1>, vector<8x512xf32>
      %select_n3A_1422 = arith.select %lt3A_1420, %select_n3A_1419, %select_n3A_1384 : vector<8x512xi1>, vector<8x512xi32>
      %scan3A_1423 = arith.constant 35 : i32
      %scan3A_1424 = arith.addi %scan3A_87, %scan3A_1423 : i32
      %mul3A_1425 = arith.constant 8 : i32
      %mul3A_1426 = arith.muli %scan3A_1424, %mul3A_1425 : i32
      %multiple_of3A_1427 = tpu.assume_multiple %mul3A_1426, 8 : i32
      %get3A_1428 = arith.index_cast %multiple_of3A_1427 : i32 to index
      %get3A_1429 = arith.constant 0 : index
      %get3A_1430 = vector.load %arg8[%get3A_1428, %get3A_1429] : memref<2000x512xf32, #tpu.memory_space<vmem>>, vector<8x512xf32>
      %mul3A_1431 = arith.constant 8 : i32
      %mul3A_1432 = arith.muli %scan3A_1424, %mul3A_1431 : i32
      %mul3A_1433 = arith.constant 2000 : i32
      %mul3A_1434 = arith.muli %arg0, %mul3A_1433 : i32
      %add3A_1435 = arith.addi %mul3A_1432, %mul3A_1434 : i32
      %add3A_1436 = vector.broadcast %add3A_1435 : i32 to vector<8x512xi32>
      %add3A_1437 = arith.addi %iota3A, %add3A_1436 : vector<8x512xi32>
      %lt3A_1438 = arith.cmpf olt, %get3A_1430, %select_n3A_1401 : vector<8x512xf32>
      %select_n3A_1439 = arith.select %lt3A_1438, %get3A_1430, %select_n3A_1401 : vector<8x512xi1>, vector<8x512xf32>
      %select_n3A_1440 = arith.select %lt3A_1438, %add3A_1437, %select_n3A_1402 : vector<8x512xi1>, vector<8x512xi32>
      %select_n3A_1441 = arith.select %lt3A_1438, %select_n3A_1401, %get3A_1430 : vector<8x512xi1>, vector<8x512xf32>
      %select_n3A_1442 = arith.select %lt3A_1438, %select_n3A_1402, %add3A_1437 : vector<8x512xi1>, vector<8x512xi32>
      %lt3A_1443 = arith.cmpf olt, %select_n3A_1441, %select_n3A_1406 : vector<8x512xf32>
      %select_n3A_1444 = arith.select %lt3A_1443, %select_n3A_1441, %select_n3A_1406 : vector<8x512xi1>, vector<8x512xf32>
      %select_n3A_1445 = arith.select %lt3A_1443, %select_n3A_1442, %select_n3A_1407 : vector<8x512xi1>, vector<8x512xi32>
      %select_n3A_1446 = arith.select %lt3A_1443, %select_n3A_1406, %select_n3A_1441 : vector<8x512xi1>, vector<8x512xf32>
      %select_n3A_1447 = arith.select %lt3A_1443, %select_n3A_1407, %select_n3A_1442 : vector<8x512xi1>, vector<8x512xi32>
      %lt3A_1448 = arith.cmpf olt, %select_n3A_1446, %select_n3A_1411 : vector<8x512xf32>
      %select_n3A_1449 = arith.select %lt3A_1448, %select_n3A_1446, %select_n3A_1411 : vector<8x512xi1>, vector<8x512xf32>
      %select_n3A_1450 = arith.select %lt3A_1448, %select_n3A_1447, %select_n3A_1412 : vector<8x512xi1>, vector<8x512xi32>
      %select_n3A_1451 = arith.select %lt3A_1448, %select_n3A_1411, %select_n3A_1446 : vector<8x512xi1>, vector<8x512xf32>
      %select_n3A_1452 = arith.select %lt3A_1448, %select_n3A_1412, %select_n3A_1447 : vector<8x512xi1>, vector<8x512xi32>
      %lt3A_1453 = arith.cmpf olt, %select_n3A_1451, %select_n3A_1416 : vector<8x512xf32>
      %select_n3A_1454 = arith.select %lt3A_1453, %select_n3A_1451, %select_n3A_1416 : vector<8x512xi1>, vector<8x512xf32>
      %select_n3A_1455 = arith.select %lt3A_1453, %select_n3A_1452, %select_n3A_1417 : vector<8x512xi1>, vector<8x512xi32>
      %select_n3A_1456 = arith.select %lt3A_1453, %select_n3A_1416, %select_n3A_1451 : vector<8x512xi1>, vector<8x512xf32>
      %select_n3A_1457 = arith.select %lt3A_1453, %select_n3A_1417, %select_n3A_1452 : vector<8x512xi1>, vector<8x512xi32>
      %lt3A_1458 = arith.cmpf olt, %select_n3A_1456, %select_n3A_1421 : vector<8x512xf32>
      %select_n3A_1459 = arith.select %lt3A_1458, %select_n3A_1456, %select_n3A_1421 : vector<8x512xi1>, vector<8x512xf32>
      %select_n3A_1460 = arith.select %lt3A_1458, %select_n3A_1457, %select_n3A_1422 : vector<8x512xi1>, vector<8x512xi32>
      %scan3A_1461 = arith.constant 36 : i32
      %scan3A_1462 = arith.addi %scan3A_87, %scan3A_1461 : i32
      %mul3A_1463 = arith.constant 8 : i32
      %mul3A_1464 = arith.muli %scan3A_1462, %mul3A_1463 : i32
      %multiple_of3A_1465 = tpu.assume_multiple %mul3A_1464, 8 : i32
      %get3A_1466 = arith.index_cast %multiple_of3A_1465 : i32 to index
      %get3A_1467 = arith.constant 0 : index
      %get3A_1468 = vector.load %arg8[%get3A_1466, %get3A_1467] : memref<2000x512xf32, #tpu.memory_space<vmem>>, vector<8x512xf32>
      %mul3A_1469 = arith.constant 8 : i32
      %mul3A_1470 = arith.muli %scan3A_1462, %mul3A_1469 : i32
      %mul3A_1471 = arith.constant 2000 : i32
      %mul3A_1472 = arith.muli %arg0, %mul3A_1471 : i32
      %add3A_1473 = arith.addi %mul3A_1470, %mul3A_1472 : i32
      %add3A_1474 = vector.broadcast %add3A_1473 : i32 to vector<8x512xi32>
      %add3A_1475 = arith.addi %iota3A, %add3A_1474 : vector<8x512xi32>
      %lt3A_1476 = arith.cmpf olt, %get3A_1468, %select_n3A_1439 : vector<8x512xf32>
      %select_n3A_1477 = arith.select %lt3A_1476, %get3A_1468, %select_n3A_1439 : vector<8x512xi1>, vector<8x512xf32>
      %select_n3A_1478 = arith.select %lt3A_1476, %add3A_1475, %select_n3A_1440 : vector<8x512xi1>, vector<8x512xi32>
      %select_n3A_1479 = arith.select %lt3A_1476, %select_n3A_1439, %get3A_1468 : vector<8x512xi1>, vector<8x512xf32>
      %select_n3A_1480 = arith.select %lt3A_1476, %select_n3A_1440, %add3A_1475 : vector<8x512xi1>, vector<8x512xi32>
      %lt3A_1481 = arith.cmpf olt, %select_n3A_1479, %select_n3A_1444 : vector<8x512xf32>
      %select_n3A_1482 = arith.select %lt3A_1481, %select_n3A_1479, %select_n3A_1444 : vector<8x512xi1>, vector<8x512xf32>
      %select_n3A_1483 = arith.select %lt3A_1481, %select_n3A_1480, %select_n3A_1445 : vector<8x512xi1>, vector<8x512xi32>
      %select_n3A_1484 = arith.select %lt3A_1481, %select_n3A_1444, %select_n3A_1479 : vector<8x512xi1>, vector<8x512xf32>
      %select_n3A_1485 = arith.select %lt3A_1481, %select_n3A_1445, %select_n3A_1480 : vector<8x512xi1>, vector<8x512xi32>
      %lt3A_1486 = arith.cmpf olt, %select_n3A_1484, %select_n3A_1449 : vector<8x512xf32>
      %select_n3A_1487 = arith.select %lt3A_1486, %select_n3A_1484, %select_n3A_1449 : vector<8x512xi1>, vector<8x512xf32>
      %select_n3A_1488 = arith.select %lt3A_1486, %select_n3A_1485, %select_n3A_1450 : vector<8x512xi1>, vector<8x512xi32>
      %select_n3A_1489 = arith.select %lt3A_1486, %select_n3A_1449, %select_n3A_1484 : vector<8x512xi1>, vector<8x512xf32>
      %select_n3A_1490 = arith.select %lt3A_1486, %select_n3A_1450, %select_n3A_1485 : vector<8x512xi1>, vector<8x512xi32>
      %lt3A_1491 = arith.cmpf olt, %select_n3A_1489, %select_n3A_1454 : vector<8x512xf32>
      %select_n3A_1492 = arith.select %lt3A_1491, %select_n3A_1489, %select_n3A_1454 : vector<8x512xi1>, vector<8x512xf32>
      %select_n3A_1493 = arith.select %lt3A_1491, %select_n3A_1490, %select_n3A_1455 : vector<8x512xi1>, vector<8x512xi32>
      %select_n3A_1494 = arith.select %lt3A_1491, %select_n3A_1454, %select_n3A_1489 : vector<8x512xi1>, vector<8x512xf32>
      %select_n3A_1495 = arith.select %lt3A_1491, %select_n3A_1455, %select_n3A_1490 : vector<8x512xi1>, vector<8x512xi32>
      %lt3A_1496 = arith.cmpf olt, %select_n3A_1494, %select_n3A_1459 : vector<8x512xf32>
      %select_n3A_1497 = arith.select %lt3A_1496, %select_n3A_1494, %select_n3A_1459 : vector<8x512xi1>, vector<8x512xf32>
      %select_n3A_1498 = arith.select %lt3A_1496, %select_n3A_1495, %select_n3A_1460 : vector<8x512xi1>, vector<8x512xi32>
      %scan3A_1499 = arith.constant 37 : i32
      %scan3A_1500 = arith.addi %scan3A_87, %scan3A_1499 : i32
      %mul3A_1501 = arith.constant 8 : i32
      %mul3A_1502 = arith.muli %scan3A_1500, %mul3A_1501 : i32
      %multiple_of3A_1503 = tpu.assume_multiple %mul3A_1502, 8 : i32
      %get3A_1504 = arith.index_cast %multiple_of3A_1503 : i32 to index
      %get3A_1505 = arith.constant 0 : index
      %get3A_1506 = vector.load %arg8[%get3A_1504, %get3A_1505] : memref<2000x512xf32, #tpu.memory_space<vmem>>, vector<8x512xf32>
      %mul3A_1507 = arith.constant 8 : i32
      %mul3A_1508 = arith.muli %scan3A_1500, %mul3A_1507 : i32
      %mul3A_1509 = arith.constant 2000 : i32
      %mul3A_1510 = arith.muli %arg0, %mul3A_1509 : i32
      %add3A_1511 = arith.addi %mul3A_1508, %mul3A_1510 : i32
      %add3A_1512 = vector.broadcast %add3A_1511 : i32 to vector<8x512xi32>
      %add3A_1513 = arith.addi %iota3A, %add3A_1512 : vector<8x512xi32>
      %lt3A_1514 = arith.cmpf olt, %get3A_1506, %select_n3A_1477 : vector<8x512xf32>
      %select_n3A_1515 = arith.select %lt3A_1514, %get3A_1506, %select_n3A_1477 : vector<8x512xi1>, vector<8x512xf32>
      %select_n3A_1516 = arith.select %lt3A_1514, %add3A_1513, %select_n3A_1478 : vector<8x512xi1>, vector<8x512xi32>
      %select_n3A_1517 = arith.select %lt3A_1514, %select_n3A_1477, %get3A_1506 : vector<8x512xi1>, vector<8x512xf32>
      %select_n3A_1518 = arith.select %lt3A_1514, %select_n3A_1478, %add3A_1513 : vector<8x512xi1>, vector<8x512xi32>
      %lt3A_1519 = arith.cmpf olt, %select_n3A_1517, %select_n3A_1482 : vector<8x512xf32>
      %select_n3A_1520 = arith.select %lt3A_1519, %select_n3A_1517, %select_n3A_1482 : vector<8x512xi1>, vector<8x512xf32>
      %select_n3A_1521 = arith.select %lt3A_1519, %select_n3A_1518, %select_n3A_1483 : vector<8x512xi1>, vector<8x512xi32>
      %select_n3A_1522 = arith.select %lt3A_1519, %select_n3A_1482, %select_n3A_1517 : vector<8x512xi1>, vector<8x512xf32>
      %select_n3A_1523 = arith.select %lt3A_1519, %select_n3A_1483, %select_n3A_1518 : vector<8x512xi1>, vector<8x512xi32>
      %lt3A_1524 = arith.cmpf olt, %select_n3A_1522, %select_n3A_1487 : vector<8x512xf32>
      %select_n3A_1525 = arith.select %lt3A_1524, %select_n3A_1522, %select_n3A_1487 : vector<8x512xi1>, vector<8x512xf32>
      %select_n3A_1526 = arith.select %lt3A_1524, %select_n3A_1523, %select_n3A_1488 : vector<8x512xi1>, vector<8x512xi32>
      %select_n3A_1527 = arith.select %lt3A_1524, %select_n3A_1487, %select_n3A_1522 : vector<8x512xi1>, vector<8x512xf32>
      %select_n3A_1528 = arith.select %lt3A_1524, %select_n3A_1488, %select_n3A_1523 : vector<8x512xi1>, vector<8x512xi32>
      %lt3A_1529 = arith.cmpf olt, %select_n3A_1527, %select_n3A_1492 : vector<8x512xf32>
      %select_n3A_1530 = arith.select %lt3A_1529, %select_n3A_1527, %select_n3A_1492 : vector<8x512xi1>, vector<8x512xf32>
      %select_n3A_1531 = arith.select %lt3A_1529, %select_n3A_1528, %select_n3A_1493 : vector<8x512xi1>, vector<8x512xi32>
      %select_n3A_1532 = arith.select %lt3A_1529, %select_n3A_1492, %select_n3A_1527 : vector<8x512xi1>, vector<8x512xf32>
      %select_n3A_1533 = arith.select %lt3A_1529, %select_n3A_1493, %select_n3A_1528 : vector<8x512xi1>, vector<8x512xi32>
      %lt3A_1534 = arith.cmpf olt, %select_n3A_1532, %select_n3A_1497 : vector<8x512xf32>
      %select_n3A_1535 = arith.select %lt3A_1534, %select_n3A_1532, %select_n3A_1497 : vector<8x512xi1>, vector<8x512xf32>
      %select_n3A_1536 = arith.select %lt3A_1534, %select_n3A_1533, %select_n3A_1498 : vector<8x512xi1>, vector<8x512xi32>
      %scan3A_1537 = arith.constant 38 : i32
      %scan3A_1538 = arith.addi %scan3A_87, %scan3A_1537 : i32
      %mul3A_1539 = arith.constant 8 : i32
      %mul3A_1540 = arith.muli %scan3A_1538, %mul3A_1539 : i32
      %multiple_of3A_1541 = tpu.assume_multiple %mul3A_1540, 8 : i32
      %get3A_1542 = arith.index_cast %multiple_of3A_1541 : i32 to index
      %get3A_1543 = arith.constant 0 : index
      %get3A_1544 = vector.load %arg8[%get3A_1542, %get3A_1543] : memref<2000x512xf32, #tpu.memory_space<vmem>>, vector<8x512xf32>
      %mul3A_1545 = arith.constant 8 : i32
      %mul3A_1546 = arith.muli %scan3A_1538, %mul3A_1545 : i32
      %mul3A_1547 = arith.constant 2000 : i32
      %mul3A_1548 = arith.muli %arg0, %mul3A_1547 : i32
      %add3A_1549 = arith.addi %mul3A_1546, %mul3A_1548 : i32
      %add3A_1550 = vector.broadcast %add3A_1549 : i32 to vector<8x512xi32>
      %add3A_1551 = arith.addi %iota3A, %add3A_1550 : vector<8x512xi32>
      %lt3A_1552 = arith.cmpf olt, %get3A_1544, %select_n3A_1515 : vector<8x512xf32>
      %select_n3A_1553 = arith.select %lt3A_1552, %get3A_1544, %select_n3A_1515 : vector<8x512xi1>, vector<8x512xf32>
      %select_n3A_1554 = arith.select %lt3A_1552, %add3A_1551, %select_n3A_1516 : vector<8x512xi1>, vector<8x512xi32>
      %select_n3A_1555 = arith.select %lt3A_1552, %select_n3A_1515, %get3A_1544 : vector<8x512xi1>, vector<8x512xf32>
      %select_n3A_1556 = arith.select %lt3A_1552, %select_n3A_1516, %add3A_1551 : vector<8x512xi1>, vector<8x512xi32>
      %lt3A_1557 = arith.cmpf olt, %select_n3A_1555, %select_n3A_1520 : vector<8x512xf32>
      %select_n3A_1558 = arith.select %lt3A_1557, %select_n3A_1555, %select_n3A_1520 : vector<8x512xi1>, vector<8x512xf32>
      %select_n3A_1559 = arith.select %lt3A_1557, %select_n3A_1556, %select_n3A_1521 : vector<8x512xi1>, vector<8x512xi32>
      %select_n3A_1560 = arith.select %lt3A_1557, %select_n3A_1520, %select_n3A_1555 : vector<8x512xi1>, vector<8x512xf32>
      %select_n3A_1561 = arith.select %lt3A_1557, %select_n3A_1521, %select_n3A_1556 : vector<8x512xi1>, vector<8x512xi32>
      %lt3A_1562 = arith.cmpf olt, %select_n3A_1560, %select_n3A_1525 : vector<8x512xf32>
      %select_n3A_1563 = arith.select %lt3A_1562, %select_n3A_1560, %select_n3A_1525 : vector<8x512xi1>, vector<8x512xf32>
      %select_n3A_1564 = arith.select %lt3A_1562, %select_n3A_1561, %select_n3A_1526 : vector<8x512xi1>, vector<8x512xi32>
      %select_n3A_1565 = arith.select %lt3A_1562, %select_n3A_1525, %select_n3A_1560 : vector<8x512xi1>, vector<8x512xf32>
      %select_n3A_1566 = arith.select %lt3A_1562, %select_n3A_1526, %select_n3A_1561 : vector<8x512xi1>, vector<8x512xi32>
      %lt3A_1567 = arith.cmpf olt, %select_n3A_1565, %select_n3A_1530 : vector<8x512xf32>
      %select_n3A_1568 = arith.select %lt3A_1567, %select_n3A_1565, %select_n3A_1530 : vector<8x512xi1>, vector<8x512xf32>
      %select_n3A_1569 = arith.select %lt3A_1567, %select_n3A_1566, %select_n3A_1531 : vector<8x512xi1>, vector<8x512xi32>
      %select_n3A_1570 = arith.select %lt3A_1567, %select_n3A_1530, %select_n3A_1565 : vector<8x512xi1>, vector<8x512xf32>
      %select_n3A_1571 = arith.select %lt3A_1567, %select_n3A_1531, %select_n3A_1566 : vector<8x512xi1>, vector<8x512xi32>
      %lt3A_1572 = arith.cmpf olt, %select_n3A_1570, %select_n3A_1535 : vector<8x512xf32>
      %select_n3A_1573 = arith.select %lt3A_1572, %select_n3A_1570, %select_n3A_1535 : vector<8x512xi1>, vector<8x512xf32>
      %select_n3A_1574 = arith.select %lt3A_1572, %select_n3A_1571, %select_n3A_1536 : vector<8x512xi1>, vector<8x512xi32>
      %scan3A_1575 = arith.constant 39 : i32
      %scan3A_1576 = arith.addi %scan3A_87, %scan3A_1575 : i32
      %mul3A_1577 = arith.constant 8 : i32
      %mul3A_1578 = arith.muli %scan3A_1576, %mul3A_1577 : i32
      %multiple_of3A_1579 = tpu.assume_multiple %mul3A_1578, 8 : i32
      %get3A_1580 = arith.index_cast %multiple_of3A_1579 : i32 to index
      %get3A_1581 = arith.constant 0 : index
      %get3A_1582 = vector.load %arg8[%get3A_1580, %get3A_1581] : memref<2000x512xf32, #tpu.memory_space<vmem>>, vector<8x512xf32>
      %mul3A_1583 = arith.constant 8 : i32
      %mul3A_1584 = arith.muli %scan3A_1576, %mul3A_1583 : i32
      %mul3A_1585 = arith.constant 2000 : i32
      %mul3A_1586 = arith.muli %arg0, %mul3A_1585 : i32
      %add3A_1587 = arith.addi %mul3A_1584, %mul3A_1586 : i32
      %add3A_1588 = vector.broadcast %add3A_1587 : i32 to vector<8x512xi32>
      %add3A_1589 = arith.addi %iota3A, %add3A_1588 : vector<8x512xi32>
      %lt3A_1590 = arith.cmpf olt, %get3A_1582, %select_n3A_1553 : vector<8x512xf32>
      %select_n3A_1591 = arith.select %lt3A_1590, %get3A_1582, %select_n3A_1553 : vector<8x512xi1>, vector<8x512xf32>
      %select_n3A_1592 = arith.select %lt3A_1590, %add3A_1589, %select_n3A_1554 : vector<8x512xi1>, vector<8x512xi32>
      %select_n3A_1593 = arith.select %lt3A_1590, %select_n3A_1553, %get3A_1582 : vector<8x512xi1>, vector<8x512xf32>
      %select_n3A_1594 = arith.select %lt3A_1590, %select_n3A_1554, %add3A_1589 : vector<8x512xi1>, vector<8x512xi32>
      %lt3A_1595 = arith.cmpf olt, %select_n3A_1593, %select_n3A_1558 : vector<8x512xf32>
      %select_n3A_1596 = arith.select %lt3A_1595, %select_n3A_1593, %select_n3A_1558 : vector<8x512xi1>, vector<8x512xf32>
      %select_n3A_1597 = arith.select %lt3A_1595, %select_n3A_1594, %select_n3A_1559 : vector<8x512xi1>, vector<8x512xi32>
      %select_n3A_1598 = arith.select %lt3A_1595, %select_n3A_1558, %select_n3A_1593 : vector<8x512xi1>, vector<8x512xf32>
      %select_n3A_1599 = arith.select %lt3A_1595, %select_n3A_1559, %select_n3A_1594 : vector<8x512xi1>, vector<8x512xi32>
      %lt3A_1600 = arith.cmpf olt, %select_n3A_1598, %select_n3A_1563 : vector<8x512xf32>
      %select_n3A_1601 = arith.select %lt3A_1600, %select_n3A_1598, %select_n3A_1563 : vector<8x512xi1>, vector<8x512xf32>
      %select_n3A_1602 = arith.select %lt3A_1600, %select_n3A_1599, %select_n3A_1564 : vector<8x512xi1>, vector<8x512xi32>
      %select_n3A_1603 = arith.select %lt3A_1600, %select_n3A_1563, %select_n3A_1598 : vector<8x512xi1>, vector<8x512xf32>
      %select_n3A_1604 = arith.select %lt3A_1600, %select_n3A_1564, %select_n3A_1599 : vector<8x512xi1>, vector<8x512xi32>
      %lt3A_1605 = arith.cmpf olt, %select_n3A_1603, %select_n3A_1568 : vector<8x512xf32>
      %select_n3A_1606 = arith.select %lt3A_1605, %select_n3A_1603, %select_n3A_1568 : vector<8x512xi1>, vector<8x512xf32>
      %select_n3A_1607 = arith.select %lt3A_1605, %select_n3A_1604, %select_n3A_1569 : vector<8x512xi1>, vector<8x512xi32>
      %select_n3A_1608 = arith.select %lt3A_1605, %select_n3A_1568, %select_n3A_1603 : vector<8x512xi1>, vector<8x512xf32>
      %select_n3A_1609 = arith.select %lt3A_1605, %select_n3A_1569, %select_n3A_1604 : vector<8x512xi1>, vector<8x512xi32>
      %lt3A_1610 = arith.cmpf olt, %select_n3A_1608, %select_n3A_1573 : vector<8x512xf32>
      %select_n3A_1611 = arith.select %lt3A_1610, %select_n3A_1608, %select_n3A_1573 : vector<8x512xi1>, vector<8x512xf32>
      %select_n3A_1612 = arith.select %lt3A_1610, %select_n3A_1609, %select_n3A_1574 : vector<8x512xi1>, vector<8x512xi32>
      %scan3A_1613 = arith.constant 40 : i32
      %scan3A_1614 = arith.addi %scan3A_87, %scan3A_1613 : i32
      %mul3A_1615 = arith.constant 8 : i32
      %mul3A_1616 = arith.muli %scan3A_1614, %mul3A_1615 : i32
      %multiple_of3A_1617 = tpu.assume_multiple %mul3A_1616, 8 : i32
      %get3A_1618 = arith.index_cast %multiple_of3A_1617 : i32 to index
      %get3A_1619 = arith.constant 0 : index
      %get3A_1620 = vector.load %arg8[%get3A_1618, %get3A_1619] : memref<2000x512xf32, #tpu.memory_space<vmem>>, vector<8x512xf32>
      %mul3A_1621 = arith.constant 8 : i32
      %mul3A_1622 = arith.muli %scan3A_1614, %mul3A_1621 : i32
      %mul3A_1623 = arith.constant 2000 : i32
      %mul3A_1624 = arith.muli %arg0, %mul3A_1623 : i32
      %add3A_1625 = arith.addi %mul3A_1622, %mul3A_1624 : i32
      %add3A_1626 = vector.broadcast %add3A_1625 : i32 to vector<8x512xi32>
      %add3A_1627 = arith.addi %iota3A, %add3A_1626 : vector<8x512xi32>
      %lt3A_1628 = arith.cmpf olt, %get3A_1620, %select_n3A_1591 : vector<8x512xf32>
      %select_n3A_1629 = arith.select %lt3A_1628, %get3A_1620, %select_n3A_1591 : vector<8x512xi1>, vector<8x512xf32>
      %select_n3A_1630 = arith.select %lt3A_1628, %add3A_1627, %select_n3A_1592 : vector<8x512xi1>, vector<8x512xi32>
      %select_n3A_1631 = arith.select %lt3A_1628, %select_n3A_1591, %get3A_1620 : vector<8x512xi1>, vector<8x512xf32>
      %select_n3A_1632 = arith.select %lt3A_1628, %select_n3A_1592, %add3A_1627 : vector<8x512xi1>, vector<8x512xi32>
      %lt3A_1633 = arith.cmpf olt, %select_n3A_1631, %select_n3A_1596 : vector<8x512xf32>
      %select_n3A_1634 = arith.select %lt3A_1633, %select_n3A_1631, %select_n3A_1596 : vector<8x512xi1>, vector<8x512xf32>
      %select_n3A_1635 = arith.select %lt3A_1633, %select_n3A_1632, %select_n3A_1597 : vector<8x512xi1>, vector<8x512xi32>
      %select_n3A_1636 = arith.select %lt3A_1633, %select_n3A_1596, %select_n3A_1631 : vector<8x512xi1>, vector<8x512xf32>
      %select_n3A_1637 = arith.select %lt3A_1633, %select_n3A_1597, %select_n3A_1632 : vector<8x512xi1>, vector<8x512xi32>
      %lt3A_1638 = arith.cmpf olt, %select_n3A_1636, %select_n3A_1601 : vector<8x512xf32>
      %select_n3A_1639 = arith.select %lt3A_1638, %select_n3A_1636, %select_n3A_1601 : vector<8x512xi1>, vector<8x512xf32>
      %select_n3A_1640 = arith.select %lt3A_1638, %select_n3A_1637, %select_n3A_1602 : vector<8x512xi1>, vector<8x512xi32>
      %select_n3A_1641 = arith.select %lt3A_1638, %select_n3A_1601, %select_n3A_1636 : vector<8x512xi1>, vector<8x512xf32>
      %select_n3A_1642 = arith.select %lt3A_1638, %select_n3A_1602, %select_n3A_1637 : vector<8x512xi1>, vector<8x512xi32>
      %lt3A_1643 = arith.cmpf olt, %select_n3A_1641, %select_n3A_1606 : vector<8x512xf32>
      %select_n3A_1644 = arith.select %lt3A_1643, %select_n3A_1641, %select_n3A_1606 : vector<8x512xi1>, vector<8x512xf32>
      %select_n3A_1645 = arith.select %lt3A_1643, %select_n3A_1642, %select_n3A_1607 : vector<8x512xi1>, vector<8x512xi32>
      %select_n3A_1646 = arith.select %lt3A_1643, %select_n3A_1606, %select_n3A_1641 : vector<8x512xi1>, vector<8x512xf32>
      %select_n3A_1647 = arith.select %lt3A_1643, %select_n3A_1607, %select_n3A_1642 : vector<8x512xi1>, vector<8x512xi32>
      %lt3A_1648 = arith.cmpf olt, %select_n3A_1646, %select_n3A_1611 : vector<8x512xf32>
      %select_n3A_1649 = arith.select %lt3A_1648, %select_n3A_1646, %select_n3A_1611 : vector<8x512xi1>, vector<8x512xf32>
      %select_n3A_1650 = arith.select %lt3A_1648, %select_n3A_1647, %select_n3A_1612 : vector<8x512xi1>, vector<8x512xi32>
      %scan3A_1651 = arith.constant 41 : i32
      %scan3A_1652 = arith.addi %scan3A_87, %scan3A_1651 : i32
      %mul3A_1653 = arith.constant 8 : i32
      %mul3A_1654 = arith.muli %scan3A_1652, %mul3A_1653 : i32
      %multiple_of3A_1655 = tpu.assume_multiple %mul3A_1654, 8 : i32
      %get3A_1656 = arith.index_cast %multiple_of3A_1655 : i32 to index
      %get3A_1657 = arith.constant 0 : index
      %get3A_1658 = vector.load %arg8[%get3A_1656, %get3A_1657] : memref<2000x512xf32, #tpu.memory_space<vmem>>, vector<8x512xf32>
      %mul3A_1659 = arith.constant 8 : i32
      %mul3A_1660 = arith.muli %scan3A_1652, %mul3A_1659 : i32
      %mul3A_1661 = arith.constant 2000 : i32
      %mul3A_1662 = arith.muli %arg0, %mul3A_1661 : i32
      %add3A_1663 = arith.addi %mul3A_1660, %mul3A_1662 : i32
      %add3A_1664 = vector.broadcast %add3A_1663 : i32 to vector<8x512xi32>
      %add3A_1665 = arith.addi %iota3A, %add3A_1664 : vector<8x512xi32>
      %lt3A_1666 = arith.cmpf olt, %get3A_1658, %select_n3A_1629 : vector<8x512xf32>
      %select_n3A_1667 = arith.select %lt3A_1666, %get3A_1658, %select_n3A_1629 : vector<8x512xi1>, vector<8x512xf32>
      %select_n3A_1668 = arith.select %lt3A_1666, %add3A_1665, %select_n3A_1630 : vector<8x512xi1>, vector<8x512xi32>
      %select_n3A_1669 = arith.select %lt3A_1666, %select_n3A_1629, %get3A_1658 : vector<8x512xi1>, vector<8x512xf32>
      %select_n3A_1670 = arith.select %lt3A_1666, %select_n3A_1630, %add3A_1665 : vector<8x512xi1>, vector<8x512xi32>
      %lt3A_1671 = arith.cmpf olt, %select_n3A_1669, %select_n3A_1634 : vector<8x512xf32>
      %select_n3A_1672 = arith.select %lt3A_1671, %select_n3A_1669, %select_n3A_1634 : vector<8x512xi1>, vector<8x512xf32>
      %select_n3A_1673 = arith.select %lt3A_1671, %select_n3A_1670, %select_n3A_1635 : vector<8x512xi1>, vector<8x512xi32>
      %select_n3A_1674 = arith.select %lt3A_1671, %select_n3A_1634, %select_n3A_1669 : vector<8x512xi1>, vector<8x512xf32>
      %select_n3A_1675 = arith.select %lt3A_1671, %select_n3A_1635, %select_n3A_1670 : vector<8x512xi1>, vector<8x512xi32>
      %lt3A_1676 = arith.cmpf olt, %select_n3A_1674, %select_n3A_1639 : vector<8x512xf32>
      %select_n3A_1677 = arith.select %lt3A_1676, %select_n3A_1674, %select_n3A_1639 : vector<8x512xi1>, vector<8x512xf32>
      %select_n3A_1678 = arith.select %lt3A_1676, %select_n3A_1675, %select_n3A_1640 : vector<8x512xi1>, vector<8x512xi32>
      %select_n3A_1679 = arith.select %lt3A_1676, %select_n3A_1639, %select_n3A_1674 : vector<8x512xi1>, vector<8x512xf32>
      %select_n3A_1680 = arith.select %lt3A_1676, %select_n3A_1640, %select_n3A_1675 : vector<8x512xi1>, vector<8x512xi32>
      %lt3A_1681 = arith.cmpf olt, %select_n3A_1679, %select_n3A_1644 : vector<8x512xf32>
      %select_n3A_1682 = arith.select %lt3A_1681, %select_n3A_1679, %select_n3A_1644 : vector<8x512xi1>, vector<8x512xf32>
      %select_n3A_1683 = arith.select %lt3A_1681, %select_n3A_1680, %select_n3A_1645 : vector<8x512xi1>, vector<8x512xi32>
      %select_n3A_1684 = arith.select %lt3A_1681, %select_n3A_1644, %select_n3A_1679 : vector<8x512xi1>, vector<8x512xf32>
      %select_n3A_1685 = arith.select %lt3A_1681, %select_n3A_1645, %select_n3A_1680 : vector<8x512xi1>, vector<8x512xi32>
      %lt3A_1686 = arith.cmpf olt, %select_n3A_1684, %select_n3A_1649 : vector<8x512xf32>
      %select_n3A_1687 = arith.select %lt3A_1686, %select_n3A_1684, %select_n3A_1649 : vector<8x512xi1>, vector<8x512xf32>
      %select_n3A_1688 = arith.select %lt3A_1686, %select_n3A_1685, %select_n3A_1650 : vector<8x512xi1>, vector<8x512xi32>
      %scan3A_1689 = arith.constant 42 : i32
      %scan3A_1690 = arith.addi %scan3A_87, %scan3A_1689 : i32
      %mul3A_1691 = arith.constant 8 : i32
      %mul3A_1692 = arith.muli %scan3A_1690, %mul3A_1691 : i32
      %multiple_of3A_1693 = tpu.assume_multiple %mul3A_1692, 8 : i32
      %get3A_1694 = arith.index_cast %multiple_of3A_1693 : i32 to index
      %get3A_1695 = arith.constant 0 : index
      %get3A_1696 = vector.load %arg8[%get3A_1694, %get3A_1695] : memref<2000x512xf32, #tpu.memory_space<vmem>>, vector<8x512xf32>
      %mul3A_1697 = arith.constant 8 : i32
      %mul3A_1698 = arith.muli %scan3A_1690, %mul3A_1697 : i32
      %mul3A_1699 = arith.constant 2000 : i32
      %mul3A_1700 = arith.muli %arg0, %mul3A_1699 : i32
      %add3A_1701 = arith.addi %mul3A_1698, %mul3A_1700 : i32
      %add3A_1702 = vector.broadcast %add3A_1701 : i32 to vector<8x512xi32>
      %add3A_1703 = arith.addi %iota3A, %add3A_1702 : vector<8x512xi32>
      %lt3A_1704 = arith.cmpf olt, %get3A_1696, %select_n3A_1667 : vector<8x512xf32>
      %select_n3A_1705 = arith.select %lt3A_1704, %get3A_1696, %select_n3A_1667 : vector<8x512xi1>, vector<8x512xf32>
      %select_n3A_1706 = arith.select %lt3A_1704, %add3A_1703, %select_n3A_1668 : vector<8x512xi1>, vector<8x512xi32>
      %select_n3A_1707 = arith.select %lt3A_1704, %select_n3A_1667, %get3A_1696 : vector<8x512xi1>, vector<8x512xf32>
      %select_n3A_1708 = arith.select %lt3A_1704, %select_n3A_1668, %add3A_1703 : vector<8x512xi1>, vector<8x512xi32>
      %lt3A_1709 = arith.cmpf olt, %select_n3A_1707, %select_n3A_1672 : vector<8x512xf32>
      %select_n3A_1710 = arith.select %lt3A_1709, %select_n3A_1707, %select_n3A_1672 : vector<8x512xi1>, vector<8x512xf32>
      %select_n3A_1711 = arith.select %lt3A_1709, %select_n3A_1708, %select_n3A_1673 : vector<8x512xi1>, vector<8x512xi32>
      %select_n3A_1712 = arith.select %lt3A_1709, %select_n3A_1672, %select_n3A_1707 : vector<8x512xi1>, vector<8x512xf32>
      %select_n3A_1713 = arith.select %lt3A_1709, %select_n3A_1673, %select_n3A_1708 : vector<8x512xi1>, vector<8x512xi32>
      %lt3A_1714 = arith.cmpf olt, %select_n3A_1712, %select_n3A_1677 : vector<8x512xf32>
      %select_n3A_1715 = arith.select %lt3A_1714, %select_n3A_1712, %select_n3A_1677 : vector<8x512xi1>, vector<8x512xf32>
      %select_n3A_1716 = arith.select %lt3A_1714, %select_n3A_1713, %select_n3A_1678 : vector<8x512xi1>, vector<8x512xi32>
      %select_n3A_1717 = arith.select %lt3A_1714, %select_n3A_1677, %select_n3A_1712 : vector<8x512xi1>, vector<8x512xf32>
      %select_n3A_1718 = arith.select %lt3A_1714, %select_n3A_1678, %select_n3A_1713 : vector<8x512xi1>, vector<8x512xi32>
      %lt3A_1719 = arith.cmpf olt, %select_n3A_1717, %select_n3A_1682 : vector<8x512xf32>
      %select_n3A_1720 = arith.select %lt3A_1719, %select_n3A_1717, %select_n3A_1682 : vector<8x512xi1>, vector<8x512xf32>
      %select_n3A_1721 = arith.select %lt3A_1719, %select_n3A_1718, %select_n3A_1683 : vector<8x512xi1>, vector<8x512xi32>
      %select_n3A_1722 = arith.select %lt3A_1719, %select_n3A_1682, %select_n3A_1717 : vector<8x512xi1>, vector<8x512xf32>
      %select_n3A_1723 = arith.select %lt3A_1719, %select_n3A_1683, %select_n3A_1718 : vector<8x512xi1>, vector<8x512xi32>
      %lt3A_1724 = arith.cmpf olt, %select_n3A_1722, %select_n3A_1687 : vector<8x512xf32>
      %select_n3A_1725 = arith.select %lt3A_1724, %select_n3A_1722, %select_n3A_1687 : vector<8x512xi1>, vector<8x512xf32>
      %select_n3A_1726 = arith.select %lt3A_1724, %select_n3A_1723, %select_n3A_1688 : vector<8x512xi1>, vector<8x512xi32>
      %scan3A_1727 = arith.constant 43 : i32
      %scan3A_1728 = arith.addi %scan3A_87, %scan3A_1727 : i32
      %mul3A_1729 = arith.constant 8 : i32
      %mul3A_1730 = arith.muli %scan3A_1728, %mul3A_1729 : i32
      %multiple_of3A_1731 = tpu.assume_multiple %mul3A_1730, 8 : i32
      %get3A_1732 = arith.index_cast %multiple_of3A_1731 : i32 to index
      %get3A_1733 = arith.constant 0 : index
      %get3A_1734 = vector.load %arg8[%get3A_1732, %get3A_1733] : memref<2000x512xf32, #tpu.memory_space<vmem>>, vector<8x512xf32>
      %mul3A_1735 = arith.constant 8 : i32
      %mul3A_1736 = arith.muli %scan3A_1728, %mul3A_1735 : i32
      %mul3A_1737 = arith.constant 2000 : i32
      %mul3A_1738 = arith.muli %arg0, %mul3A_1737 : i32
      %add3A_1739 = arith.addi %mul3A_1736, %mul3A_1738 : i32
      %add3A_1740 = vector.broadcast %add3A_1739 : i32 to vector<8x512xi32>
      %add3A_1741 = arith.addi %iota3A, %add3A_1740 : vector<8x512xi32>
      %lt3A_1742 = arith.cmpf olt, %get3A_1734, %select_n3A_1705 : vector<8x512xf32>
      %select_n3A_1743 = arith.select %lt3A_1742, %get3A_1734, %select_n3A_1705 : vector<8x512xi1>, vector<8x512xf32>
      %select_n3A_1744 = arith.select %lt3A_1742, %add3A_1741, %select_n3A_1706 : vector<8x512xi1>, vector<8x512xi32>
      %select_n3A_1745 = arith.select %lt3A_1742, %select_n3A_1705, %get3A_1734 : vector<8x512xi1>, vector<8x512xf32>
      %select_n3A_1746 = arith.select %lt3A_1742, %select_n3A_1706, %add3A_1741 : vector<8x512xi1>, vector<8x512xi32>
      %lt3A_1747 = arith.cmpf olt, %select_n3A_1745, %select_n3A_1710 : vector<8x512xf32>
      %select_n3A_1748 = arith.select %lt3A_1747, %select_n3A_1745, %select_n3A_1710 : vector<8x512xi1>, vector<8x512xf32>
      %select_n3A_1749 = arith.select %lt3A_1747, %select_n3A_1746, %select_n3A_1711 : vector<8x512xi1>, vector<8x512xi32>
      %select_n3A_1750 = arith.select %lt3A_1747, %select_n3A_1710, %select_n3A_1745 : vector<8x512xi1>, vector<8x512xf32>
      %select_n3A_1751 = arith.select %lt3A_1747, %select_n3A_1711, %select_n3A_1746 : vector<8x512xi1>, vector<8x512xi32>
      %lt3A_1752 = arith.cmpf olt, %select_n3A_1750, %select_n3A_1715 : vector<8x512xf32>
      %select_n3A_1753 = arith.select %lt3A_1752, %select_n3A_1750, %select_n3A_1715 : vector<8x512xi1>, vector<8x512xf32>
      %select_n3A_1754 = arith.select %lt3A_1752, %select_n3A_1751, %select_n3A_1716 : vector<8x512xi1>, vector<8x512xi32>
      %select_n3A_1755 = arith.select %lt3A_1752, %select_n3A_1715, %select_n3A_1750 : vector<8x512xi1>, vector<8x512xf32>
      %select_n3A_1756 = arith.select %lt3A_1752, %select_n3A_1716, %select_n3A_1751 : vector<8x512xi1>, vector<8x512xi32>
      %lt3A_1757 = arith.cmpf olt, %select_n3A_1755, %select_n3A_1720 : vector<8x512xf32>
      %select_n3A_1758 = arith.select %lt3A_1757, %select_n3A_1755, %select_n3A_1720 : vector<8x512xi1>, vector<8x512xf32>
      %select_n3A_1759 = arith.select %lt3A_1757, %select_n3A_1756, %select_n3A_1721 : vector<8x512xi1>, vector<8x512xi32>
      %select_n3A_1760 = arith.select %lt3A_1757, %select_n3A_1720, %select_n3A_1755 : vector<8x512xi1>, vector<8x512xf32>
      %select_n3A_1761 = arith.select %lt3A_1757, %select_n3A_1721, %select_n3A_1756 : vector<8x512xi1>, vector<8x512xi32>
      %lt3A_1762 = arith.cmpf olt, %select_n3A_1760, %select_n3A_1725 : vector<8x512xf32>
      %select_n3A_1763 = arith.select %lt3A_1762, %select_n3A_1760, %select_n3A_1725 : vector<8x512xi1>, vector<8x512xf32>
      %select_n3A_1764 = arith.select %lt3A_1762, %select_n3A_1761, %select_n3A_1726 : vector<8x512xi1>, vector<8x512xi32>
      %scan3A_1765 = arith.constant 44 : i32
      %scan3A_1766 = arith.addi %scan3A_87, %scan3A_1765 : i32
      %mul3A_1767 = arith.constant 8 : i32
      %mul3A_1768 = arith.muli %scan3A_1766, %mul3A_1767 : i32
      %multiple_of3A_1769 = tpu.assume_multiple %mul3A_1768, 8 : i32
      %get3A_1770 = arith.index_cast %multiple_of3A_1769 : i32 to index
      %get3A_1771 = arith.constant 0 : index
      %get3A_1772 = vector.load %arg8[%get3A_1770, %get3A_1771] : memref<2000x512xf32, #tpu.memory_space<vmem>>, vector<8x512xf32>
      %mul3A_1773 = arith.constant 8 : i32
      %mul3A_1774 = arith.muli %scan3A_1766, %mul3A_1773 : i32
      %mul3A_1775 = arith.constant 2000 : i32
      %mul3A_1776 = arith.muli %arg0, %mul3A_1775 : i32
      %add3A_1777 = arith.addi %mul3A_1774, %mul3A_1776 : i32
      %add3A_1778 = vector.broadcast %add3A_1777 : i32 to vector<8x512xi32>
      %add3A_1779 = arith.addi %iota3A, %add3A_1778 : vector<8x512xi32>
      %lt3A_1780 = arith.cmpf olt, %get3A_1772, %select_n3A_1743 : vector<8x512xf32>
      %select_n3A_1781 = arith.select %lt3A_1780, %get3A_1772, %select_n3A_1743 : vector<8x512xi1>, vector<8x512xf32>
      %select_n3A_1782 = arith.select %lt3A_1780, %add3A_1779, %select_n3A_1744 : vector<8x512xi1>, vector<8x512xi32>
      %select_n3A_1783 = arith.select %lt3A_1780, %select_n3A_1743, %get3A_1772 : vector<8x512xi1>, vector<8x512xf32>
      %select_n3A_1784 = arith.select %lt3A_1780, %select_n3A_1744, %add3A_1779 : vector<8x512xi1>, vector<8x512xi32>
      %lt3A_1785 = arith.cmpf olt, %select_n3A_1783, %select_n3A_1748 : vector<8x512xf32>
      %select_n3A_1786 = arith.select %lt3A_1785, %select_n3A_1783, %select_n3A_1748 : vector<8x512xi1>, vector<8x512xf32>
      %select_n3A_1787 = arith.select %lt3A_1785, %select_n3A_1784, %select_n3A_1749 : vector<8x512xi1>, vector<8x512xi32>
      %select_n3A_1788 = arith.select %lt3A_1785, %select_n3A_1748, %select_n3A_1783 : vector<8x512xi1>, vector<8x512xf32>
      %select_n3A_1789 = arith.select %lt3A_1785, %select_n3A_1749, %select_n3A_1784 : vector<8x512xi1>, vector<8x512xi32>
      %lt3A_1790 = arith.cmpf olt, %select_n3A_1788, %select_n3A_1753 : vector<8x512xf32>
      %select_n3A_1791 = arith.select %lt3A_1790, %select_n3A_1788, %select_n3A_1753 : vector<8x512xi1>, vector<8x512xf32>
      %select_n3A_1792 = arith.select %lt3A_1790, %select_n3A_1789, %select_n3A_1754 : vector<8x512xi1>, vector<8x512xi32>
      %select_n3A_1793 = arith.select %lt3A_1790, %select_n3A_1753, %select_n3A_1788 : vector<8x512xi1>, vector<8x512xf32>
      %select_n3A_1794 = arith.select %lt3A_1790, %select_n3A_1754, %select_n3A_1789 : vector<8x512xi1>, vector<8x512xi32>
      %lt3A_1795 = arith.cmpf olt, %select_n3A_1793, %select_n3A_1758 : vector<8x512xf32>
      %select_n3A_1796 = arith.select %lt3A_1795, %select_n3A_1793, %select_n3A_1758 : vector<8x512xi1>, vector<8x512xf32>
      %select_n3A_1797 = arith.select %lt3A_1795, %select_n3A_1794, %select_n3A_1759 : vector<8x512xi1>, vector<8x512xi32>
      %select_n3A_1798 = arith.select %lt3A_1795, %select_n3A_1758, %select_n3A_1793 : vector<8x512xi1>, vector<8x512xf32>
      %select_n3A_1799 = arith.select %lt3A_1795, %select_n3A_1759, %select_n3A_1794 : vector<8x512xi1>, vector<8x512xi32>
      %lt3A_1800 = arith.cmpf olt, %select_n3A_1798, %select_n3A_1763 : vector<8x512xf32>
      %select_n3A_1801 = arith.select %lt3A_1800, %select_n3A_1798, %select_n3A_1763 : vector<8x512xi1>, vector<8x512xf32>
      %select_n3A_1802 = arith.select %lt3A_1800, %select_n3A_1799, %select_n3A_1764 : vector<8x512xi1>, vector<8x512xi32>
      %scan3A_1803 = arith.constant 45 : i32
      %scan3A_1804 = arith.addi %scan3A_87, %scan3A_1803 : i32
      %mul3A_1805 = arith.constant 8 : i32
      %mul3A_1806 = arith.muli %scan3A_1804, %mul3A_1805 : i32
      %multiple_of3A_1807 = tpu.assume_multiple %mul3A_1806, 8 : i32
      %get3A_1808 = arith.index_cast %multiple_of3A_1807 : i32 to index
      %get3A_1809 = arith.constant 0 : index
      %get3A_1810 = vector.load %arg8[%get3A_1808, %get3A_1809] : memref<2000x512xf32, #tpu.memory_space<vmem>>, vector<8x512xf32>
      %mul3A_1811 = arith.constant 8 : i32
      %mul3A_1812 = arith.muli %scan3A_1804, %mul3A_1811 : i32
      %mul3A_1813 = arith.constant 2000 : i32
      %mul3A_1814 = arith.muli %arg0, %mul3A_1813 : i32
      %add3A_1815 = arith.addi %mul3A_1812, %mul3A_1814 : i32
      %add3A_1816 = vector.broadcast %add3A_1815 : i32 to vector<8x512xi32>
      %add3A_1817 = arith.addi %iota3A, %add3A_1816 : vector<8x512xi32>
      %lt3A_1818 = arith.cmpf olt, %get3A_1810, %select_n3A_1781 : vector<8x512xf32>
      %select_n3A_1819 = arith.select %lt3A_1818, %get3A_1810, %select_n3A_1781 : vector<8x512xi1>, vector<8x512xf32>
      %select_n3A_1820 = arith.select %lt3A_1818, %add3A_1817, %select_n3A_1782 : vector<8x512xi1>, vector<8x512xi32>
      %select_n3A_1821 = arith.select %lt3A_1818, %select_n3A_1781, %get3A_1810 : vector<8x512xi1>, vector<8x512xf32>
      %select_n3A_1822 = arith.select %lt3A_1818, %select_n3A_1782, %add3A_1817 : vector<8x512xi1>, vector<8x512xi32>
      %lt3A_1823 = arith.cmpf olt, %select_n3A_1821, %select_n3A_1786 : vector<8x512xf32>
      %select_n3A_1824 = arith.select %lt3A_1823, %select_n3A_1821, %select_n3A_1786 : vector<8x512xi1>, vector<8x512xf32>
      %select_n3A_1825 = arith.select %lt3A_1823, %select_n3A_1822, %select_n3A_1787 : vector<8x512xi1>, vector<8x512xi32>
      %select_n3A_1826 = arith.select %lt3A_1823, %select_n3A_1786, %select_n3A_1821 : vector<8x512xi1>, vector<8x512xf32>
      %select_n3A_1827 = arith.select %lt3A_1823, %select_n3A_1787, %select_n3A_1822 : vector<8x512xi1>, vector<8x512xi32>
      %lt3A_1828 = arith.cmpf olt, %select_n3A_1826, %select_n3A_1791 : vector<8x512xf32>
      %select_n3A_1829 = arith.select %lt3A_1828, %select_n3A_1826, %select_n3A_1791 : vector<8x512xi1>, vector<8x512xf32>
      %select_n3A_1830 = arith.select %lt3A_1828, %select_n3A_1827, %select_n3A_1792 : vector<8x512xi1>, vector<8x512xi32>
      %select_n3A_1831 = arith.select %lt3A_1828, %select_n3A_1791, %select_n3A_1826 : vector<8x512xi1>, vector<8x512xf32>
      %select_n3A_1832 = arith.select %lt3A_1828, %select_n3A_1792, %select_n3A_1827 : vector<8x512xi1>, vector<8x512xi32>
      %lt3A_1833 = arith.cmpf olt, %select_n3A_1831, %select_n3A_1796 : vector<8x512xf32>
      %select_n3A_1834 = arith.select %lt3A_1833, %select_n3A_1831, %select_n3A_1796 : vector<8x512xi1>, vector<8x512xf32>
      %select_n3A_1835 = arith.select %lt3A_1833, %select_n3A_1832, %select_n3A_1797 : vector<8x512xi1>, vector<8x512xi32>
      %select_n3A_1836 = arith.select %lt3A_1833, %select_n3A_1796, %select_n3A_1831 : vector<8x512xi1>, vector<8x512xf32>
      %select_n3A_1837 = arith.select %lt3A_1833, %select_n3A_1797, %select_n3A_1832 : vector<8x512xi1>, vector<8x512xi32>
      %lt3A_1838 = arith.cmpf olt, %select_n3A_1836, %select_n3A_1801 : vector<8x512xf32>
      %select_n3A_1839 = arith.select %lt3A_1838, %select_n3A_1836, %select_n3A_1801 : vector<8x512xi1>, vector<8x512xf32>
      %select_n3A_1840 = arith.select %lt3A_1838, %select_n3A_1837, %select_n3A_1802 : vector<8x512xi1>, vector<8x512xi32>
      %scan3A_1841 = arith.constant 46 : i32
      %scan3A_1842 = arith.addi %scan3A_87, %scan3A_1841 : i32
      %mul3A_1843 = arith.constant 8 : i32
      %mul3A_1844 = arith.muli %scan3A_1842, %mul3A_1843 : i32
      %multiple_of3A_1845 = tpu.assume_multiple %mul3A_1844, 8 : i32
      %get3A_1846 = arith.index_cast %multiple_of3A_1845 : i32 to index
      %get3A_1847 = arith.constant 0 : index
      %get3A_1848 = vector.load %arg8[%get3A_1846, %get3A_1847] : memref<2000x512xf32, #tpu.memory_space<vmem>>, vector<8x512xf32>
      %mul3A_1849 = arith.constant 8 : i32
      %mul3A_1850 = arith.muli %scan3A_1842, %mul3A_1849 : i32
      %mul3A_1851 = arith.constant 2000 : i32
      %mul3A_1852 = arith.muli %arg0, %mul3A_1851 : i32
      %add3A_1853 = arith.addi %mul3A_1850, %mul3A_1852 : i32
      %add3A_1854 = vector.broadcast %add3A_1853 : i32 to vector<8x512xi32>
      %add3A_1855 = arith.addi %iota3A, %add3A_1854 : vector<8x512xi32>
      %lt3A_1856 = arith.cmpf olt, %get3A_1848, %select_n3A_1819 : vector<8x512xf32>
      %select_n3A_1857 = arith.select %lt3A_1856, %get3A_1848, %select_n3A_1819 : vector<8x512xi1>, vector<8x512xf32>
      %select_n3A_1858 = arith.select %lt3A_1856, %add3A_1855, %select_n3A_1820 : vector<8x512xi1>, vector<8x512xi32>
      %select_n3A_1859 = arith.select %lt3A_1856, %select_n3A_1819, %get3A_1848 : vector<8x512xi1>, vector<8x512xf32>
      %select_n3A_1860 = arith.select %lt3A_1856, %select_n3A_1820, %add3A_1855 : vector<8x512xi1>, vector<8x512xi32>
      %lt3A_1861 = arith.cmpf olt, %select_n3A_1859, %select_n3A_1824 : vector<8x512xf32>
      %select_n3A_1862 = arith.select %lt3A_1861, %select_n3A_1859, %select_n3A_1824 : vector<8x512xi1>, vector<8x512xf32>
      %select_n3A_1863 = arith.select %lt3A_1861, %select_n3A_1860, %select_n3A_1825 : vector<8x512xi1>, vector<8x512xi32>
      %select_n3A_1864 = arith.select %lt3A_1861, %select_n3A_1824, %select_n3A_1859 : vector<8x512xi1>, vector<8x512xf32>
      %select_n3A_1865 = arith.select %lt3A_1861, %select_n3A_1825, %select_n3A_1860 : vector<8x512xi1>, vector<8x512xi32>
      %lt3A_1866 = arith.cmpf olt, %select_n3A_1864, %select_n3A_1829 : vector<8x512xf32>
      %select_n3A_1867 = arith.select %lt3A_1866, %select_n3A_1864, %select_n3A_1829 : vector<8x512xi1>, vector<8x512xf32>
      %select_n3A_1868 = arith.select %lt3A_1866, %select_n3A_1865, %select_n3A_1830 : vector<8x512xi1>, vector<8x512xi32>
      %select_n3A_1869 = arith.select %lt3A_1866, %select_n3A_1829, %select_n3A_1864 : vector<8x512xi1>, vector<8x512xf32>
      %select_n3A_1870 = arith.select %lt3A_1866, %select_n3A_1830, %select_n3A_1865 : vector<8x512xi1>, vector<8x512xi32>
      %lt3A_1871 = arith.cmpf olt, %select_n3A_1869, %select_n3A_1834 : vector<8x512xf32>
      %select_n3A_1872 = arith.select %lt3A_1871, %select_n3A_1869, %select_n3A_1834 : vector<8x512xi1>, vector<8x512xf32>
      %select_n3A_1873 = arith.select %lt3A_1871, %select_n3A_1870, %select_n3A_1835 : vector<8x512xi1>, vector<8x512xi32>
      %select_n3A_1874 = arith.select %lt3A_1871, %select_n3A_1834, %select_n3A_1869 : vector<8x512xi1>, vector<8x512xf32>
      %select_n3A_1875 = arith.select %lt3A_1871, %select_n3A_1835, %select_n3A_1870 : vector<8x512xi1>, vector<8x512xi32>
      %lt3A_1876 = arith.cmpf olt, %select_n3A_1874, %select_n3A_1839 : vector<8x512xf32>
      %select_n3A_1877 = arith.select %lt3A_1876, %select_n3A_1874, %select_n3A_1839 : vector<8x512xi1>, vector<8x512xf32>
      %select_n3A_1878 = arith.select %lt3A_1876, %select_n3A_1875, %select_n3A_1840 : vector<8x512xi1>, vector<8x512xi32>
      %scan3A_1879 = arith.constant 47 : i32
      %scan3A_1880 = arith.addi %scan3A_87, %scan3A_1879 : i32
      %mul3A_1881 = arith.constant 8 : i32
      %mul3A_1882 = arith.muli %scan3A_1880, %mul3A_1881 : i32
      %multiple_of3A_1883 = tpu.assume_multiple %mul3A_1882, 8 : i32
      %get3A_1884 = arith.index_cast %multiple_of3A_1883 : i32 to index
      %get3A_1885 = arith.constant 0 : index
      %get3A_1886 = vector.load %arg8[%get3A_1884, %get3A_1885] : memref<2000x512xf32, #tpu.memory_space<vmem>>, vector<8x512xf32>
      %mul3A_1887 = arith.constant 8 : i32
      %mul3A_1888 = arith.muli %scan3A_1880, %mul3A_1887 : i32
      %mul3A_1889 = arith.constant 2000 : i32
      %mul3A_1890 = arith.muli %arg0, %mul3A_1889 : i32
      %add3A_1891 = arith.addi %mul3A_1888, %mul3A_1890 : i32
      %add3A_1892 = vector.broadcast %add3A_1891 : i32 to vector<8x512xi32>
      %add3A_1893 = arith.addi %iota3A, %add3A_1892 : vector<8x512xi32>
      %lt3A_1894 = arith.cmpf olt, %get3A_1886, %select_n3A_1857 : vector<8x512xf32>
      %select_n3A_1895 = arith.select %lt3A_1894, %get3A_1886, %select_n3A_1857 : vector<8x512xi1>, vector<8x512xf32>
      %select_n3A_1896 = arith.select %lt3A_1894, %add3A_1893, %select_n3A_1858 : vector<8x512xi1>, vector<8x512xi32>
      %select_n3A_1897 = arith.select %lt3A_1894, %select_n3A_1857, %get3A_1886 : vector<8x512xi1>, vector<8x512xf32>
      %select_n3A_1898 = arith.select %lt3A_1894, %select_n3A_1858, %add3A_1893 : vector<8x512xi1>, vector<8x512xi32>
      %lt3A_1899 = arith.cmpf olt, %select_n3A_1897, %select_n3A_1862 : vector<8x512xf32>
      %select_n3A_1900 = arith.select %lt3A_1899, %select_n3A_1897, %select_n3A_1862 : vector<8x512xi1>, vector<8x512xf32>
      %select_n3A_1901 = arith.select %lt3A_1899, %select_n3A_1898, %select_n3A_1863 : vector<8x512xi1>, vector<8x512xi32>
      %select_n3A_1902 = arith.select %lt3A_1899, %select_n3A_1862, %select_n3A_1897 : vector<8x512xi1>, vector<8x512xf32>
      %select_n3A_1903 = arith.select %lt3A_1899, %select_n3A_1863, %select_n3A_1898 : vector<8x512xi1>, vector<8x512xi32>
      %lt3A_1904 = arith.cmpf olt, %select_n3A_1902, %select_n3A_1867 : vector<8x512xf32>
      %select_n3A_1905 = arith.select %lt3A_1904, %select_n3A_1902, %select_n3A_1867 : vector<8x512xi1>, vector<8x512xf32>
      %select_n3A_1906 = arith.select %lt3A_1904, %select_n3A_1903, %select_n3A_1868 : vector<8x512xi1>, vector<8x512xi32>
      %select_n3A_1907 = arith.select %lt3A_1904, %select_n3A_1867, %select_n3A_1902 : vector<8x512xi1>, vector<8x512xf32>
      %select_n3A_1908 = arith.select %lt3A_1904, %select_n3A_1868, %select_n3A_1903 : vector<8x512xi1>, vector<8x512xi32>
      %lt3A_1909 = arith.cmpf olt, %select_n3A_1907, %select_n3A_1872 : vector<8x512xf32>
      %select_n3A_1910 = arith.select %lt3A_1909, %select_n3A_1907, %select_n3A_1872 : vector<8x512xi1>, vector<8x512xf32>
      %select_n3A_1911 = arith.select %lt3A_1909, %select_n3A_1908, %select_n3A_1873 : vector<8x512xi1>, vector<8x512xi32>
      %select_n3A_1912 = arith.select %lt3A_1909, %select_n3A_1872, %select_n3A_1907 : vector<8x512xi1>, vector<8x512xf32>
      %select_n3A_1913 = arith.select %lt3A_1909, %select_n3A_1873, %select_n3A_1908 : vector<8x512xi1>, vector<8x512xi32>
      %lt3A_1914 = arith.cmpf olt, %select_n3A_1912, %select_n3A_1877 : vector<8x512xf32>
      %select_n3A_1915 = arith.select %lt3A_1914, %select_n3A_1912, %select_n3A_1877 : vector<8x512xi1>, vector<8x512xf32>
      %select_n3A_1916 = arith.select %lt3A_1914, %select_n3A_1913, %select_n3A_1878 : vector<8x512xi1>, vector<8x512xi32>
      %scan3A_1917 = arith.constant 48 : i32
      %scan3A_1918 = arith.addi %scan3A_87, %scan3A_1917 : i32
      %mul3A_1919 = arith.constant 8 : i32
      %mul3A_1920 = arith.muli %scan3A_1918, %mul3A_1919 : i32
      %multiple_of3A_1921 = tpu.assume_multiple %mul3A_1920, 8 : i32
      %get3A_1922 = arith.index_cast %multiple_of3A_1921 : i32 to index
      %get3A_1923 = arith.constant 0 : index
      %get3A_1924 = vector.load %arg8[%get3A_1922, %get3A_1923] : memref<2000x512xf32, #tpu.memory_space<vmem>>, vector<8x512xf32>
      %mul3A_1925 = arith.constant 8 : i32
      %mul3A_1926 = arith.muli %scan3A_1918, %mul3A_1925 : i32
      %mul3A_1927 = arith.constant 2000 : i32
      %mul3A_1928 = arith.muli %arg0, %mul3A_1927 : i32
      %add3A_1929 = arith.addi %mul3A_1926, %mul3A_1928 : i32
      %add3A_1930 = vector.broadcast %add3A_1929 : i32 to vector<8x512xi32>
      %add3A_1931 = arith.addi %iota3A, %add3A_1930 : vector<8x512xi32>
      %lt3A_1932 = arith.cmpf olt, %get3A_1924, %select_n3A_1895 : vector<8x512xf32>
      %select_n3A_1933 = arith.select %lt3A_1932, %get3A_1924, %select_n3A_1895 : vector<8x512xi1>, vector<8x512xf32>
      %select_n3A_1934 = arith.select %lt3A_1932, %add3A_1931, %select_n3A_1896 : vector<8x512xi1>, vector<8x512xi32>
      %select_n3A_1935 = arith.select %lt3A_1932, %select_n3A_1895, %get3A_1924 : vector<8x512xi1>, vector<8x512xf32>
      %select_n3A_1936 = arith.select %lt3A_1932, %select_n3A_1896, %add3A_1931 : vector<8x512xi1>, vector<8x512xi32>
      %lt3A_1937 = arith.cmpf olt, %select_n3A_1935, %select_n3A_1900 : vector<8x512xf32>
      %select_n3A_1938 = arith.select %lt3A_1937, %select_n3A_1935, %select_n3A_1900 : vector<8x512xi1>, vector<8x512xf32>
      %select_n3A_1939 = arith.select %lt3A_1937, %select_n3A_1936, %select_n3A_1901 : vector<8x512xi1>, vector<8x512xi32>
      %select_n3A_1940 = arith.select %lt3A_1937, %select_n3A_1900, %select_n3A_1935 : vector<8x512xi1>, vector<8x512xf32>
      %select_n3A_1941 = arith.select %lt3A_1937, %select_n3A_1901, %select_n3A_1936 : vector<8x512xi1>, vector<8x512xi32>
      %lt3A_1942 = arith.cmpf olt, %select_n3A_1940, %select_n3A_1905 : vector<8x512xf32>
      %select_n3A_1943 = arith.select %lt3A_1942, %select_n3A_1940, %select_n3A_1905 : vector<8x512xi1>, vector<8x512xf32>
      %select_n3A_1944 = arith.select %lt3A_1942, %select_n3A_1941, %select_n3A_1906 : vector<8x512xi1>, vector<8x512xi32>
      %select_n3A_1945 = arith.select %lt3A_1942, %select_n3A_1905, %select_n3A_1940 : vector<8x512xi1>, vector<8x512xf32>
      %select_n3A_1946 = arith.select %lt3A_1942, %select_n3A_1906, %select_n3A_1941 : vector<8x512xi1>, vector<8x512xi32>
      %lt3A_1947 = arith.cmpf olt, %select_n3A_1945, %select_n3A_1910 : vector<8x512xf32>
      %select_n3A_1948 = arith.select %lt3A_1947, %select_n3A_1945, %select_n3A_1910 : vector<8x512xi1>, vector<8x512xf32>
      %select_n3A_1949 = arith.select %lt3A_1947, %select_n3A_1946, %select_n3A_1911 : vector<8x512xi1>, vector<8x512xi32>
      %select_n3A_1950 = arith.select %lt3A_1947, %select_n3A_1910, %select_n3A_1945 : vector<8x512xi1>, vector<8x512xf32>
      %select_n3A_1951 = arith.select %lt3A_1947, %select_n3A_1911, %select_n3A_1946 : vector<8x512xi1>, vector<8x512xi32>
      %lt3A_1952 = arith.cmpf olt, %select_n3A_1950, %select_n3A_1915 : vector<8x512xf32>
      %select_n3A_1953 = arith.select %lt3A_1952, %select_n3A_1950, %select_n3A_1915 : vector<8x512xi1>, vector<8x512xf32>
      %select_n3A_1954 = arith.select %lt3A_1952, %select_n3A_1951, %select_n3A_1916 : vector<8x512xi1>, vector<8x512xi32>
      %scan3A_1955 = arith.constant 49 : i32
      %scan3A_1956 = arith.addi %scan3A_87, %scan3A_1955 : i32
      %mul3A_1957 = arith.constant 8 : i32
      %mul3A_1958 = arith.muli %scan3A_1956, %mul3A_1957 : i32
      %multiple_of3A_1959 = tpu.assume_multiple %mul3A_1958, 8 : i32
      %get3A_1960 = arith.index_cast %multiple_of3A_1959 : i32 to index
      %get3A_1961 = arith.constant 0 : index
      %get3A_1962 = vector.load %arg8[%get3A_1960, %get3A_1961] : memref<2000x512xf32, #tpu.memory_space<vmem>>, vector<8x512xf32>
      %mul3A_1963 = arith.constant 8 : i32
      %mul3A_1964 = arith.muli %scan3A_1956, %mul3A_1963 : i32
      %mul3A_1965 = arith.constant 2000 : i32
      %mul3A_1966 = arith.muli %arg0, %mul3A_1965 : i32
      %add3A_1967 = arith.addi %mul3A_1964, %mul3A_1966 : i32
      %add3A_1968 = vector.broadcast %add3A_1967 : i32 to vector<8x512xi32>
      %add3A_1969 = arith.addi %iota3A, %add3A_1968 : vector<8x512xi32>
      %lt3A_1970 = arith.cmpf olt, %get3A_1962, %select_n3A_1933 : vector<8x512xf32>
      %select_n3A_1971 = arith.select %lt3A_1970, %get3A_1962, %select_n3A_1933 : vector<8x512xi1>, vector<8x512xf32>
      %select_n3A_1972 = arith.select %lt3A_1970, %add3A_1969, %select_n3A_1934 : vector<8x512xi1>, vector<8x512xi32>
      %select_n3A_1973 = arith.select %lt3A_1970, %select_n3A_1933, %get3A_1962 : vector<8x512xi1>, vector<8x512xf32>
      %select_n3A_1974 = arith.select %lt3A_1970, %select_n3A_1934, %add3A_1969 : vector<8x512xi1>, vector<8x512xi32>
      %lt3A_1975 = arith.cmpf olt, %select_n3A_1973, %select_n3A_1938 : vector<8x512xf32>
      %select_n3A_1976 = arith.select %lt3A_1975, %select_n3A_1973, %select_n3A_1938 : vector<8x512xi1>, vector<8x512xf32>
      %select_n3A_1977 = arith.select %lt3A_1975, %select_n3A_1974, %select_n3A_1939 : vector<8x512xi1>, vector<8x512xi32>
      %select_n3A_1978 = arith.select %lt3A_1975, %select_n3A_1938, %select_n3A_1973 : vector<8x512xi1>, vector<8x512xf32>
      %select_n3A_1979 = arith.select %lt3A_1975, %select_n3A_1939, %select_n3A_1974 : vector<8x512xi1>, vector<8x512xi32>
      %lt3A_1980 = arith.cmpf olt, %select_n3A_1978, %select_n3A_1943 : vector<8x512xf32>
      %select_n3A_1981 = arith.select %lt3A_1980, %select_n3A_1978, %select_n3A_1943 : vector<8x512xi1>, vector<8x512xf32>
      %select_n3A_1982 = arith.select %lt3A_1980, %select_n3A_1979, %select_n3A_1944 : vector<8x512xi1>, vector<8x512xi32>
      %select_n3A_1983 = arith.select %lt3A_1980, %select_n3A_1943, %select_n3A_1978 : vector<8x512xi1>, vector<8x512xf32>
      %select_n3A_1984 = arith.select %lt3A_1980, %select_n3A_1944, %select_n3A_1979 : vector<8x512xi1>, vector<8x512xi32>
      %lt3A_1985 = arith.cmpf olt, %select_n3A_1983, %select_n3A_1948 : vector<8x512xf32>
      %select_n3A_1986 = arith.select %lt3A_1985, %select_n3A_1983, %select_n3A_1948 : vector<8x512xi1>, vector<8x512xf32>
      %select_n3A_1987 = arith.select %lt3A_1985, %select_n3A_1984, %select_n3A_1949 : vector<8x512xi1>, vector<8x512xi32>
      %select_n3A_1988 = arith.select %lt3A_1985, %select_n3A_1948, %select_n3A_1983 : vector<8x512xi1>, vector<8x512xf32>
      %select_n3A_1989 = arith.select %lt3A_1985, %select_n3A_1949, %select_n3A_1984 : vector<8x512xi1>, vector<8x512xi32>
      %lt3A_1990 = arith.cmpf olt, %select_n3A_1988, %select_n3A_1953 : vector<8x512xf32>
      %select_n3A_1991 = arith.select %lt3A_1990, %select_n3A_1988, %select_n3A_1953 : vector<8x512xi1>, vector<8x512xf32>
      %select_n3A_1992 = arith.select %lt3A_1990, %select_n3A_1989, %select_n3A_1954 : vector<8x512xi1>, vector<8x512xi32>
      scf.yield %select_n3A_1971, %select_n3A_1976, %select_n3A_1981, %select_n3A_1986, %select_n3A_1991, %select_n3A_1972, %select_n3A_1977, %select_n3A_1982, %select_n3A_1987, %select_n3A_1992 : vector<8x512xf32>, vector<8x512xf32>, vector<8x512xf32>, vector<8x512xf32>, vector<8x512xf32>, vector<8x512xi32>, vector<8x512xi32>, vector<8x512xi32>, vector<8x512xi32>, vector<8x512xi32>
    }
    %scan3A_51 = arith.constant 250 : i32
    %swap3A_52 = arith.constant 0 : index
    %swap3A_53 = arith.constant 0 : index
    %swap3A_54 = vector.load %arg9[%swap3A_52, %swap3A_53] : memref<40x512xf32, #tpu.memory_space<vmem>>, vector<8x512xf32>
    tpu.vector_store %arg9[%swap3A_52, %swap3A_53], %scan3A_50#0 {strides = array<i32>} : memref<40x512xf32, #tpu.memory_space<vmem>>, vector<8x512xf32>,
    %swap3A_55 = arith.constant 0 : index
    %swap3A_56 = arith.constant 0 : index
    %swap3A_57 = vector.load %arg10[%swap3A_55, %swap3A_56] : memref<40x512xi32, #tpu.memory_space<vmem>>, vector<8x512xi32>
    tpu.vector_store %arg10[%swap3A_55, %swap3A_56], %scan3A_50#5 {strides = array<i32>} : memref<40x512xi32, #tpu.memory_space<vmem>>, vector<8x512xi32>,
    %swap3A_58 = arith.constant 8 : index
    %swap3A_59 = arith.constant 0 : index
    %swap3A_60 = vector.load %arg9[%swap3A_58, %swap3A_59] : memref<40x512xf32, #tpu.memory_space<vmem>>, vector<8x512xf32>
    tpu.vector_store %arg9[%swap3A_58, %swap3A_59], %scan3A_50#1 {strides = array<i32>} : memref<40x512xf32, #tpu.memory_space<vmem>>, vector<8x512xf32>,
    %swap3A_61 = arith.constant 8 : index
    %swap3A_62 = arith.constant 0 : index
    %swap3A_63 = vector.load %arg10[%swap3A_61, %swap3A_62] : memref<40x512xi32, #tpu.memory_space<vmem>>, vector<8x512xi32>
    tpu.vector_store %arg10[%swap3A_61, %swap3A_62], %scan3A_50#6 {strides = array<i32>} : memref<40x512xi32, #tpu.memory_space<vmem>>, vector<8x512xi32>,
    %swap3A_64 = arith.constant 16 : index
    %swap3A_65 = arith.constant 0 : index
    %swap3A_66 = vector.load %arg9[%swap3A_64, %swap3A_65] : memref<40x512xf32, #tpu.memory_space<vmem>>, vector<8x512xf32>
    tpu.vector_store %arg9[%swap3A_64, %swap3A_65], %scan3A_50#2 {strides = array<i32>} : memref<40x512xf32, #tpu.memory_space<vmem>>, vector<8x512xf32>,
    %swap3A_67 = arith.constant 16 : index
    %swap3A_68 = arith.constant 0 : index
    %swap3A_69 = vector.load %arg10[%swap3A_67, %swap3A_68] : memref<40x512xi32, #tpu.memory_space<vmem>>, vector<8x512xi32>
    tpu.vector_store %arg10[%swap3A_67, %swap3A_68], %scan3A_50#7 {strides = array<i32>} : memref<40x512xi32, #tpu.memory_space<vmem>>, vector<8x512xi32>,
    %swap3A_70 = arith.constant 24 : index
    %swap3A_71 = arith.constant 0 : index
    %swap3A_72 = vector.load %arg9[%swap3A_70, %swap3A_71] : memref<40x512xf32, #tpu.memory_space<vmem>>, vector<8x512xf32>
    tpu.vector_store %arg9[%swap3A_70, %swap3A_71], %scan3A_50#3 {strides = array<i32>} : memref<40x512xf32, #tpu.memory_space<vmem>>, vector<8x512xf32>,
    %swap3A_73 = arith.constant 24 : index
    %swap3A_74 = arith.constant 0 : index
    %swap3A_75 = vector.load %arg10[%swap3A_73, %swap3A_74] : memref<40x512xi32, #tpu.memory_space<vmem>>, vector<8x512xi32>
    tpu.vector_store %arg10[%swap3A_73, %swap3A_74], %scan3A_50#8 {strides = array<i32>} : memref<40x512xi32, #tpu.memory_space<vmem>>, vector<8x512xi32>,
    %swap3A_76 = arith.constant 32 : index
    %swap3A_77 = arith.constant 0 : index
    %swap3A_78 = vector.load %arg9[%swap3A_76, %swap3A_77] : memref<40x512xf32, #tpu.memory_space<vmem>>, vector<8x512xf32>
    tpu.vector_store %arg9[%swap3A_76, %swap3A_77], %scan3A_50#4 {strides = array<i32>} : memref<40x512xf32, #tpu.memory_space<vmem>>, vector<8x512xf32>,
    %swap3A_79 = arith.constant 32 : index
    %swap3A_80 = arith.constant 0 : index
    %swap3A_81 = vector.load %arg10[%swap3A_79, %swap3A_80] : memref<40x512xi32, #tpu.memory_space<vmem>>, vector<8x512xi32>
    tpu.vector_store %arg10[%swap3A_79, %swap3A_80], %scan3A_50#9 {strides = array<i32>} : memref<40x512xi32, #tpu.memory_space<vmem>>, vector<8x512xi32>,
    %eq3A_82 = arith.constant 24 : i32
    %eq3A_83 = arith.cmpi eq, %arg0, %eq3A_82 : i32
    %convert_element_type3A_84 = arith.extui %eq3A_83 : i1 to i32
    %cond3A_85 = arith.constant 0 : i32
    %cond3A_86 = arith.cmpi ne, %convert_element_type3A_84, %cond3A_85 : i32
    scf.if %cond3A_86 {
      %get3A_87 = arith.constant 0 : index
      %get3A_88 = arith.constant 0 : index
      %get3A_89 = vector.load %arg9[%get3A_87, %get3A_88] : memref<40x512xf32, #tpu.memory_space<vmem>>, vector<40x512xf32>
      %get3A_90 = arith.constant 0 : index
      %get3A_91 = arith.constant 0 : index
      %get3A_92 = vector.load %arg10[%get3A_90, %get3A_91] : memref<40x512xi32, #tpu.memory_space<vmem>>, vector<40x512xi32>
      %reduce_min3A = arith.constant dense<0x7F800000> : vector<512xf32>
      %reduce_min3A_93 = vector.multi_reduction <minimumf>, %get3A_89, %reduce_min3A [0] : vector<40x512xf32> to vector<512xf32>
      %broadcast_in_dim3A_94 = vector.shape_cast %reduce_min3A_93 : vector<512xf32> to vector<1x512xf32>
      %eq3A_95 = vector.broadcast %broadcast_in_dim3A_94 : vector<1x512xf32> to vector<40x512xf32>
      %eq3A_96 = arith.cmpf oeq, %get3A_89, %eq3A_95 : vector<40x512xf32>
      %jit3A = arith.constant 1073741824 : i32
      %broadcast_in_dim3A_97 = vector.broadcast %jit3A : i32 to vector<40x512xi32>
      %select_n3A = arith.select %eq3A_96, %get3A_92, %broadcast_in_dim3A_97 : vector<40x512xi1>, vector<40x512xi32>
      %reduce_min3A_98 = arith.constant dense<2147483647> : vector<512xi32>
      %reduce_min3A_99 = vector.multi_reduction <minsi>, %select_n3A, %reduce_min3A_98 [0] : vector<40x512xi32> to vector<512xi32>
      %broadcast_in_dim3A_100 = vector.shape_cast %reduce_min3A_99 : vector<512xi32> to vector<1x512xi32>
      %eq3A_101 = vector.broadcast %broadcast_in_dim3A_100 : vector<1x512xi32> to vector<40x512xi32>
      %eq3A_102 = arith.cmpi eq, %get3A_92, %eq3A_101 : vector<40x512xi32>
      %jit3A_103 = arith.constant 0x7F800000 : f32
      %broadcast_in_dim3A_104 = vector.broadcast %jit3A_103 : f32 to vector<40x512xf32>
      %select_n3A_105 = arith.select %eq3A_102, %broadcast_in_dim3A_104, %get3A_89 : vector<40x512xi1>, vector<40x512xf32>
      %reduce_min3A_106 = arith.constant dense<0x7F800000> : vector<512xf32>
      %reduce_min3A_107 = vector.multi_reduction <minimumf>, %select_n3A_105, %reduce_min3A_106 [0] : vector<40x512xf32> to vector<512xf32>
      %broadcast_in_dim3A_108 = vector.shape_cast %reduce_min3A_107 : vector<512xf32> to vector<1x512xf32>
      %eq3A_109 = vector.broadcast %broadcast_in_dim3A_108 : vector<1x512xf32> to vector<40x512xf32>
      %eq3A_110 = arith.cmpf oeq, %select_n3A_105, %eq3A_109 : vector<40x512xf32>
      %jit3A_111 = arith.constant 1073741824 : i32
      %broadcast_in_dim3A_112 = vector.broadcast %jit3A_111 : i32 to vector<40x512xi32>
      %select_n3A_113 = arith.select %eq3A_110, %get3A_92, %broadcast_in_dim3A_112 : vector<40x512xi1>, vector<40x512xi32>
      %reduce_min3A_114 = arith.constant dense<2147483647> : vector<512xi32>
      %reduce_min3A_115 = vector.multi_reduction <minsi>, %select_n3A_113, %reduce_min3A_114 [0] : vector<40x512xi32> to vector<512xi32>
      %broadcast_in_dim3A_116 = vector.shape_cast %reduce_min3A_115 : vector<512xi32> to vector<1x512xi32>
      %eq3A_117 = vector.broadcast %broadcast_in_dim3A_116 : vector<1x512xi32> to vector<40x512xi32>
      %eq3A_118 = arith.cmpi eq, %get3A_92, %eq3A_117 : vector<40x512xi32>
      %jit3A_119 = arith.constant 0x7F800000 : f32
      %broadcast_in_dim3A_120 = vector.broadcast %jit3A_119 : f32 to vector<40x512xf32>
      %select_n3A_121 = arith.select %eq3A_118, %broadcast_in_dim3A_120, %select_n3A_105 : vector<40x512xi1>, vector<40x512xf32>
      %reduce_min3A_122 = arith.constant dense<0x7F800000> : vector<512xf32>
      %reduce_min3A_123 = vector.multi_reduction <minimumf>, %select_n3A_121, %reduce_min3A_122 [0] : vector<40x512xf32> to vector<512xf32>
      %broadcast_in_dim3A_124 = vector.shape_cast %reduce_min3A_123 : vector<512xf32> to vector<1x512xf32>
      %eq3A_125 = vector.broadcast %broadcast_in_dim3A_124 : vector<1x512xf32> to vector<40x512xf32>
      %eq3A_126 = arith.cmpf oeq, %select_n3A_121, %eq3A_125 : vector<40x512xf32>
      %jit3A_127 = arith.constant 1073741824 : i32
      %broadcast_in_dim3A_128 = vector.broadcast %jit3A_127 : i32 to vector<40x512xi32>
      %select_n3A_129 = arith.select %eq3A_126, %get3A_92, %broadcast_in_dim3A_128 : vector<40x512xi1>, vector<40x512xi32>
      %reduce_min3A_130 = arith.constant dense<2147483647> : vector<512xi32>
      %reduce_min3A_131 = vector.multi_reduction <minsi>, %select_n3A_129, %reduce_min3A_130 [0] : vector<40x512xi32> to vector<512xi32>
      %broadcast_in_dim3A_132 = vector.shape_cast %reduce_min3A_131 : vector<512xi32> to vector<1x512xi32>
      %eq3A_133 = vector.broadcast %broadcast_in_dim3A_132 : vector<1x512xi32> to vector<40x512xi32>
      %eq3A_134 = arith.cmpi eq, %get3A_92, %eq3A_133 : vector<40x512xi32>
      %jit3A_135 = arith.constant 0x7F800000 : f32
      %broadcast_in_dim3A_136 = vector.broadcast %jit3A_135 : f32 to vector<40x512xf32>
      %select_n3A_137 = arith.select %eq3A_134, %broadcast_in_dim3A_136, %select_n3A_121 : vector<40x512xi1>, vector<40x512xf32>
      %reduce_min3A_138 = arith.constant dense<0x7F800000> : vector<512xf32>
      %reduce_min3A_139 = vector.multi_reduction <minimumf>, %select_n3A_137, %reduce_min3A_138 [0] : vector<40x512xf32> to vector<512xf32>
      %broadcast_in_dim3A_140 = vector.shape_cast %reduce_min3A_139 : vector<512xf32> to vector<1x512xf32>
      %eq3A_141 = vector.broadcast %broadcast_in_dim3A_140 : vector<1x512xf32> to vector<40x512xf32>
      %eq3A_142 = arith.cmpf oeq, %select_n3A_137, %eq3A_141 : vector<40x512xf32>
      %jit3A_143 = arith.constant 1073741824 : i32
      %broadcast_in_dim3A_144 = vector.broadcast %jit3A_143 : i32 to vector<40x512xi32>
      %select_n3A_145 = arith.select %eq3A_142, %get3A_92, %broadcast_in_dim3A_144 : vector<40x512xi1>, vector<40x512xi32>
      %reduce_min3A_146 = arith.constant dense<2147483647> : vector<512xi32>
      %reduce_min3A_147 = vector.multi_reduction <minsi>, %select_n3A_145, %reduce_min3A_146 [0] : vector<40x512xi32> to vector<512xi32>
      %broadcast_in_dim3A_148 = vector.shape_cast %reduce_min3A_147 : vector<512xi32> to vector<1x512xi32>
      %eq3A_149 = vector.broadcast %broadcast_in_dim3A_148 : vector<1x512xi32> to vector<40x512xi32>
      %eq3A_150 = arith.cmpi eq, %get3A_92, %eq3A_149 : vector<40x512xi32>
      %jit3A_151 = arith.constant 0x7F800000 : f32
      %broadcast_in_dim3A_152 = vector.broadcast %jit3A_151 : f32 to vector<40x512xf32>
      %select_n3A_153 = arith.select %eq3A_150, %broadcast_in_dim3A_152, %select_n3A_137 : vector<40x512xi1>, vector<40x512xf32>
      %reduce_min3A_154 = arith.constant dense<0x7F800000> : vector<512xf32>
      %reduce_min3A_155 = vector.multi_reduction <minimumf>, %select_n3A_153, %reduce_min3A_154 [0] : vector<40x512xf32> to vector<512xf32>
      %broadcast_in_dim3A_156 = vector.shape_cast %reduce_min3A_155 : vector<512xf32> to vector<1x512xf32>
      %eq3A_157 = vector.broadcast %broadcast_in_dim3A_156 : vector<1x512xf32> to vector<40x512xf32>
      %eq3A_158 = arith.cmpf oeq, %select_n3A_153, %eq3A_157 : vector<40x512xf32>
      %jit3A_159 = arith.constant 1073741824 : i32
      %broadcast_in_dim3A_160 = vector.broadcast %jit3A_159 : i32 to vector<40x512xi32>
      %select_n3A_161 = arith.select %eq3A_158, %get3A_92, %broadcast_in_dim3A_160 : vector<40x512xi1>, vector<40x512xi32>
      %reduce_min3A_162 = arith.constant dense<2147483647> : vector<512xi32>
      %reduce_min3A_163 = vector.multi_reduction <minsi>, %select_n3A_161, %reduce_min3A_162 [0] : vector<40x512xi32> to vector<512xi32>
      %broadcast_in_dim3A_164 = vector.shape_cast %reduce_min3A_163 : vector<512xi32> to vector<1x512xi32>
      %get3A_165 = arith.constant 0 : index
      %get3A_166 = arith.constant 0 : index
      %get3A_167 = vector.load %arg4[%get3A_165, %get3A_166] : memref<8x512xi32, #tpu.memory_space<vmem>>, vector<1x512xi32>
      %eq3A_168 = arith.cmpi eq, %broadcast_in_dim3A_100, %get3A_167 : vector<1x512xi32>
      %eq3A_169 = arith.cmpi eq, %broadcast_in_dim3A_116, %get3A_167 : vector<1x512xi32>
      %eq3A_170 = arith.cmpi eq, %broadcast_in_dim3A_132, %get3A_167 : vector<1x512xi32>
      %eq3A_171 = arith.cmpi eq, %broadcast_in_dim3A_148, %get3A_167 : vector<1x512xi32>
      %jit3A_172 = arith.constant 3 : i32
      %jit3A_173 = arith.constant 4 : i32
      %broadcast_in_dim3A_174 = vector.broadcast %jit3A_172 : i32 to vector<1x512xi32>
      %broadcast_in_dim3A_175 = vector.broadcast %jit3A_173 : i32 to vector<1x512xi32>
      %select_n3A_176 = arith.select %eq3A_171, %broadcast_in_dim3A_174, %broadcast_in_dim3A_175 : vector<1x512xi1>, vector<1x512xi32>
      %jit3A_177 = arith.constant 2 : i32
      %broadcast_in_dim3A_178 = vector.broadcast %jit3A_177 : i32 to vector<1x512xi32>
      %select_n3A_179 = arith.select %eq3A_170, %broadcast_in_dim3A_178, %select_n3A_176 : vector<1x512xi1>, vector<1x512xi32>
      %jit3A_180 = arith.constant 1 : i32
      %broadcast_in_dim3A_181 = vector.broadcast %jit3A_180 : i32 to vector<1x512xi32>
      %select_n3A_182 = arith.select %eq3A_169, %broadcast_in_dim3A_181, %select_n3A_179 : vector<1x512xi1>, vector<1x512xi32>
      %jit3A_183 = arith.constant 0 : i32
      %broadcast_in_dim3A_184 = vector.broadcast %jit3A_183 : i32 to vector<1x512xi32>
      %select_n3A_185 = arith.select %eq3A_168, %broadcast_in_dim3A_184, %select_n3A_182 : vector<1x512xi1>, vector<1x512xi32>
      %lt3A = arith.constant 0 : i32
      %lt3A_186 = vector.broadcast %lt3A : i32 to vector<1x512xi32>
      %lt3A_187 = arith.cmpi slt, %lt3A_186, %select_n3A_185 : vector<1x512xi32>
      %select_n3A_188 = arith.select %lt3A_187, %broadcast_in_dim3A_100, %broadcast_in_dim3A_116 : vector<1x512xi1>, vector<1x512xi32>
      %lt3A_189 = arith.constant 1 : i32
      %lt3A_190 = vector.broadcast %lt3A_189 : i32 to vector<1x512xi32>
      %lt3A_191 = arith.cmpi slt, %lt3A_190, %select_n3A_185 : vector<1x512xi32>
      %select_n3A_192 = arith.select %lt3A_191, %broadcast_in_dim3A_116, %broadcast_in_dim3A_132 : vector<1x512xi1>, vector<1x512xi32>
      %lt3A_193 = arith.constant 2 : i32
      %lt3A_194 = vector.broadcast %lt3A_193 : i32 to vector<1x512xi32>
      %lt3A_195 = arith.cmpi slt, %lt3A_194, %select_n3A_185 : vector<1x512xi32>
      %select_n3A_196 = arith.select %lt3A_195, %broadcast_in_dim3A_132, %broadcast_in_dim3A_148 : vector<1x512xi1>, vector<1x512xi32>
      %lt3A_197 = arith.constant 3 : i32
      %lt3A_198 = vector.broadcast %lt3A_197 : i32 to vector<1x512xi32>
      %lt3A_199 = arith.cmpi slt, %lt3A_198, %select_n3A_185 : vector<1x512xi32>
      %select_n3A_200 = arith.select %lt3A_199, %broadcast_in_dim3A_148, %broadcast_in_dim3A_164 : vector<1x512xi1>, vector<1x512xi32>
      %concatenate3A = tpu.concatenate %select_n3A_188, %select_n3A_192, %select_n3A_196, %select_n3A_200 in 0 : vector<1x512xi32>, vector<1x512xi32>, vector<1x512xi32>, vector<1x512xi32> -> vector<4x512xi32>
      %swap3A_201 = arith.constant 0 : index
      %swap3A_202 = arith.constant 0 : index
      %swap3A_203 = vector.load %arg5[%swap3A_201, %swap3A_202] : memref<8x512xi32, #tpu.memory_space<vmem>>, vector<4x512xi32>
      tpu.vector_store %arg5[%swap3A_201, %swap3A_202], %concatenate3A {strides = array<i32>} : memref<8x512xi32, #tpu.memory_space<vmem>>, vector<4x512xi32>,
      %broadcast_in_dim3A_204 = arith.constant 0 : i32
      %broadcast_in_dim3A_205 = vector.broadcast %broadcast_in_dim3A_204 : i32 to vector<4x512xi32>
      %swap3A_206 = arith.constant 4 : index
      %swap3A_207 = arith.constant 0 : index
      %swap3A_208 = vector.load %arg5[%swap3A_206, %swap3A_207] : memref<8x512xi32, #tpu.memory_space<vmem>>, vector<4x512xi32>
      tpu.vector_store %arg5[%swap3A_206, %swap3A_207], %broadcast_in_dim3A_205 {strides = array<i32>} : memref<8x512xi32, #tpu.memory_space<vmem>>, vector<4x512xi32>,
    } else {
    }
    return
  }
  func.func @transform_0(%arg0: i32) -> (i32, i32) {
    %c0_i32 = arith.constant 0 : i32
    %c0_i32_0 = arith.constant 0 : i32
    return %arg0, %c0_i32 : i32, i32
  }
  func.func @transform_1(%arg0: i32) -> (i32, i32) {
    %c0_i32 = arith.constant 0 : i32
    %c0_i32_0 = arith.constant 0 : i32
    %c0_i32_1 = arith.constant 0 : i32
    return %c0_i32, %c0_i32_0 : i32, i32
  }
  func.func @transform_2(%arg0: i32) -> (i32, i32) {
    %c0_i32 = arith.constant 0 : i32
    %c0_i32_0 = arith.constant 0 : i32
    %c0_i32_1 = arith.constant 0 : i32
    return %c0_i32, %c0_i32_0 : i32, i32
  }
  func.func @transform_3(%arg0: i32) -> (i32, i32) {
    %c0_i32 = arith.constant 0 : i32
    %c0_i32_0 = arith.constant 0 : i32
    %c0_i32_1 = arith.constant 0 : i32
    return %c0_i32, %c0_i32_0 : i32, i32
  }
  func.func @transform_4(%arg0: i32) -> (i32, i32) {
    %c0_i32 = arith.constant 0 : i32
    %c0_i32_0 = arith.constant 0 : i32
    %c0_i32_1 = arith.constant 0 : i32
    return %c0_i32, %c0_i32_0 : i32, i32
  }
  func.func @transform_5(%arg0: i32) -> (i32, i32) {
    %c0_i32 = arith.constant 0 : i32
    %c0_i32_0 = arith.constant 0 : i32
    %c0_i32_1 = arith.constant 0 : i32
    return %c0_i32, %c0_i32_0 : i32, i32
  }
}

</mosaic_0001>

<sc_bundles>
// kernel: kernel.6.cloned.1.call-start
scs
__scs_entry_jumppad:
0x0: {  	(pc) =	sbr.rel $0x88, $3  }
0x1: {  	(tag) =	ssettag $0x0;
	lr =	simm.s32 $0x1  }
0x2: {  	[smem:$0x3F9E] =	sst lr;
	_ =	strace $0xD0000000  }
0x3: {  	_ = 	snop  }
0x4: {  	_ = 	snop  }
0x5: {  	_ = 	snop  }
0x6: {  	_ = 	snop  }
0x7: {  	_ = 	snop  }
__scs_overlays_trampoline_lowered:
0x8: {  	[smem:$0x3FAD] =	sst s0  }
0x9: {  	[smem:$0x3FAE] =	sst s1  }
0xa: {  	[smem:$0x3FAF] =	sst s2  }
0xb: {  	[smem:$0x3FB0] =	sst s3  }
0xc: {  	[smem:$0x3FB1] =	sst s4  }
0xd: {  	[smem:$0x3FB2] =	sst s5  }
0xe: {  	[smem:$0x3FB3] =	sst s6  }
0xf: {  	[smem:$0x3FB4] =	sst s7  }
0x10: {  	[smem:$0x3FB5] =	sst s8  }
0x11: {  	[smem:$0x3FB6] =	sst s9;
	s0 =	simm.s32 @!p0 $0x0  }
0x12: {  	s1 =	sld [smem:$0x3F9C];
	s0 =	simm.s32 @p0 $0x1  }
0x13: {  	[smem:$0x3FB7] =	sst s0;
	s0 =	simm.s32 @!p1 $0x0  }
0x14: {  	s2 =	sld [smem:$0x3F9B];
	s0 =	simm.s32 @p1 $0x1  }
0x15: {  	[smem:$0x3FB8] =	sst s0;
	s0 =	simm.s32 @!p2 $0x0  }
0x16: {  	s3 =	sld [smem:$0x3FDB];
	s0 =	simm.s32 @p2 $0x1  }
0x17: {  	s4 =	simm.s32 $0x1BF5;
	[smem:$0x3FBA] =	sst s0  }
0x18: {  	s0 =	sld [smem:$0x3F9D];
	_ =	swait.ge [sflag:s4], $0x0  }
0x19: {  	s7 =	sld [smem:$0x3F9E]  }
0x1a: {  	s8 =	sadd.s32 $0xFFFFE003, lr  }
0x1b: {  	s9 =	sadd.s32 $0xFFFFFEF7, lr;
	s5 =	simm.s32 $0xFFFFFFFF;
	p2 =	slt.u32 s8, $0xFFFFF086  }
0x1c: {  	p1 =	slt.u32 s9, $0xF7A;
	s5 =	simm.s32 @!p2 $0x0  }
0x1d: {  	s5 =	simm.s32 @p1 $0x1;
	p0 =	seq.s32 s7, s2  }
0x1e: {  	s7 =	smul.u32 @!p0 $0xF7A, s2;
	p2 =	seq.s32 @!p0 s5, $0x0  }
0x1f: {  	s9 =	smul.u32 $0xF7A, s1;
	s8 =	simm.s32 @!p0 $0x1BF5;
	p2 =	por !p2, p0  }
0x20: {  	[sflag:s8] =	ssyncset.s32 @!p0 $0xFFFFF086;
	s6 =	sadd.s32 @!p0 s3, s7;
	s7 =	simm.s32 @!p0 $0x108  }
0x21: {  	s3 =	sadd.s32 s3, s9;
	s6 =	sadd.s32 @!p0 $0x88, s6;
	s7 =	simm.s32 @p2 $0x1082  }
0x22: {  	[simem:s7], [sflag:s8] =	dma.local @!p0 [hbm:s6], $0xF7A  }
0x23: {  	s9 =	sor.u32 $0xD0000000, s2;
	s6 =	simm.s32 $0x108;
	_ =	swait.ge @!p0 [sflag:s8], $0x0  }
0x24: {  	s3 =	sadd.s32 $0x88, s3;
	s6 =	simm.s32 @!p1 $0x1082;
	[sflag:s4] =	ssyncset.s32 $0xFFFFF086  }
0x25: {  	[simem:s6], [sflag:s4] =	dma.local [hbm:s3], $0xF7A  }
0x26: {  	[smem:$0x3F9E] =	sst s1;
	(tag) =	ssettag s2;
	_ =	strace s9  }
0x27: {  	s1 =	sld [smem:$0x3FAE]  }
0x28: {  	s2 =	sld [smem:$0x3FAF]  }
0x29: {  	s4 =	sld [smem:$0x3FB1]  }
0x2a: {  	p0 =	seq.s32 s5, $0x0;
	s5 =	sld [smem:$0x3FB2]  }
0x2b: {  	s6 =	sld [smem:$0x3FB3]  }
0x2c: {  	s7 =	sld [smem:$0x3FB4]  }
0x2d: {  	s3 =	simm.s32 $0x108;
	s8 =	sld [smem:$0x3FB5]  }
0x2e: {  	s3 =	simm.s32 @!p0 $0x1082;
	s9 =	sld [smem:$0x3FB6]  }
0x2f: {  	lr =	sadd.s32 s0, s3;
	s0 =	sld [smem:$0x3FAD]  }
0x30: {  	s3 =	sld [smem:$0x3FB0]  }
0x31: {  	[smem:$0x3FB9] =	sst s10  }
0x32: {  	s10 =	sld [smem:$0x3FB7];
	_ =	sdelay $0x3  }
0x33: {  	p0 =	seq.s32 s10, $0x1;
	s10 =	sld [smem:$0x3FB9];
	_ =	sdelay $0x3  }
0x34: {  	[smem:$0x3FB9] =	sst s10  }
0x35: {  	s10 =	sld [smem:$0x3FB8];
	_ =	sdelay $0x3  }
0x36: {  	p1 =	seq.s32 s10, $0x1;
	s10 =	sld [smem:$0x3FB9];
	_ =	sdelay $0x3  }
0x37: {  	[smem:$0x3FB9] =	sst s10  }
0x38: {  	s10 =	sld [smem:$0x3FBA]  }
0x39: {  	_ = 	snop;
	(pc) =	sbr.ind lr, $3  }
0x3a: {  	_ = 	snop  }
0x3b: {  	_ = 	snop  }
0x3c: {  	p2 =	seq.s32 s10, $0x1;
	s10 =	sld [smem:$0x3FB9]  }
0x3d: {  	_ =	shalt  }
0x3e: {  	_ =	shalt  }
0x3f: {  	_ =	shalt  }
0x40: {  	_ =	shalt  }
0x41: {  	_ =	shalt  }
0x42: {  	_ =	shalt  }
0x43: {  	_ =	shalt  }
0x44: {  	_ =	shalt  }
0x45: {  	_ =	shalt  }
0x46: {  	_ =	shalt  }
0x47: {  	_ =	shalt  }
0x48: {  	_ =	shalt  }
0x49: {  	_ =	shalt  }
0x4a: {  	_ =	shalt  }
0x4b: {  	_ =	shalt  }
0x4c: {  	_ =	shalt  }
0x4d: {  	_ =	shalt  }
0x4e: {  	_ =	shalt  }
0x4f: {  	_ =	shalt  }
0x50: {  	_ =	shalt  }
0x51: {  	_ =	shalt  }
0x52: {  	_ =	shalt  }
0x53: {  	_ =	shalt  }
0x54: {  	_ =	shalt  }
0x55: {  	_ =	shalt  }
0x56: {  	_ =	shalt  }
0x57: {  	_ =	shalt  }
0x58: {  	_ =	shalt  }
0x59: {  	_ =	shalt  }
0x5a: {  	_ =	shalt  }
0x5b: {  	_ =	shalt  }
0x5c: {  	_ =	shalt  }
0x5d: {  	_ =	shalt  }
0x5e: {  	_ =	shalt  }
0x5f: {  	_ =	shalt  }
0x60: {  	_ =	shalt  }
0x61: {  	_ =	shalt  }
0x62: {  	_ =	shalt  }
0x63: {  	_ =	shalt  }
0x64: {  	_ =	shalt  }
0x65: {  	_ =	shalt  }
0x66: {  	_ =	shalt  }
0x67: {  	_ =	shalt  }
0x68: {  	_ =	shalt  }
0x69: {  	_ =	shalt  }
0x6a: {  	_ =	shalt  }
0x6b: {  	_ =	shalt  }
0x6c: {  	_ =	shalt  }
0x6d: {  	_ =	shalt  }
0x6e: {  	_ =	shalt  }
0x6f: {  	_ =	shalt  }
0x70: {  	_ =	shalt  }
0x71: {  	_ =	shalt  }
0x72: {  	_ =	shalt  }
0x73: {  	_ =	shalt  }
0x74: {  	_ =	shalt  }
0x75: {  	_ =	shalt  }
0x76: {  	_ =	shalt  }
0x77: {  	_ =	shalt  }
0x78: {  	_ =	shalt  }
0x79: {  	_ =	shalt  }
0x7a: {  	_ =	shalt  }
0x7b: {  	_ =	shalt  }
0x7c: {  	_ =	shalt  }
0x7d: {  	_ =	shalt  }
0x7e: {  	_ =	shalt  }
0x7f: {  	_ =	shalt  }
0x80: {  	_ =	shalt  }
0x81: {  	_ =	shalt  }
0x82: {  	_ =	shalt  }
0x83: {  	_ =	shalt  }
0x84: {  	_ =	shalt  }
0x85: {  	_ =	shalt  }
0x86: {  	_ =	shalt  }
0x87: {  	_ =	shalt  }
.Lfunc_end0:
.L_simem_size_0:
called_computation_lowered:
.L_overlay_start_0:
0x88: {  	s2 =	sld [smem:$0x3FD9]  }
0x89: {  	s3 =	sld [smem:$0x3FFE];
	_ =	sdelay $0x1  }
0x8a: {  	s1 =	srdreg.scid  }
0x8b: {  	s0 =	sand.u32 $0x1, s1  }
0x8c: {  	s17 =	sshll.u32 s0, $0xA;
	s2 =	sadd.s32 s3, s2  }
0x8d: {  	s2 =	sadd.s32 s2, s17  }
0x8e: {  	[smem:$0x3FC5] =	sst s2  }
0x8f: {  	_ = 	snop  }
0x90: {  	s2 =	sld [smem:$0x3FC9]  }
0x91: {  	s18 =	sld [smem:$0x3FC8];
	(tm) =	ssettm $0x1  }
0x92: {  	s4 =	sld [smem:$0x3FFB];
	_ =	sdelay $0x3  }
0x93: {  	_ =	strace s4  }
0x94: {  	s4 =	sld [smem:$0x3FFC];
	_ =	sdelay $0x3  }
0x95: {  	_ =	strace s4  }
0x96: {  	s4 =	sld [smem:$0x3FFD];
	_ =	sdelay $0x3  }
0x97: {  	_ =	strace s4  }
0x98: {  	_ =	strace $0x8FFFFFFF  }
0x99: {  	s19 =	sld [smem:$0x3FDB];
	_ =	sdelay $0x1  }
0x9a: {  	s5 =	simm.s32 $_scs_section_size  }
0x9b: {  	s6 =	simm.s32 $_size__tile_overlayer_lowered;
	s7 =	simm.s32 $_tile_overlayer_lowered  }
0x9c: {  	s22 =	simm.s32 $0x1BFF;
	s21 =	sshll.u32 s7, $0x1;
	s4 =	sadd.s32 s5, s19  }
0x9d: {  	s8 =	simm.s32 $0x0;
	s20 =	sshll.u32 s6, $0x1;
	s6 =	sadd.s32 s21, s4  }
0x9e: {  	[timem:s8], [sflag:s22] =	dma.local [hbm:s6], s20  }
0x9f: {  	_ =	swait.ge [sflag:s22], s20  }
0xa0: {  	s5 =	ssub.s32 $0x0, s20;
	[sflag:s22] =	ssyncset.done $0x0  }
0xa1: {  	[sflag:s22] =	ssyncadd.s32 s5;
	_ =	sdelay $0x1  }
0xa2: {  	s23 =	simm.s32 $0x1B8B  }
0xa3: {  	_ =	swait.ge [sflag:s23], $0x1  }
0xa4: {  	[sflag:s23] =	ssyncset.done $0x0  }
0xa5: {  	s25 =	simm.s32 $0x1B8E;
	s24 =	sld [smem:$0x3FFE];
	[sflag:s23] =	ssyncadd.s32 $0xFFFFFFFF  }
0xa6: {  	s26 =	simm.s32 $execute0_lowered;
	[smem:$0x3FD2] =	sst s25  }
0xa7: {  	s6 =	sshll.u32 s26, $0x1;
	_ =	strace $0x80000046;
	[dreg:$0x1] =	wrdreg $0xFFFFFFFF  }
0xa8: {  	s28 =	simm.s32 $_size_execute0_lowered;
	s4 =	sadd.s32 s4, s6;
	[dreg:$0x0] =	wrdreg $0x0  }
0xa9: {  	s6 =	sshll.u32 s28, $0x1;
	[dreg:$0x2] =	wrdreg s4  }
0xaa: {  	[dreg:$0x3] =	wrdreg s6  }
0xab: {  	[dreg:$0x4] =	wrdreg $0xC0  }
0xac: {  	_ =	task [dreg:s8], $0x5FFFF  }
0xad: {  	[dreg:$0x1] =	wrdreg $0xFFFFFFFF  }
0xae: {  	[dreg:$0x0] =	wrdreg $0x60  }
0xaf: {  	[dreg:$0x2] =	wrdreg s18  }
0xb0: {  	[dreg:$0x3] =	wrdreg s2  }
0xb1: {  	[dreg:$0x4] =	wrdreg s24  }
0xb2: {  	[dreg:$0x5] =	wrdreg $0x9  }
0xb3: {  	_ =	task.clear_ibuf [dreg:s8], $0x6FFFF;
	_ =	strace $0x90000046  }
0xb4: {  	s29 =	simm.s32 $0x9;
	_ =	strace $0x80000048  }
0xb5: {  	_ =	swait.ge [sflag:s29], $0x1  }
0xb6: {  	[sflag:s29] =	ssyncadd.s32 $0xFFFFFFFF  }
0xb7: {  	_ =	strace $0x90000048  }
0xb8: {  	_ =	sfence  }
0xb9: {  	s30 =	sld [smem:$0x0];
	_ =	sdelay $0x2  }
0xba: {  	s31 =	sshll.u32 s1, $0xD;
	s1 =	sshrl.u32 s1, $0x2  }
0xbb: {  	s3 =	sand.u32 $0x4000, s31;
	s1 =	sadd.s32 s1, s30  }
0xbc: {  	s0 =	sor.u32 s3, s0;
	s1 =	sshll.u32 s1, $0x11  }
0xbd: {  	s0 =	sor.u32 s1, s0  }
0xbe: {  	s0 =	sadd.s32 $0x8F2B, s0  }
0xbf: {  	[sflag:s0] =	ssyncadd.remote.s32 $0x1  }
0xc0: {  	_ =	sfence.sel $0xFFFF  }
0xc1: {  	[dreg:$0x0] =	wrdreg $0xFFFFFFFF;
	(pc) =	sbr.abs _section_cstart, $3  }
0xc2: {  	[dreg:$0x1] =	wrdreg $0xFFFFFFFF  }
0xc3: {  	_ =	task.clear_ibuf [dreg:s8], $0x2FFFF;
	_ =	strace $0x9FFFFFFF  }
0xc4: {  	(tm) =	ssettm $0x7FFFFFFF  }
0xc5: {  	_ =	shalt  }
tec
execute0_lowered:
.L_overlay_start_1:
0x0: {  	(tag) =	ssettag $0x1  }
0x1: {  	s1 =	rddreg [dreg:$0x0];
	s2 =	srdreg.scid  }
0x2: {  	s4 =	rddreg [dreg:$0x1];
	s0 =	stileid.u32;
	s10 =	sand.u32 $0x1, s2  }
0x3: {  	s12 =	rddreg [dreg:$0x2];
	s5 =	sshll.u32 s0, $0x5;
	s6 =	sshll.u32 s10, $0x4  }
0x4: {  	s3 =	simm.s32 $0x0;
	s2 =	rddreg [dreg:$0x3];
	s13 =	sor.u32 s6, s5  }
0x5: {  	[smem:$0x7FF] =	sst s3;
	s5 =	sshrl.u32 s13, $0x3  }
0x6: {  	_ =	strace $0x80000047;
	s5 =	sadd.s32 s4, s5;
	s4 =	simm.s32 $0x2  }
0x7: {  	[tilespmem:s3], [sflag:$0x2] =	stream.linear.gather [hbm4b:s5+s3], $0x10, $0x38;
	[tilespmem:$0x2080] =	vst v63  }
0x8: {  	_ =	swait.ge [sflag:s4], $0x10  }
0x9: {  	[sflag:s4] =	ssyncset.done $0x0  }
0xa: {  	[sflag:s4] =	ssyncadd.s32 $0xFFFFFFF0  }
0xb: {  	v0 =	vld [tilespmem:$0x0];
	_ =	sdelay $0x4  }
0xc: {  	v1 =	vshll.u32 v0, $0x2  }
0xd: {  	v2 =	vlaneseq.u32;
	v3 =	vand.u32 $0x7, v0;
	v1 =	vand.u32 $0xFFFFFFE0, v1  }
0xe: {  	v4 =	vshrl.u32 v2, $0x3;
	v0 =	vand.u32 $0x7, v2;
	v3 =	vor.u32 v3, v1  }
0xf: {  	v1 =	vmul.u32 $0x8, v4;
	v63 =	vperm.xlane v3, v0;
	_ =	sdelay $0x1  }
0x10: {  	v4 =	vadd.s32 v1, v63  }
0x11: {  	v2 =	vor.u32 $0x8, v2  }
0x12: {  	v3 =	vperm.xlane v3, v2;
	_ =	sdelay $0x1  }
0x13: {  	vm0 =	vmmov $0xffff;
	s8 =	simm.s32 $0x880;
	s14 =	ssub.s32 $0x2, s10;
	s6 =	simm.s32 $0x80;
	v3 =	vadd.s32 v1, v3  }
0x14: {  	[tilespmem:s6], [sflag:$0x1] =	stream.indirect_vreg.gather [hbm4b:s1+s3], $0x80, v4, vm0, $0xb8;
	[tilespmem:$0x2080] =	vst v63  }
0x15: {  	s9 =	simm.s32 $0x1080;
	s7 =	sadd.s32 $0x100, s1;
	s15 =	sshrl.u32 s14, $0x1  }
0x16: {  	[tilespmem:s8], [sflag:$0x1] =	stream.indirect_vreg.gather [hbm4b:s7+s3], $0x80, v4, vm0, $0xb8;
	[tilespmem:$0x2080] =	vst v63  }
0x17: {  	s11 =	simm.s32 $0x1;
	s13 =	sshll.u32 s13, $0x6;
	s31 =	ssub.s32 s14, s15  }
0x18: {  	[tilespmem:s9], [sflag:$0x1] =	stream.indirect_vreg.gather [hbm4b:s1+s3], $0x80, v3, vm0, $0xb8;
	[tilespmem:$0x2080] =	vst v63  }
0x19: {  	s10 =	simm.s32 $0x1880;
	s12 =	sadd.s32 s13, s12;
	s13 =	smax.u32 s31, $0x1  }
0x1a: {  	[tilespmem:s10], [sflag:$0x1] =	stream.indirect_vreg.gather [hbm4b:s7+s3], $0x80, v3, vm0, $0xb8;
	[tilespmem:$0x2080] =	vst v63  }
0x1b: {  	p0 =	sne.s32 s13, $0x1;
	_ =	swait.ge [sflag:s11], $0x2000  }
.Ltmp0:
0x1c: {  	[sflag:s11] =	ssyncset.done $0x0;
	(pc) =	sbr.rel @!p0 .LBB2_2-.Ltmp0, $4  }
0x1d: {  	s12 =	sadd.s32 $0x1200, s12;
	[sflag:s11] =	ssyncadd.s32 $0xFFFFE000  }
0x1e: {  	[hbm4b:s12+s3] =	stream.linear.scatter [tilespmem:s6], [sflag:$0x2], $0x2000, $0x38;
	[tilespmem:$0x2080] =	vst v63  }
0x1f: {  	_ =	swait.ge [sflag:s4], $0x2000  }
0x20: {  	s13 =	sadd.s32 $0xFFFFFFFF, s13;
	[sflag:s4] =	ssyncset.done $0x0  }
.LBB2_1:
0x21: {  	p0 =	sne.s32 s13, $0x1;
	s13 =	sadd.s32 $0xFFFFFFFF, s13;
	[sflag:s4] =	ssyncadd.s32 $0xFFFFE000  }
0x22: {  	[tilespmem:s3], [sflag:$0x2] =	stream.linear.gather [hbm4b:s5+s3], $0x10, $0x38;
	[tilespmem:$0x2080] =	vst v63  }
0x23: {  	_ =	swait.ge [sflag:s4], $0x10  }
0x24: {  	[sflag:s4] =	ssyncset.done $0x0  }
0x25: {  	[sflag:s4] =	ssyncadd.s32 $0xFFFFFFF0  }
0x26: {  	v3 =	vld [tilespmem:$0x0];
	_ =	sdelay $0x4  }
0x27: {  	v4 =	vshll.u32 v3, $0x2  }
0x28: {  	v3 =	vand.u32 $0x7, v3;
	v4 =	vand.u32 $0xFFFFFFE0, v4  }
0x29: {  	v3 =	vor.u32 v3, v4  }
0x2a: {  	v4 =	vperm.xlane v3, v0;
	v3 =	vperm.xlane v3, v2;
	_ =	sdelay $0x1  }
0x2b: {  	v4 =	vadd.s32 v1, v4;
	_ =	sdelay $0x3  }
0x2c: {  	v3 =	vadd.s32 v1, v3  }
0x2d: {  	[tilespmem:s6], [sflag:$0x1] =	stream.indirect_vreg.gather [hbm4b:s1+s3], $0x80, v4, vm0, $0xb8;
	[tilespmem:$0x2080] =	vst v63  }
0x2e: {  	_ = 	snop  }
0x2f: {  	[tilespmem:s8], [sflag:$0x1] =	stream.indirect_vreg.gather [hbm4b:s7+s3], $0x80, v4, vm0, $0xb8;
	[tilespmem:$0x2080] =	vst v63  }
0x30: {  	_ = 	snop  }
0x31: {  	[tilespmem:s9], [sflag:$0x1] =	stream.indirect_vreg.gather [hbm4b:s1+s3], $0x80, v3, vm0, $0xb8;
	[tilespmem:$0x2080] =	vst v63  }
0x32: {  	_ = 	snop  }
0x33: {  	[tilespmem:s10], [sflag:$0x1] =	stream.indirect_vreg.gather [hbm4b:s7+s3], $0x80, v3, vm0, $0xb8;
	[tilespmem:$0x2080] =	vst v63  }
0x34: {  	_ =	swait.ge [sflag:s11], $0x2000  }
.Ltmp1:
0x35: {  	[sflag:s11] =	ssyncset.done $0x0;
	(pc) =	sbr.rel @p0 .LBB2_1-.Ltmp1, $4  }
0x36: {  	[sflag:s11] =	ssyncadd.s32 $0xFFFFE000  }
0x37: {  	[hbm4b:s12+s3] =	stream.linear.scatter [tilespmem:s6], [sflag:$0x2], $0x2000, $0x38;
	[tilespmem:$0x2080] =	vst v63  }
0x38: {  	_ =	swait.ge [sflag:s4], $0x2000  }
0x39: {  	[sflag:s4] =	ssyncset.done $0x0  }
.LBB2_2:
0x3a: {  	[sflag:s4] =	ssyncadd.s32 $0xFFFFE000  }
0x3b: {  	_ =	sfence.sel $0x180000  }
0x3c: {  	[bflag:$0x0] =	sbarrier.arrive $0xFFFF  }
0x3d: {  	p0 =	sne.s32 s0, $0x0;
	_ =	strace $0x90000047  }
0x3e: {  	s0 =	sadd.s32 @!p0 $0x100000, s2;
	[bflag:$0x2] =	sbarrier.arrive $0xFFFF  }
0x3f: {  	[sflag:s0] =	ssyncadd.tile.s32 @!p0 $0x1;
	_ =	shalt  }
.Lfunc_end2:
_tile_overlayer_lowered:
.L_overlay_start_2:
0x40: {  	(tag) =	ssettag $0x2  }
0x41: {  	s0 =	rddreg [dreg:$0x0];
	s2 =	stileid.u32  }
0x42: {  	s1 =	rddreg [dreg:$0x1];
	p0 =	sne.s32 s2, $0x0  }
0x43: {  	s3 =	rddreg [dreg:$0x2];
	[bflag:$0x3] =	sbarrier.arrive $0xFFFF;
	s2 =	simm.s32 @!p0 $0x1C02  }
0x44: {  	[timem:s3], [sflag:s2] =	dma.local @!p0 [hbm:s0], s1  }
0x45: {  	s0 =	simm.s32 @!p0 $0x2  }
0x46: {  	_ =	swait.ge @!p0 [sflag:s0], s1  }
0x47: {  	s1 =	ssub.s32 @!p0 $0x0, s1;
	[sflag:s0] =	ssyncset.done @!p0 $0x0  }
0x48: {  	[sflag:s0] =	ssyncadd.s32 @!p0 s1  }
0x49: {  	[bflag:$0x3] =	sbarrier.arrive $0xFFFF  }
0x4a: {  	_ =	shalt  }

// kernel: kernel.9.cloned.1.call-start
scs
__scs_entry_jumppad:
0x0: {  	(pc) =	sbr.rel $0x88, $3  }
0x1: {  	(tag) =	ssettag $0x0;
	lr =	simm.s32 $0x1  }
0x2: {  	[smem:$0x3F9E] =	sst lr;
	_ =	strace $0xD0000000  }
0x3: {  	_ = 	snop  }
0x4: {  	_ = 	snop  }
0x5: {  	_ = 	snop  }
0x6: {  	_ = 	snop  }
0x7: {  	_ = 	snop  }
__scs_overlays_trampoline_lowered:
0x8: {  	[smem:$0x3FAD] =	sst s0  }
0x9: {  	[smem:$0x3FAE] =	sst s1  }
0xa: {  	[smem:$0x3FAF] =	sst s2  }
0xb: {  	[smem:$0x3FB0] =	sst s3  }
0xc: {  	[smem:$0x3FB1] =	sst s4  }
0xd: {  	[smem:$0x3FB2] =	sst s5  }
0xe: {  	[smem:$0x3FB3] =	sst s6  }
0xf: {  	[smem:$0x3FB4] =	sst s7  }
0x10: {  	[smem:$0x3FB5] =	sst s8  }
0x11: {  	[smem:$0x3FB6] =	sst s9;
	s0 =	simm.s32 @!p0 $0x0  }
0x12: {  	s1 =	sld [smem:$0x3F9C];
	s0 =	simm.s32 @p0 $0x1  }
0x13: {  	[smem:$0x3FB7] =	sst s0;
	s0 =	simm.s32 @!p1 $0x0  }
0x14: {  	s2 =	sld [smem:$0x3F9B];
	s0 =	simm.s32 @p1 $0x1  }
0x15: {  	[smem:$0x3FB8] =	sst s0;
	s0 =	simm.s32 @!p2 $0x0  }
0x16: {  	s3 =	sld [smem:$0x3FDB];
	s0 =	simm.s32 @p2 $0x1  }
0x17: {  	s4 =	simm.s32 $0x1BF5;
	[smem:$0x3FBA] =	sst s0  }
0x18: {  	s0 =	sld [smem:$0x3F9D];
	_ =	swait.ge [sflag:s4], $0x0  }
0x19: {  	s7 =	sld [smem:$0x3F9E]  }
0x1a: {  	s8 =	sadd.s32 $0xFFFFE003, lr  }
0x1b: {  	s9 =	sadd.s32 $0xFFFFFEF7, lr;
	s5 =	simm.s32 $0xFFFFFFFF;
	p2 =	slt.u32 s8, $0xFFFFF086  }
0x1c: {  	p1 =	slt.u32 s9, $0xF7A;
	s5 =	simm.s32 @!p2 $0x0  }
0x1d: {  	s5 =	simm.s32 @p1 $0x1;
	p0 =	seq.s32 s7, s2  }
0x1e: {  	s7 =	smul.u32 @!p0 $0xF7A, s2;
	p2 =	seq.s32 @!p0 s5, $0x0  }
0x1f: {  	s9 =	smul.u32 $0xF7A, s1;
	s8 =	simm.s32 @!p0 $0x1BF5;
	p2 =	por !p2, p0  }
0x20: {  	[sflag:s8] =	ssyncset.s32 @!p0 $0xFFFFF086;
	s6 =	sadd.s32 @!p0 s3, s7;
	s7 =	simm.s32 @!p0 $0x108  }
0x21: {  	s3 =	sadd.s32 s3, s9;
	s6 =	sadd.s32 @!p0 $0x88, s6;
	s7 =	simm.s32 @p2 $0x1082  }
0x22: {  	[simem:s7], [sflag:s8] =	dma.local @!p0 [hbm:s6], $0xF7A  }
0x23: {  	s9 =	sor.u32 $0xD0000000, s2;
	s6 =	simm.s32 $0x108;
	_ =	swait.ge @!p0 [sflag:s8], $0x0  }
0x24: {  	s3 =	sadd.s32 $0x88, s3;
	s6 =	simm.s32 @!p1 $0x1082;
	[sflag:s4] =	ssyncset.s32 $0xFFFFF086  }
0x25: {  	[simem:s6], [sflag:s4] =	dma.local [hbm:s3], $0xF7A  }
0x26: {  	[smem:$0x3F9E] =	sst s1;
	(tag) =	ssettag s2;
	_ =	strace s9  }
0x27: {  	s1 =	sld [smem:$0x3FAE]  }
0x28: {  	s2 =	sld [smem:$0x3FAF]  }
0x29: {  	s4 =	sld [smem:$0x3FB1]  }
0x2a: {  	p0 =	seq.s32 s5, $0x0;
	s5 =	sld [smem:$0x3FB2]  }
0x2b: {  	s6 =	sld [smem:$0x3FB3]  }
0x2c: {  	s7 =	sld [smem:$0x3FB4]  }
0x2d: {  	s3 =	simm.s32 $0x108;
	s8 =	sld [smem:$0x3FB5]  }
0x2e: {  	s3 =	simm.s32 @!p0 $0x1082;
	s9 =	sld [smem:$0x3FB6]  }
0x2f: {  	lr =	sadd.s32 s0, s3;
	s0 =	sld [smem:$0x3FAD]  }
0x30: {  	s3 =	sld [smem:$0x3FB0]  }
0x31: {  	[smem:$0x3FB9] =	sst s10  }
0x32: {  	s10 =	sld [smem:$0x3FB7];
	_ =	sdelay $0x3  }
0x33: {  	p0 =	seq.s32 s10, $0x1;
	s10 =	sld [smem:$0x3FB9];
	_ =	sdelay $0x3  }
0x34: {  	[smem:$0x3FB9] =	sst s10  }
0x35: {  	s10 =	sld [smem:$0x3FB8];
	_ =	sdelay $0x3  }
0x36: {  	p1 =	seq.s32 s10, $0x1;
	s10 =	sld [smem:$0x3FB9];
	_ =	sdelay $0x3  }
0x37: {  	[smem:$0x3FB9] =	sst s10  }
0x38: {  	s10 =	sld [smem:$0x3FBA]  }
0x39: {  	_ = 	snop;
	(pc) =	sbr.ind lr, $3  }
0x3a: {  	_ = 	snop  }
0x3b: {  	_ = 	snop  }
0x3c: {  	p2 =	seq.s32 s10, $0x1;
	s10 =	sld [smem:$0x3FB9]  }
0x3d: {  	_ =	shalt  }
0x3e: {  	_ =	shalt  }
0x3f: {  	_ =	shalt  }
0x40: {  	_ =	shalt  }
0x41: {  	_ =	shalt  }
0x42: {  	_ =	shalt  }
0x43: {  	_ =	shalt  }
0x44: {  	_ =	shalt  }
0x45: {  	_ =	shalt  }
0x46: {  	_ =	shalt  }
0x47: {  	_ =	shalt  }
0x48: {  	_ =	shalt  }
0x49: {  	_ =	shalt  }
0x4a: {  	_ =	shalt  }
0x4b: {  	_ =	shalt  }
0x4c: {  	_ =	shalt  }
0x4d: {  	_ =	shalt  }
0x4e: {  	_ =	shalt  }
0x4f: {  	_ =	shalt  }
0x50: {  	_ =	shalt  }
0x51: {  	_ =	shalt  }
0x52: {  	_ =	shalt  }
0x53: {  	_ =	shalt  }
0x54: {  	_ =	shalt  }
0x55: {  	_ =	shalt  }
0x56: {  	_ =	shalt  }
0x57: {  	_ =	shalt  }
0x58: {  	_ =	shalt  }
0x59: {  	_ =	shalt  }
0x5a: {  	_ =	shalt  }
0x5b: {  	_ =	shalt  }
0x5c: {  	_ =	shalt  }
0x5d: {  	_ =	shalt  }
0x5e: {  	_ =	shalt  }
0x5f: {  	_ =	shalt  }
0x60: {  	_ =	shalt  }
0x61: {  	_ =	shalt  }
0x62: {  	_ =	shalt  }
0x63: {  	_ =	shalt  }
0x64: {  	_ =	shalt  }
0x65: {  	_ =	shalt  }
0x66: {  	_ =	shalt  }
0x67: {  	_ =	shalt  }
0x68: {  	_ =	shalt  }
0x69: {  	_ =	shalt  }
0x6a: {  	_ =	shalt  }
0x6b: {  	_ =	shalt  }
0x6c: {  	_ =	shalt  }
0x6d: {  	_ =	shalt  }
0x6e: {  	_ =	shalt  }
0x6f: {  	_ =	shalt  }
0x70: {  	_ =	shalt  }
0x71: {  	_ =	shalt  }
0x72: {  	_ =	shalt  }
0x73: {  	_ =	shalt  }
0x74: {  	_ =	shalt  }
0x75: {  	_ =	shalt  }
0x76: {  	_ =	shalt  }
0x77: {  	_ =	shalt  }
0x78: {  	_ =	shalt  }
0x79: {  	_ =	shalt  }
0x7a: {  	_ =	shalt  }
0x7b: {  	_ =	shalt  }
0x7c: {  	_ =	shalt  }
0x7d: {  	_ =	shalt  }
0x7e: {  	_ =	shalt  }
0x7f: {  	_ =	shalt  }
0x80: {  	_ =	shalt  }
0x81: {  	_ =	shalt  }
0x82: {  	_ =	shalt  }
0x83: {  	_ =	shalt  }
0x84: {  	_ =	shalt  }
0x85: {  	_ =	shalt  }
0x86: {  	_ =	shalt  }
0x87: {  	_ =	shalt  }
.Lfunc_end0:
.L_simem_size_0:
called_computation.1_lowered:
.L_overlay_start_0:
0x88: {  	s2 =	sld [smem:$0x3FD9]  }
0x89: {  	s3 =	sld [smem:$0x3FFE];
	_ =	sdelay $0x1  }
0x8a: {  	s1 =	srdreg.scid  }
0x8b: {  	s0 =	sand.u32 $0x1, s1  }
0x8c: {  	s17 =	sshll.u32 s0, $0xA;
	s2 =	sadd.s32 s3, s2  }
0x8d: {  	s2 =	sadd.s32 s2, s17  }
0x8e: {  	[smem:$0x3FC5] =	sst s2  }
0x8f: {  	_ = 	snop  }
0x90: {  	s2 =	sld [smem:$0x3FC8];
	(tm) =	ssettm $0x1  }
0x91: {  	s18 =	sld [smem:$0x3FFB];
	_ =	sdelay $0x3  }
0x92: {  	_ =	strace s18  }
0x93: {  	s3 =	sld [smem:$0x3FFC];
	_ =	sdelay $0x3  }
0x94: {  	_ =	strace s3  }
0x95: {  	s3 =	sld [smem:$0x3FFD];
	_ =	sdelay $0x3  }
0x96: {  	_ =	strace s3  }
0x97: {  	_ =	strace $0x8FFFFFFF  }
0x98: {  	s19 =	sld [smem:$0x3FDB];
	_ =	sdelay $0x1  }
0x99: {  	s4 =	simm.s32 $_scs_section_size  }
0x9a: {  	s5 =	simm.s32 $_size__tile_overlayer_lowered;
	s6 =	simm.s32 $_tile_overlayer_lowered  }
0x9b: {  	s22 =	simm.s32 $0x1BFF;
	s21 =	sshll.u32 s6, $0x1;
	s3 =	sadd.s32 s4, s19  }
0x9c: {  	s7 =	simm.s32 $0x0;
	s20 =	sshll.u32 s5, $0x1;
	s5 =	sadd.s32 s21, s3  }
0x9d: {  	[timem:s7], [sflag:s22] =	dma.local [hbm:s5], s20  }
0x9e: {  	_ =	swait.ge [sflag:s22], s20  }
0x9f: {  	s4 =	ssub.s32 $0x0, s20;
	[sflag:s22] =	ssyncset.done $0x0  }
0xa0: {  	[sflag:s22] =	ssyncadd.s32 s4;
	_ =	sdelay $0x1  }
0xa1: {  	s23 =	simm.s32 $0x1B8B  }
0xa2: {  	_ =	swait.ge [sflag:s23], $0x1  }
0xa3: {  	[sflag:s23] =	ssyncset.done $0x0  }
0xa4: {  	s25 =	simm.s32 $0x1B8E;
	s24 =	sld [smem:$0x3FFE];
	[sflag:s23] =	ssyncadd.s32 $0xFFFFFFFF  }
0xa5: {  	s26 =	simm.s32 $execute0_lowered;
	[smem:$0x3FD2] =	sst s25  }
0xa6: {  	s5 =	sshll.u32 s26, $0x1;
	_ =	strace $0x80000049;
	[dreg:$0x1] =	wrdreg $0xFFFFFFFF  }
0xa7: {  	s28 =	simm.s32 $_size_execute0_lowered;
	s3 =	sadd.s32 s3, s5;
	[dreg:$0x0] =	wrdreg $0x0  }
0xa8: {  	s5 =	sshll.u32 s28, $0x1;
	[dreg:$0x2] =	wrdreg s3  }
0xa9: {  	[dreg:$0x3] =	wrdreg s5  }
0xaa: {  	[dreg:$0x4] =	wrdreg $0xC0  }
0xab: {  	_ =	task [dreg:s7], $0x5FFFF  }
0xac: {  	[dreg:$0x1] =	wrdreg $0xFFFFFFFF  }
0xad: {  	[dreg:$0x0] =	wrdreg $0x60  }
0xae: {  	[dreg:$0x2] =	wrdreg s2  }
0xaf: {  	[dreg:$0x3] =	wrdreg s24  }
0xb0: {  	[dreg:$0x4] =	wrdreg $0x9  }
0xb1: {  	_ =	task.clear_ibuf [dreg:s7], $0x5FFFF;
	_ =	strace $0x90000049  }
0xb2: {  	s29 =	simm.s32 $0x9;
	_ =	strace $0x8000004B  }
0xb3: {  	_ =	swait.ge [sflag:s29], $0x1  }
0xb4: {  	[sflag:s29] =	ssyncadd.s32 $0xFFFFFFFF  }
0xb5: {  	_ =	strace $0x9000004B  }
0xb6: {  	_ =	sfence  }
0xb7: {  	s30 =	sld [smem:$0x0];
	_ =	sdelay $0x2  }
0xb8: {  	s31 =	sshll.u32 s1, $0xD;
	s1 =	sshrl.u32 s1, $0x2  }
0xb9: {  	s3 =	sand.u32 $0x4000, s31;
	s1 =	sadd.s32 s1, s30  }
0xba: {  	s0 =	sor.u32 s3, s0;
	s1 =	sshll.u32 s1, $0x11  }
0xbb: {  	s0 =	sor.u32 s1, s0  }
0xbc: {  	s0 =	sadd.s32 $0x8F2B, s0  }
0xbd: {  	[sflag:s0] =	ssyncadd.remote.s32 $0x1  }
0xbe: {  	_ =	sfence.sel $0xFFFF  }
0xbf: {  	[dreg:$0x0] =	wrdreg $0xFFFFFFFF;
	(pc) =	sbr.abs _section_cstart, $3  }
0xc0: {  	[dreg:$0x1] =	wrdreg $0xFFFFFFFF  }
0xc1: {  	_ =	task.clear_ibuf [dreg:s7], $0x2FFFF;
	_ =	strace $0x9FFFFFFF  }
0xc2: {  	(tm) =	ssettm $0x7FFFFFFF  }
0xc3: {  	_ =	shalt  }
tec
execute0_lowered:
.L_overlay_start_1:
0x0: {  	(tag) =	ssettag $0x1  }
0x1: {  	s2 =	rddreg [dreg:$0x0]  }
0x2: {  	s4 =	rddreg [dreg:$0x1];
	s3 =	srdreg.scid  }
0x3: {  	s0 =	rddreg [dreg:$0x2];
	s1 =	stileid.u32  }
0x4: {  	s9 =	simm.s32 $0x80;
	s10 =	simm.s32 $0x880;
	s11 =	simm.s32 $0x1080  }
0x5: {  	s12 =	simm.s32 $0x1880;
	s13 =	simm.s32 $0x2080;
	s14 =	simm.s32 $0x2880  }
0x6: {  	s15 =	simm.s32 $0x3080;
	s16 =	simm.s32 $0x3880;
	s17 =	simm.s32 $0x4080  }
0x7: {  	s18 =	simm.s32 $0x4880;
	s19 =	simm.s32 $0x5080;
	s20 =	simm.s32 $0x5880  }
0x8: {  	s21 =	simm.s32 $0x6080;
	s22 =	simm.s32 $0x6880;
	s23 =	simm.s32 $0x7080  }
0x9: {  	s24 =	simm.s32 $0x7880;
	s25 =	simm.s32 $0x1;
	s5 =	sand.u32 $0x1, s3  }
0xa: {  	s3 =	simm.s32 $0x0;
	s6 =	sshll.u32 s1, $0x7;
	s7 =	sshll.u32 s5, $0x6  }
0xb: {  	[smem:$0x7FF] =	sst s3;
	s5 =	ssub.s32 $0x2, s5;
	s6 =	sor.u32 s7, s6  }
0xc: {  	_ =	strace $0x8000004A;
	s8 =	sshrl.u32 s5, $0x1;
	s7 =	sshrl.u32 s6, $0x3  }
0xd: {  	v2 =	vlaneseq.u32;
	s6 =	sshll.u32 s6, $0x6;
	s8 =	ssub.s32 s5, s8;
	s7 =	sadd.s32 s7, s4  }
0xe: {  	vm0 =	vmmov $0xffff;
	v1 =	vshrl.u32 v2, $0x3;
	s5 =	sadd.s32 $0x100, s2;
	s6 =	sadd.s32 s6, s4;
	s4 =	sadd.s32 $0x1200, s7  }
0xf: {  	v0 =	vand.u32 $0x7, v2;
	v2 =	vor.u32 $0x8, v2;
	v1 =	vmul.u32 $0x8, v1;
	s6 =	sadd.s32 $0x1400, s6;
	s7 =	smax.u32 s8, $0x1;
	s8 =	simm.s32 $0x2  }
.LBB2_1:
0x10: {  	[tilespmem:s3], [sflag:$0x2] =	stream.linear.gather [hbm4b:s4+s3], $0x40, $0x38;
	[tilespmem:$0x8080] =	vst v63  }
0x11: {  	_ =	swait.ge [sflag:s8], $0x40  }
0x12: {  	[sflag:s8] =	ssyncset.done $0x0  }
0x13: {  	[sflag:s8] =	ssyncadd.s32 $0xFFFFFFC0  }
0x14: {  	v3 =	vld [tilespmem:$0x0];
	_ =	sdelay $0x4  }
0x15: {  	v4 =	vshll.u32 v3, $0x2  }
0x16: {  	v3 =	vand.u32 $0x7, v3;
	v4 =	vand.u32 $0xFFFFFFE0, v4  }
0x17: {  	v3 =	vor.u32 v3, v4  }
0x18: {  	v4 =	vperm.xlane v3, v0;
	_ =	sdelay $0x1  }
0x19: {  	v4 =	vadd.s32 v1, v4;
	_ =	sdelay $0x1  }
0x1a: {  	v3 =	vperm.xlane v3, v2;
	_ =	sdelay $0x1  }
0x1b: {  	v3 =	vadd.s32 v1, v3  }
0x1c: {  	[tilespmem:s9], [sflag:$0x1] =	stream.indirect_vreg.gather [hbm4b:s2+s3], $0x80, v4, vm0, $0xb8;
	[tilespmem:$0x8080] =	vst v63  }
0x1d: {  	_ = 	snop  }
0x1e: {  	[tilespmem:s10], [sflag:$0x1] =	stream.indirect_vreg.gather [hbm4b:s5+s3], $0x80, v4, vm0, $0xb8;
	[tilespmem:$0x8080] =	vst v63  }
0x1f: {  	_ = 	snop  }
0x20: {  	[tilespmem:s11], [sflag:$0x1] =	stream.indirect_vreg.gather [hbm4b:s2+s3], $0x80, v3, vm0, $0xb8;
	[tilespmem:$0x8080] =	vst v63  }
0x21: {  	_ = 	snop  }
0x22: {  	[tilespmem:s12], [sflag:$0x1] =	stream.indirect_vreg.gather [hbm4b:s5+s3], $0x80, v3, vm0, $0xb8;
	[tilespmem:$0x8080] =	vst v63  }
0x23: {  	v3 =	vld [tilespmem:$0x10];
	_ =	sdelay $0x4  }
0x24: {  	v61 =	vshll.u32 v3, $0x2  }
0x25: {  	v3 =	vand.u32 $0x7, v3;
	v4 =	vand.u32 $0xFFFFFFE0, v61  }
0x26: {  	v3 =	vor.u32 v3, v4  }
0x27: {  	v4 =	vperm.xlane v3, v0;
	_ =	sdelay $0x1  }
0x28: {  	v4 =	vadd.s32 v1, v4;
	_ =	sdelay $0x1  }
0x29: {  	v3 =	vperm.xlane v3, v2;
	_ =	sdelay $0x1  }
0x2a: {  	v3 =	vadd.s32 v1, v3  }
0x2b: {  	[tilespmem:s13], [sflag:$0x1] =	stream.indirect_vreg.gather [hbm4b:s2+s3], $0x80, v4, vm0, $0xb8;
	[tilespmem:$0x8080] =	vst v63  }
0x2c: {  	_ = 	snop  }
0x2d: {  	[tilespmem:s14], [sflag:$0x1] =	stream.indirect_vreg.gather [hbm4b:s5+s3], $0x80, v4, vm0, $0xb8;
	[tilespmem:$0x8080] =	vst v63  }
0x2e: {  	_ = 	snop  }
0x2f: {  	[tilespmem:s15], [sflag:$0x1] =	stream.indirect_vreg.gather [hbm4b:s2+s3], $0x80, v3, vm0, $0xb8;
	[tilespmem:$0x8080] =	vst v63  }
0x30: {  	_ = 	snop  }
0x31: {  	[tilespmem:s16], [sflag:$0x1] =	stream.indirect_vreg.gather [hbm4b:s5+s3], $0x80, v3, vm0, $0xb8;
	[tilespmem:$0x8080] =	vst v63  }
0x32: {  	v3 =	vld [tilespmem:$0x20];
	_ =	sdelay $0x4  }
0x33: {  	v62 =	vshll.u32 v3, $0x2  }
0x34: {  	v3 =	vand.u32 $0x7, v3;
	v4 =	vand.u32 $0xFFFFFFE0, v62  }
0x35: {  	v3 =	vor.u32 v3, v4  }
0x36: {  	v4 =	vperm.xlane v3, v0;
	_ =	sdelay $0x1  }
0x37: {  	v4 =	vadd.s32 v1, v4;
	_ =	sdelay $0x1  }
0x38: {  	v3 =	vperm.xlane v3, v2;
	_ =	sdelay $0x1  }
0x39: {  	v3 =	vadd.s32 v1, v3  }
0x3a: {  	[tilespmem:s17], [sflag:$0x1] =	stream.indirect_vreg.gather [hbm4b:s2+s3], $0x80, v4, vm0, $0xb8;
	[tilespmem:$0x8080] =	vst v63  }
0x3b: {  	_ = 	snop  }
0x3c: {  	[tilespmem:s18], [sflag:$0x1] =	stream.indirect_vreg.gather [hbm4b:s5+s3], $0x80, v4, vm0, $0xb8;
	[tilespmem:$0x8080] =	vst v63  }
0x3d: {  	_ = 	snop  }
0x3e: {  	[tilespmem:s19], [sflag:$0x1] =	stream.indirect_vreg.gather [hbm4b:s2+s3], $0x80, v3, vm0, $0xb8;
	[tilespmem:$0x8080] =	vst v63  }
0x3f: {  	_ = 	snop  }
0x40: {  	[tilespmem:s20], [sflag:$0x1] =	stream.indirect_vreg.gather [hbm4b:s5+s3], $0x80, v3, vm0, $0xb8;
	[tilespmem:$0x8080] =	vst v63  }
0x41: {  	v3 =	vld [tilespmem:$0x30];
	_ =	sdelay $0x4  }
0x42: {  	v63 =	vshll.u32 v3, $0x2  }
0x43: {  	v3 =	vand.u32 $0x7, v3;
	v4 =	vand.u32 $0xFFFFFFE0, v63  }
0x44: {  	v3 =	vor.u32 v3, v4  }
0x45: {  	v4 =	vperm.xlane v3, v0;
	_ =	sdelay $0x1  }
0x46: {  	v4 =	vadd.s32 v1, v4;
	_ =	sdelay $0x1  }
0x47: {  	v3 =	vperm.xlane v3, v2;
	_ =	sdelay $0x1  }
0x48: {  	v3 =	vadd.s32 v1, v3  }
0x49: {  	[tilespmem:s21], [sflag:$0x1] =	stream.indirect_vreg.gather [hbm4b:s2+s3], $0x80, v4, vm0, $0xb8;
	[tilespmem:$0x8080] =	vst v63  }
0x4a: {  	_ = 	snop  }
0x4b: {  	[tilespmem:s22], [sflag:$0x1] =	stream.indirect_vreg.gather [hbm4b:s5+s3], $0x80, v4, vm0, $0xb8;
	[tilespmem:$0x8080] =	vst v63  }
0x4c: {  	_ = 	snop  }
0x4d: {  	[tilespmem:s23], [sflag:$0x1] =	stream.indirect_vreg.gather [hbm4b:s2+s3], $0x80, v3, vm0, $0xb8;
	[tilespmem:$0x8080] =	vst v63  }
0x4e: {  	_ = 	snop  }
0x4f: {  	[tilespmem:s24], [sflag:$0x1] =	stream.indirect_vreg.gather [hbm4b:s5+s3], $0x80, v3, vm0, $0xb8;
	[tilespmem:$0x8080] =	vst v63  }
0x50: {  	_ =	swait.ge [sflag:s25], $0x8000  }
0x51: {  	p0 =	sne.s32 s7, $0x1;
	[sflag:s25] =	ssyncset.done $0x0  }
.Ltmp0:
0x52: {  	[sflag:s25] =	ssyncadd.s32 $0xFFFF8000;
	(pc) =	sbr.rel @p0 .LBB2_1-.Ltmp0, $4  }
0x53: {  	[hbm4b:s6+s3] =	stream.linear.scatter [tilespmem:s9], [sflag:$0x2], $0x8000, $0x38;
	[tilespmem:$0x8080] =	vst v63  }
0x54: {  	_ =	swait.ge [sflag:s8], $0x8000  }
0x55: {  	[sflag:s8] =	ssyncset.done $0x0  }
0x56: {  	s7 =	sadd.s32 $0xFFFFFFFF, s7;
	[sflag:s8] =	ssyncadd.s32 $0xFFFF8000  }
0x57: {  	_ =	sfence.sel $0x180000  }
0x58: {  	[bflag:$0x0] =	sbarrier.arrive $0xFFFF  }
0x59: {  	p0 =	sne.s32 s1, $0x0;
	_ =	strace $0x9000004A  }
0x5a: {  	s0 =	sadd.s32 @!p0 $0x100000, s0;
	[bflag:$0x2] =	sbarrier.arrive $0xFFFF  }
0x5b: {  	[sflag:s0] =	ssyncadd.tile.s32 @!p0 $0x1;
	_ =	shalt  }
.Lfunc_end2:
_tile_overlayer_lowered:
.L_overlay_start_2:
0x5c: {  	(tag) =	ssettag $0x2  }
0x5d: {  	s0 =	rddreg [dreg:$0x0];
	s2 =	stileid.u32  }
0x5e: {  	s1 =	rddreg [dreg:$0x1];
	p0 =	sne.s32 s2, $0x0  }
0x5f: {  	s3 =	rddreg [dreg:$0x2];
	[bflag:$0x3] =	sbarrier.arrive $0xFFFF;
	s2 =	simm.s32 @!p0 $0x1C02  }
0x60: {  	[timem:s3], [sflag:s2] =	dma.local @!p0 [hbm:s0], s1  }
0x61: {  	s0 =	simm.s32 @!p0 $0x2  }
0x62: {  	_ =	swait.ge @!p0 [sflag:s0], s1  }
0x63: {  	s1 =	ssub.s32 @!p0 $0x0, s1;
	[sflag:s0] =	ssyncset.done @!p0 $0x0  }
0x64: {  	[sflag:s0] =	ssyncadd.s32 @!p0 s1  }
0x65: {  	[bflag:$0x3] =	sbarrier.arrive $0xFFFF  }
0x66: {  	_ =	shalt  }

</sc_bundles>
